<compile_context>
chip_gen: v7x
topology: tpu7x:2x2x1
jax: 0.10.2.dev20260603
libtpu: 0.0.44.dev20260713+nightly
codegen_flags: <defaults>
</compile_context>

<pallas_src>
import functools
import numpy as np
import jax
import jax.numpy as jnp
from jax import lax
from jax.experimental import pallas as pl
from jax.experimental.pallas import tpu as pltpu
from jax.experimental.pallas import tpu_sc as plsc

_N_PEGS = 32
_N_POS = _N_PEGS + 1
_N_ACT = _N_POS * 4

_N_ENVS = 65536
_NW = 32
_E_PER_W = _N_ENVS // _NW
_C = 256
_NCHUNK = _E_PER_W // _C
_NGROUP = _C // 16


def _build_tables():
    cells = [(i, j) for i in range(7) for j in range(7) if (2 <= i <= 4) or (2 <= j <= 4)]
    center = (3, 3)
    grid = [center] + [c for c in cells if c != center]
    moves = np.array([(-1, 0), (1, 0), (0, -1), (0, 1)], dtype=np.int64)
    grid_arr = np.array(grid, dtype=np.int64)
    pos_to_idx = {tuple(p): k for k, p in enumerate(grid)}
    action_pos_ids = np.repeat(np.arange(_N_POS), 4)
    action_move_ids = np.tile(np.arange(4), _N_POS)
    action_moves = moves[action_move_ids]
    action_positions = grid_arr[action_pos_ids]
    mid_pos = action_positions + action_moves
    tgt_pos = action_positions + 2 * action_moves
    mid_idx = np.zeros(_N_ACT, dtype=np.int64)
    tgt_idx = np.zeros(_N_ACT, dtype=np.int64)
    oob = np.zeros(_N_ACT, dtype=bool)
    for a in range(_N_ACT):
        m = tuple(mid_pos[a]); t = tuple(tgt_pos[a])
        if (m in pos_to_idx) and (t in pos_to_idx):
            mid_idx[a] = pos_to_idx[m]; tgt_idx[a] = pos_to_idx[t]
        else:
            oob[a] = True
            mid_idx[a] = pos_to_idx.get(m, 0)
            tgt_idx[a] = pos_to_idx.get(t, 0)
    return action_pos_ids, mid_idx, tgt_idx, oob, pos_to_idx


_APOS_PY, _AMID_PY, _ATGT_PY, _OOB_PY, _POS_TO_IDX = _build_tables()
_AMID_PAD = np.pad(_AMID_PY, (0, 12)).astype(np.int32)
_ATGT_PAD = np.pad(_ATGT_PY, (0, 12)).astype(np.int32)


def _tree_or(xs):
    while len(xs) > 1:
        xs = [a | b for a, b in zip(xs[::2], xs[1::2])] + ([xs[-1]] if len(xs) % 2 else [])
    return xs[0]


def _sc_body(pegs_hbm, act_hbm, npegs_hbm, done_hbm, trew_hbm,
             amid_hbm, atgt_hbm,
             states_hbm, rew_hbm, ndone_hbm, npo_hbm, trewo_hbm,
             bufs_a, bufs_b, amid_v, atgt_v,
             sin_a, sin_b, sout_a, sout_b):
    c = lax.axis_index("c")
    s = lax.axis_index("s")
    wid = s * 2 + c
    base_w = wid * _E_PER_W

    pltpu.sync_copy(amid_hbm, amid_v)
    pltpu.sync_copy(atgt_hbm, atgt_v)

    in_hbm = (pegs_hbm, act_hbm, npegs_hbm, done_hbm, trew_hbm)
    out_hbm = (states_hbm, rew_hbm, ndone_hbm, npo_hbm, trewo_hbm)

    def in_pairs(bufs, base):
        (pegs_v, act_v, np_v, done_v, trew_v, *_rest) = bufs
        pairs = [(pegs_hbm.at[pl.ds(base * _N_POS, _C * _N_POS)], pegs_v)]
        pairs += [(h.at[pl.ds(base, _C)], v)
                  for h, v in zip(in_hbm[1:], (act_v, np_v, done_v, trew_v))]
        return pairs

    def out_pairs(bufs, base):
        (*_ins, states_v, rew_v, ndone_v, npo_v, trewo_v) = bufs
        pairs = [(states_v, states_hbm.at[pl.ds(base * 147, _C * 147)])]
        pairs += [(v, h.at[pl.ds(base, _C)])
                  for h, v in zip(out_hbm[1:], (rew_v, ndone_v, npo_v, trewo_v))]
        return pairs

    def start(pairs, sem):
        for src, dst in pairs:
            pltpu.async_copy(src, dst, sem)

    def wait(pairs, sem):
        for src, dst in pairs:
            pltpu.make_async_copy(src, dst, sem).wait()

    def compute(bufs, _base):
        (pegs_v, act_v, np_v, done_v, trew_v,
         states_v, rew_v, ndone_v, npo_v, trewo_v) = bufs

        @plsc.parallel_loop(0, _NGROUP)
        def group_body(g):
            e0 = g * 16
            rows = e0 + lax.iota(jnp.int32, 16)
            a = act_v[pl.ds(e0, 16)]
            pos = lax.shift_right_logical(a, 2)
            mid = plsc.load_gather(amid_v, [a])
            tgt = plsc.load_gather(atgt_v, [a])
            zeros = jnp.zeros((16,), jnp.float32)
            ones = jnp.ones((16,), jnp.float32)
            rows33 = rows * _N_POS
            plsc.store_scatter(pegs_v, [rows33 + pos], zeros)
            plsc.store_scatter(pegs_v, [rows33 + mid], zeros)
            plsc.store_scatter(pegs_v, [rows33 + tgt], ones)

            v = [plsc.load_gather(pegs_v, [rows33 + p]) for p in range(_N_POS)]

            ne0 = [None] * _N_POS
            gt0 = [None] * _N_POS
            ez = [None] * _N_POS
            terms = []
            for ai in range(_N_ACT):
                if _OOB_PY[ai]:
                    continue
                pa = int(_APOS_PY[ai]); ma = int(_AMID_PY[ai]); ta = int(_ATGT_PY[ai])
                if ne0[pa] is None:
                    ne0[pa] = v[pa] != 0.0
                if gt0[ma] is None:
                    gt0[ma] = v[ma] > 0.0
                if ez[ta] is None:
                    ez[ta] = v[ta] == 0.0
                terms.append(ne0[pa] & gt0[ma] & ez[ta])
            feas = _tree_or(terms)

            done_g = done_v[pl.ds(e0, 16)]
            feas = feas & (done_g == 0)
            n_new = np_v[pl.ds(e0, 16)] - 1
            done_win = n_new == 1
            rew = jnp.where(done_win,
                            jnp.full((16,), 1.0, jnp.float32),
                            jnp.full((16,), 1.0 / (_N_PEGS - 1), jnp.float32))
            new_done = (done_win | (~feas)).astype(jnp.int32)
            nf = n_new.astype(jnp.float32)
            r1 = (nf - 1.0) * (1.0 / (_N_PEGS - 1))
            r2 = (_N_PEGS - nf) * (1.0 / (_N_PEGS - 1))

            rew_v[pl.ds(e0, 16)] = rew
            ndone_v[pl.ds(e0, 16)] = new_done
            npo_v[pl.ds(e0, 16)] = n_new
            trewo_v[pl.ds(e0, 16)] = trew_v[pl.ds(e0, 16)] + rew

            rows147 = rows * 147
            for i in range(7):
                for j in range(7):
                    bc = (i * 7 + j) * 3
                    ch0 = (v[_POS_TO_IDX[(i, j)]] if (i, j) in _POS_TO_IDX
                           else zeros)
                    plsc.store_scatter(states_v, [rows147 + bc], ch0)
                    plsc.store_scatter(states_v, [rows147 + (bc + 1)], r1)
                    plsc.store_scatter(states_v, [rows147 + (bc + 2)], r2)

    def chunk_body(ci, carry):
        base = base_w + ci * _C
        start(in_pairs(bufs_a, base), sin_a)
        wait(in_pairs(bufs_a, base), sin_a)
        compute(bufs_a, base)
        start(out_pairs(bufs_a, base), sout_a)
        wait(out_pairs(bufs_a, base), sout_a)
        return carry

    lax.fori_loop(0, _NCHUNK, chunk_body, 0)


def _buf_types():
    return (
        pltpu.VMEM((_C * _N_POS,), jnp.float32),
        pltpu.VMEM((_C,), jnp.int32),
        pltpu.VMEM((_C,), jnp.int32),
        pltpu.VMEM((_C,), jnp.int32),
        pltpu.VMEM((_C,), jnp.float32),
        pltpu.VMEM((_C * 147,), jnp.float32),
        pltpu.VMEM((_C,), jnp.float32),
        pltpu.VMEM((_C,), jnp.int32),
        pltpu.VMEM((_C,), jnp.int32),
        pltpu.VMEM((_C,), jnp.float32),
    )


_sc_call = pl.kernel(
    _sc_body,
    out_type=(
        jax.ShapeDtypeStruct((_N_ENVS * 147,), jnp.float32),
        jax.ShapeDtypeStruct((_N_ENVS,), jnp.float32),
        jax.ShapeDtypeStruct((_N_ENVS,), jnp.int32),
        jax.ShapeDtypeStruct((_N_ENVS,), jnp.int32),
        jax.ShapeDtypeStruct((_N_ENVS,), jnp.float32),
    ),
    mesh=plsc.VectorSubcoreMesh(core_axis_name="c", subcore_axis_name="s"),
    compiler_params=pltpu.CompilerParams(needs_layout_passes=False),
    scratch_types=(
        _buf_types(),
        _buf_types(),
        pltpu.VMEM((144,), jnp.int32),
        pltpu.VMEM((144,), jnp.int32),
        pltpu.SemaphoreType.DMA,
        pltpu.SemaphoreType.DMA,
        pltpu.SemaphoreType.DMA,
        pltpu.SemaphoreType.DMA,
    ),
)


@jax.jit
def kernel(pegs, total_reward, n_pegs, done, actions):
    states_flat, rew, ndone, npo, trew_o = _sc_call(
        pegs.reshape(-1), actions, n_pegs, done.astype(jnp.int32), total_reward,
        jnp.asarray(_AMID_PAD), jnp.asarray(_ATGT_PAD))
    states = states_flat.reshape(pegs.shape[0], 7, 7, 3)
    return (rew, states, ndone.astype(jnp.bool_), npo, trew_o)

# --- scband reference (transcript-rebuilt; emitter-appended) ---
"""Pipeline reference for scband-batched-gpuenv-30219389895106 (READ-ONLY COPY).

The authoritative reference and input builder live on the scoring server;
editing this copy changes nothing except your own understanding.
"""

import jax, jax.numpy as jnp
import numpy as np

N_PEGS = 32
N_POS = N_PEGS + 1
N_ACTIONS = N_POS * 4


def _build_board():
    cells = [(i, j) for i in range(7) for j in range(7) if (2 <= i <= 4) or (2 <= j <= 4)]
    center = (3, 3)
    grid = [center] + [c for c in cells if c != center]
    moves = np.array([(-1, 0), (1, 0), (0, -1), (0, 1)], dtype=np.int64)
    grid_arr = np.array(grid, dtype=np.int64)
    pos_to_idx = {tuple(p): k for k, p in enumerate(grid)}
    action_pos_ids = np.repeat(np.arange(N_POS), 4)
    action_move_ids = np.tile(np.arange(4), N_POS)
    action_moves = moves[action_move_ids]
    action_positions = grid_arr[action_pos_ids]
    mid_pos = action_positions + action_moves
    tgt_pos = action_positions + 2 * action_moves
    mid_idx = np.zeros(N_ACTIONS, dtype=np.int64)
    tgt_idx = np.zeros(N_ACTIONS, dtype=np.int64)
    oob = np.zeros(N_ACTIONS, dtype=bool)
    for a in range(N_ACTIONS):
        m = tuple(mid_pos[a]); t = tuple(tgt_pos[a])
        if (m in pos_to_idx) and (t in pos_to_idx):
            mid_idx[a] = pos_to_idx[m]; tgt_idx[a] = pos_to_idx[t]
        else:
            oob[a] = True
            mid_idx[a] = pos_to_idx.get(m, 0)
            tgt_idx[a] = pos_to_idx.get(t, 0)
    return action_pos_ids, mid_idx, tgt_idx, oob, grid_arr[:, 0], grid_arr[:, 1]


_APOS, _AMID, _ATGT, _OOB, _IIDX, _JIDX = _build_board()
APOS_J = jnp.asarray(_APOS)
AMID_J = jnp.asarray(_AMID)
ATGT_J = jnp.asarray(_ATGT)
OOB_J = jnp.asarray(_OOB)
IIDX_J = jnp.asarray(_IIDX)
JIDX_J = jnp.asarray(_JIDX)


def setup_inputs(seed: int = 0) -> dict:
    key = jax.random.key(seed)
    n_envs = 65536
    pegs = jnp.ones((n_envs, N_POS), dtype=jnp.float32).at[:, 0].set(0.0)
    n_pegs = jnp.full((n_envs,), N_PEGS, dtype=jnp.int32)
    done = jnp.zeros((n_envs,), dtype=bool)
    total_reward = jnp.zeros((n_envs,), dtype=jnp.float32)
    actions = jax.random.randint(key, (n_envs,), 0, N_ACTIONS, dtype=jnp.int32)
    return {"pegs": pegs, "total_reward": total_reward, "n_pegs": n_pegs, "done": done, "actions": actions}


def _compute_state(pegs, n_pegs):
    n = pegs.shape[0]
    states = jnp.zeros((n, 7, 7, 3), dtype=jnp.float32)
    states = states.at[:, IIDX_J, JIDX_J, 0].set(pegs)
    peg_ratio = (n_pegs.astype(jnp.float32) - 1.0) / (N_PEGS - 1)
    states = states.at[:, :, :, 1].set(jnp.broadcast_to(peg_ratio[:, None, None], (n, 7, 7)))
    removed_ratio = (N_PEGS - n_pegs.astype(jnp.float32)) / (N_PEGS - 1)
    states = states.at[:, :, :, 2].set(jnp.broadcast_to(removed_ratio[:, None, None], (n, 7, 7)))
    return states


def _feasible(pegs, done):
    n = pegs.shape[0]
    mask = ~jnp.broadcast_to(OOB_J[None, :], (n, N_ACTIONS))
    no_peg = pegs == 0
    mask = mask & ~no_peg[:, APOS_J]
    mid_has_peg = pegs[:, AMID_J]
    target_empty = pegs[:, ATGT_J] == 0
    mask = mask & ((mid_has_peg > 0) & target_empty)
    mask = jnp.where(done[:, None], False, mask)
    return mask


def reference(pegs, total_reward, n_pegs, done, actions):
    n = pegs.shape[0]
    pos_ids = APOS_J[actions]
    mid_indices = AMID_J[actions]
    target_indices = ATGT_J[actions]
    env_indices = jnp.arange(n)
    pegs = pegs.at[env_indices, pos_ids].set(0.0)
    pegs = pegs.at[env_indices, mid_indices].set(0.0)
    pegs = pegs.at[env_indices, target_indices].set(1.0)
    n_pegs = n_pegs - 1
    rewards = jnp.where(n_pegs == 1, jnp.ones((n,), jnp.float32), jnp.full((n,), 1.0 / (N_PEGS - 1), jnp.float32))
    done_win = n_pegs == 1
    feasible = _feasible(pegs, done)
    has_feasible = feasible.any(axis=1)
    new_done = done_win | (~has_feasible)
    total_reward = total_reward + rewards
    states = _compute_state(pegs, n_pegs)
    return (rewards, states, new_done, n_pegs, total_reward)

if __name__ == "__main__":
    import jax
    _d = setup_inputs()
    print(jax.jit(kernel)(*tuple(_d.values())))

</pallas_src>

<mosaic_0001>
#map = affine_map<(d0, d1) -> (0)>
module attributes {stable_mosaic.version = 14 : i64} {
  func.func @_sc_body(%arg0: i32, %arg1: i32, %arg2: memref<2162688xf32, #tpu.memory_space<hbm>>, %arg3: memref<65536xi32, #tpu.memory_space<hbm>>, %arg4: memref<65536xi32, #tpu.memory_space<hbm>>, %arg5: memref<65536xi32, #tpu.memory_space<hbm>>, %arg6: memref<65536xf32, #tpu.memory_space<hbm>>, %arg7: memref<144xi32, #tpu.memory_space<hbm>>, %arg8: memref<144xi32, #tpu.memory_space<hbm>>, %arg9: memref<9633792xf32, #tpu.memory_space<hbm>>, %arg10: memref<65536xf32, #tpu.memory_space<hbm>>, %arg11: memref<65536xi32, #tpu.memory_space<hbm>>, %arg12: memref<65536xi32, #tpu.memory_space<hbm>>, %arg13: memref<65536xf32, #tpu.memory_space<hbm>>, %arg14: memref<8448xf32, #tpu.memory_space<vmem>>, %arg15: memref<256xi32, #tpu.memory_space<vmem>>, %arg16: memref<256xi32, #tpu.memory_space<vmem>>, %arg17: memref<256xi32, #tpu.memory_space<vmem>>, %arg18: memref<256xf32, #tpu.memory_space<vmem>>, %arg19: memref<37632xf32, #tpu.memory_space<vmem>>, %arg20: memref<256xf32, #tpu.memory_space<vmem>>, %arg21: memref<256xi32, #tpu.memory_space<vmem>>, %arg22: memref<256xi32, #tpu.memory_space<vmem>>, %arg23: memref<256xf32, #tpu.memory_space<vmem>>, %arg24: memref<8448xf32, #tpu.memory_space<vmem>>, %arg25: memref<256xi32, #tpu.memory_space<vmem>>, %arg26: memref<256xi32, #tpu.memory_space<vmem>>, %arg27: memref<256xi32, #tpu.memory_space<vmem>>, %arg28: memref<256xf32, #tpu.memory_space<vmem>>, %arg29: memref<37632xf32, #tpu.memory_space<vmem>>, %arg30: memref<256xf32, #tpu.memory_space<vmem>>, %arg31: memref<256xi32, #tpu.memory_space<vmem>>, %arg32: memref<256xi32, #tpu.memory_space<vmem>>, %arg33: memref<256xf32, #tpu.memory_space<vmem>>, %arg34: memref<144xi32, #tpu.memory_space<vmem>>, %arg35: memref<144xi32, #tpu.memory_space<vmem>>, %arg36: memref<!tpu.dma_semaphore, #tpu.memory_space<semaphore_mem>>, %arg37: memref<!tpu.dma_semaphore, #tpu.memory_space<semaphore_mem>>, %arg38: memref<!tpu.dma_semaphore, #tpu.memory_space<semaphore_mem>>, %arg39: memref<!tpu.dma_semaphore, #tpu.memory_space<semaphore_mem>>) attributes {dimension_semantics = [#tpu.dimension_semantics<core_parallel>, #tpu.dimension_semantics<subcore_parallel>], iteration_bounds = array<i64: 2, 16>, scalar_prefetch = 0 : i64, scratch_operands = 26 : i64, tpu.core_type = #tpu.core_type<sc_vector_subcore>, window_params = [{transform_indices = #map}, {transform_indices = #map}, {transform_indices = #map}, {transform_indices = #map}, {transform_indices = #map}, {transform_indices = #map}, {transform_indices = #map}, {transform_indices = #map}, {transform_indices = #map}, {transform_indices = #map}, {transform_indices = #map}, {transform_indices = #map}]} {
    %mul3A = arith.constant 2 : i32
    %mul3A_0 = arith.muli %arg1, %mul3A : i32
    %add3A = arith.addi %mul3A_0, %arg0 : i32
    %mul3A_1 = arith.constant 2048 : i32
    %mul3A_2 = arith.muli %add3A, %mul3A_1 : i32
    "tpu.region"() ({
      %run_scoped3A = tpu.sem_alloc : memref<!tpu.dma_semaphore, #tpu.memory_space<semaphore_mem>>
      tpu.enqueue_dma source(%arg7 : memref<144xi32, #tpu.memory_space<hbm>>) target(%arg34 : memref<144xi32, #tpu.memory_space<vmem>>) target_semaphore(%run_scoped3A : memref<!tpu.dma_semaphore, #tpu.memory_space<semaphore_mem>>)
      tpu.wait_dma2 semaphore(%run_scoped3A : memref<!tpu.dma_semaphore, #tpu.memory_space<semaphore_mem>>) src(%arg7 : memref<144xi32, #tpu.memory_space<hbm>>) dst(%arg34 : memref<144xi32, #tpu.memory_space<vmem>>)
      tpu.yield
    }) : () -> ()
    "tpu.region"() ({
      %run_scoped3A = tpu.sem_alloc : memref<!tpu.dma_semaphore, #tpu.memory_space<semaphore_mem>>
      tpu.enqueue_dma source(%arg8 : memref<144xi32, #tpu.memory_space<hbm>>) target(%arg35 : memref<144xi32, #tpu.memory_space<vmem>>) target_semaphore(%run_scoped3A : memref<!tpu.dma_semaphore, #tpu.memory_space<semaphore_mem>>)
      tpu.wait_dma2 semaphore(%run_scoped3A : memref<!tpu.dma_semaphore, #tpu.memory_space<semaphore_mem>>) src(%arg8 : memref<144xi32, #tpu.memory_space<hbm>>) dst(%arg35 : memref<144xi32, #tpu.memory_space<vmem>>)
      tpu.yield
    }) : () -> ()
    %scan3A = arith.constant 0 : i32
    %scan3A_3 = arith.constant 0 : i32
    %scan3A_4 = arith.constant 8 : i32
    %scan3A_5 = arith.addi %scan3A_3, %scan3A_4 : i32
    %scan3A_6 = arith.constant 1 : i32
    scf.for %scan3A_8 = %scan3A_3 to %scan3A_5 step %scan3A_6  : i32 {
      %mul3A_9 = arith.constant 256 : i32
      %mul3A_10 = arith.muli %scan3A_8, %mul3A_9 : i32
      %add3A_11 = arith.addi %mul3A_2, %mul3A_10 : i32
      %mul3A_12 = arith.constant 33 : i32
      %mul3A_13 = arith.muli %add3A_11, %mul3A_12 : i32
      %dma_start3A = tpu.memref_slice %arg2[%mul3A_13] : memref<2162688xf32, #tpu.memory_space<hbm>> -> memref<8448xf32, #tpu.memory_space<hbm>>
      %dma_start3A_14 = tpu.memref_slice %arg2[%mul3A_13] : memref<2162688xf32, #tpu.memory_space<hbm>> -> memref<8448xf32, #tpu.memory_space<hbm>>
      tpu.enqueue_dma source(%dma_start3A_14 : memref<8448xf32, #tpu.memory_space<hbm>>) target(%arg14 : memref<8448xf32, #tpu.memory_space<vmem>>) target_semaphore(%arg36 : memref<!tpu.dma_semaphore, #tpu.memory_space<semaphore_mem>>)
      %dma_start3A_15 = tpu.memref_slice %arg3[%add3A_11] : memref<65536xi32, #tpu.memory_space<hbm>> -> memref<256xi32, #tpu.memory_space<hbm>>
      %dma_start3A_16 = tpu.memref_slice %arg3[%add3A_11] : memref<65536xi32, #tpu.memory_space<hbm>> -> memref<256xi32, #tpu.memory_space<hbm>>
      tpu.enqueue_dma source(%dma_start3A_16 : memref<256xi32, #tpu.memory_space<hbm>>) target(%arg15 : memref<256xi32, #tpu.memory_space<vmem>>) target_semaphore(%arg36 : memref<!tpu.dma_semaphore, #tpu.memory_space<semaphore_mem>>)
      %dma_start3A_17 = tpu.memref_slice %arg4[%add3A_11] : memref<65536xi32, #tpu.memory_space<hbm>> -> memref<256xi32, #tpu.memory_space<hbm>>
      %dma_start3A_18 = tpu.memref_slice %arg4[%add3A_11] : memref<65536xi32, #tpu.memory_space<hbm>> -> memref<256xi32, #tpu.memory_space<hbm>>
      tpu.enqueue_dma source(%dma_start3A_18 : memref<256xi32, #tpu.memory_space<hbm>>) target(%arg16 : memref<256xi32, #tpu.memory_space<vmem>>) target_semaphore(%arg36 : memref<!tpu.dma_semaphore, #tpu.memory_space<semaphore_mem>>)
      %dma_start3A_19 = tpu.memref_slice %arg5[%add3A_11] : memref<65536xi32, #tpu.memory_space<hbm>> -> memref<256xi32, #tpu.memory_space<hbm>>
      %dma_start3A_20 = tpu.memref_slice %arg5[%add3A_11] : memref<65536xi32, #tpu.memory_space<hbm>> -> memref<256xi32, #tpu.memory_space<hbm>>
      tpu.enqueue_dma source(%dma_start3A_20 : memref<256xi32, #tpu.memory_space<hbm>>) target(%arg17 : memref<256xi32, #tpu.memory_space<vmem>>) target_semaphore(%arg36 : memref<!tpu.dma_semaphore, #tpu.memory_space<semaphore_mem>>)
      %dma_start3A_21 = tpu.memref_slice %arg6[%add3A_11] : memref<65536xf32, #tpu.memory_space<hbm>> -> memref<256xf32, #tpu.memory_space<hbm>>
      %dma_start3A_22 = tpu.memref_slice %arg6[%add3A_11] : memref<65536xf32, #tpu.memory_space<hbm>> -> memref<256xf32, #tpu.memory_space<hbm>>
      tpu.enqueue_dma source(%dma_start3A_22 : memref<256xf32, #tpu.memory_space<hbm>>) target(%arg18 : memref<256xf32, #tpu.memory_space<vmem>>) target_semaphore(%arg36 : memref<!tpu.dma_semaphore, #tpu.memory_space<semaphore_mem>>)
      %mul3A_23 = arith.constant 33 : i32
      %mul3A_24 = arith.muli %add3A_11, %mul3A_23 : i32
      %dma_wait3A = tpu.memref_slice %arg2[%mul3A_24] : memref<2162688xf32, #tpu.memory_space<hbm>> -> memref<8448xf32, #tpu.memory_space<hbm>>
      %dma_wait3A_25 = tpu.memref_slice %arg2[%mul3A_24] : memref<2162688xf32, #tpu.memory_space<hbm>> -> memref<8448xf32, #tpu.memory_space<hbm>>
      tpu.wait_dma2 semaphore(%arg36 : memref<!tpu.dma_semaphore, #tpu.memory_space<semaphore_mem>>) src(%dma_wait3A_25 : memref<8448xf32, #tpu.memory_space<hbm>>) dst(%arg14 : memref<8448xf32, #tpu.memory_space<vmem>>)
      %dma_wait3A_26 = tpu.memref_slice %arg3[%add3A_11] : memref<65536xi32, #tpu.memory_space<hbm>> -> memref<256xi32, #tpu.memory_space<hbm>>
      %dma_wait3A_27 = tpu.memref_slice %arg3[%add3A_11] : memref<65536xi32, #tpu.memory_space<hbm>> -> memref<256xi32, #tpu.memory_space<hbm>>
      tpu.wait_dma2 semaphore(%arg36 : memref<!tpu.dma_semaphore, #tpu.memory_space<semaphore_mem>>) src(%dma_wait3A_27 : memref<256xi32, #tpu.memory_space<hbm>>) dst(%arg15 : memref<256xi32, #tpu.memory_space<vmem>>)
      %dma_wait3A_28 = tpu.memref_slice %arg4[%add3A_11] : memref<65536xi32, #tpu.memory_space<hbm>> -> memref<256xi32, #tpu.memory_space<hbm>>
      %dma_wait3A_29 = tpu.memref_slice %arg4[%add3A_11] : memref<65536xi32, #tpu.memory_space<hbm>> -> memref<256xi32, #tpu.memory_space<hbm>>
      tpu.wait_dma2 semaphore(%arg36 : memref<!tpu.dma_semaphore, #tpu.memory_space<semaphore_mem>>) src(%dma_wait3A_29 : memref<256xi32, #tpu.memory_space<hbm>>) dst(%arg16 : memref<256xi32, #tpu.memory_space<vmem>>)
      %dma_wait3A_30 = tpu.memref_slice %arg5[%add3A_11] : memref<65536xi32, #tpu.memory_space<hbm>> -> memref<256xi32, #tpu.memory_space<hbm>>
      %dma_wait3A_31 = tpu.memref_slice %arg5[%add3A_11] : memref<65536xi32, #tpu.memory_space<hbm>> -> memref<256xi32, #tpu.memory_space<hbm>>
      tpu.wait_dma2 semaphore(%arg36 : memref<!tpu.dma_semaphore, #tpu.memory_space<semaphore_mem>>) src(%dma_wait3A_31 : memref<256xi32, #tpu.memory_space<hbm>>) dst(%arg17 : memref<256xi32, #tpu.memory_space<vmem>>)
      %dma_wait3A_32 = tpu.memref_slice %arg6[%add3A_11] : memref<65536xf32, #tpu.memory_space<hbm>> -> memref<256xf32, #tpu.memory_space<hbm>>
      %dma_wait3A_33 = tpu.memref_slice %arg6[%add3A_11] : memref<65536xf32, #tpu.memory_space<hbm>> -> memref<256xf32, #tpu.memory_space<hbm>>
      tpu.wait_dma2 semaphore(%arg36 : memref<!tpu.dma_semaphore, #tpu.memory_space<semaphore_mem>>) src(%dma_wait3A_33 : memref<256xf32, #tpu.memory_space<hbm>>) dst(%arg18 : memref<256xf32, #tpu.memory_space<vmem>>)
      %parallel_loop3A = arith.constant 0 : i32
      %parallel_loop3A_34 = arith.constant 16 : i32
      %parallel_loop3A_35 = arith.constant 1 : i32
      scf.for %parallel_loop3A_60 = %parallel_loop3A to %parallel_loop3A_34 step %parallel_loop3A_35  : i32 {
        %parallel_loop3A_61 = arith.constant 16 : i32
        %parallel_loop3A_62 = arith.muli %parallel_loop3A_60, %parallel_loop3A_61 : i32
        %parallel_loop3A_63 = tpu.iota {dimensions = array<i32: 0>} : vector<16xi32>
        %parallel_loop3A_64 = vector.broadcast %parallel_loop3A_62 : i32 to vector<16xi32>
        %parallel_loop3A_65 = arith.addi %parallel_loop3A_64, %parallel_loop3A_63 : vector<16xi32>
        %parallel_loop3A_66 = arith.index_cast %parallel_loop3A_62 : i32 to index
        %parallel_loop3A_67 = tpu.vector_load %arg15[%parallel_loop3A_66] {strides = array<i32>} : memref<256xi32, #tpu.memory_space<vmem>>, vector<16xi32>,
        %parallel_loop3A_68 = arith.constant 2 : i32
        %parallel_loop3A_69 = vector.broadcast %parallel_loop3A_68 : i32 to vector<16xi32>
        %parallel_loop3A_70 = arith.shrui %parallel_loop3A_67, %parallel_loop3A_69 : vector<16xi32>
        %parallel_loop3A_71 = tpu.vector_load_idx %arg34[%parallel_loop3A_67] : memref<144xi32, #tpu.memory_space<vmem>>[vector<16xi32>], vector<16xi32>,
        %parallel_loop3A_72 = tpu.vector_load_idx %arg35[%parallel_loop3A_67] : memref<144xi32, #tpu.memory_space<vmem>>[vector<16xi32>], vector<16xi32>,
        %parallel_loop3A_73 = arith.constant 0.000000e+00 : f32
        %parallel_loop3A_74 = vector.broadcast %parallel_loop3A_73 : f32 to vector<16xf32>
        %parallel_loop3A_75 = arith.constant 1.000000e+00 : f32
        %parallel_loop3A_76 = vector.broadcast %parallel_loop3A_75 : f32 to vector<16xf32>
        %parallel_loop3A_77 = arith.constant 33 : i32
        %parallel_loop3A_78 = vector.broadcast %parallel_loop3A_77 : i32 to vector<16xi32>
        %parallel_loop3A_79 = arith.muli %parallel_loop3A_65, %parallel_loop3A_78 : vector<16xi32>
        %parallel_loop3A_80 = arith.addi %parallel_loop3A_79, %parallel_loop3A_70 : vector<16xi32>
        tpu.vector_store_idx %arg14[%parallel_loop3A_80], %parallel_loop3A_74 : memref<8448xf32, #tpu.memory_space<vmem>>[vector<16xi32>], vector<16xf32>,
        %parallel_loop3A_81 = arith.addi %parallel_loop3A_79, %parallel_loop3A_71 : vector<16xi32>
        tpu.vector_store_idx %arg14[%parallel_loop3A_81], %parallel_loop3A_74 : memref<8448xf32, #tpu.memory_space<vmem>>[vector<16xi32>], vector<16xf32>,
        %parallel_loop3A_82 = arith.addi %parallel_loop3A_79, %parallel_loop3A_72 : vector<16xi32>
        tpu.vector_store_idx %arg14[%parallel_loop3A_82], %parallel_loop3A_76 : memref<8448xf32, #tpu.memory_space<vmem>>[vector<16xi32>], vector<16xf32>,
        %parallel_loop3A_83 = arith.constant 0 : i32
        %parallel_loop3A_84 = vector.broadcast %parallel_loop3A_83 : i32 to vector<16xi32>
        %parallel_loop3A_85 = arith.addi %parallel_loop3A_79, %parallel_loop3A_84 : vector<16xi32>
        %parallel_loop3A_86 = tpu.vector_load_idx %arg14[%parallel_loop3A_85] : memref<8448xf32, #tpu.memory_space<vmem>>[vector<16xi32>], vector<16xf32>,
        %parallel_loop3A_87 = arith.constant 1 : i32
        %parallel_loop3A_88 = vector.broadcast %parallel_loop3A_87 : i32 to vector<16xi32>
        %parallel_loop3A_89 = arith.addi %parallel_loop3A_79, %parallel_loop3A_88 : vector<16xi32>
        %parallel_loop3A_90 = tpu.vector_load_idx %arg14[%parallel_loop3A_89] : memref<8448xf32, #tpu.memory_space<vmem>>[vector<16xi32>], vector<16xf32>,
        %parallel_loop3A_91 = arith.constant 2 : i32
        %parallel_loop3A_92 = vector.broadcast %parallel_loop3A_91 : i32 to vector<16xi32>
        %parallel_loop3A_93 = arith.addi %parallel_loop3A_79, %parallel_loop3A_92 : vector<16xi32>
        %parallel_loop3A_94 = tpu.vector_load_idx %arg14[%parallel_loop3A_93] : memref<8448xf32, #tpu.memory_space<vmem>>[vector<16xi32>], vector<16xf32>,
        %parallel_loop3A_95 = arith.constant 3 : i32
        %parallel_loop3A_96 = vector.broadcast %parallel_loop3A_95 : i32 to vector<16xi32>
        %parallel_loop3A_97 = arith.addi %parallel_loop3A_79, %parallel_loop3A_96 : vector<16xi32>
        %parallel_loop3A_98 = tpu.vector_load_idx %arg14[%parallel_loop3A_97] : memref<8448xf32, #tpu.memory_space<vmem>>[vector<16xi32>], vector<16xf32>,
        %parallel_loop3A_99 = arith.constant 4 : i32
        %parallel_loop3A_100 = vector.broadcast %parallel_loop3A_99 : i32 to vector<16xi32>
        %parallel_loop3A_101 = arith.addi %parallel_loop3A_79, %parallel_loop3A_100 : vector<16xi32>
        %parallel_loop3A_102 = tpu.vector_load_idx %arg14[%parallel_loop3A_101] : memref<8448xf32, #tpu.memory_space<vmem>>[vector<16xi32>], vector<16xf32>,
        %parallel_loop3A_103 = arith.constant 5 : i32
        %parallel_loop3A_104 = vector.broadcast %parallel_loop3A_103 : i32 to vector<16xi32>
        %parallel_loop3A_105 = arith.addi %parallel_loop3A_79, %parallel_loop3A_104 : vector<16xi32>
        %parallel_loop3A_106 = tpu.vector_load_idx %arg14[%parallel_loop3A_105] : memref<8448xf32, #tpu.memory_space<vmem>>[vector<16xi32>], vector<16xf32>,
        %parallel_loop3A_107 = arith.constant 6 : i32
        %parallel_loop3A_108 = vector.broadcast %parallel_loop3A_107 : i32 to vector<16xi32>
        %parallel_loop3A_109 = arith.addi %parallel_loop3A_79, %parallel_loop3A_108 : vector<16xi32>
        %parallel_loop3A_110 = tpu.vector_load_idx %arg14[%parallel_loop3A_109] : memref<8448xf32, #tpu.memory_space<vmem>>[vector<16xi32>], vector<16xf32>,
        %parallel_loop3A_111 = arith.constant 7 : i32
        %parallel_loop3A_112 = vector.broadcast %parallel_loop3A_111 : i32 to vector<16xi32>
        %parallel_loop3A_113 = arith.addi %parallel_loop3A_79, %parallel_loop3A_112 : vector<16xi32>
        %parallel_loop3A_114 = tpu.vector_load_idx %arg14[%parallel_loop3A_113] : memref<8448xf32, #tpu.memory_space<vmem>>[vector<16xi32>], vector<16xf32>,
        %parallel_loop3A_115 = arith.constant 8 : i32
        %parallel_loop3A_116 = vector.broadcast %parallel_loop3A_115 : i32 to vector<16xi32>
        %parallel_loop3A_117 = arith.addi %parallel_loop3A_79, %parallel_loop3A_116 : vector<16xi32>
        %parallel_loop3A_118 = tpu.vector_load_idx %arg14[%parallel_loop3A_117] : memref<8448xf32, #tpu.memory_space<vmem>>[vector<16xi32>], vector<16xf32>,
        %parallel_loop3A_119 = arith.constant 9 : i32
        %parallel_loop3A_120 = vector.broadcast %parallel_loop3A_119 : i32 to vector<16xi32>
        %parallel_loop3A_121 = arith.addi %parallel_loop3A_79, %parallel_loop3A_120 : vector<16xi32>
        %parallel_loop3A_122 = tpu.vector_load_idx %arg14[%parallel_loop3A_121] : memref<8448xf32, #tpu.memory_space<vmem>>[vector<16xi32>], vector<16xf32>,
        %parallel_loop3A_123 = arith.constant 10 : i32
        %parallel_loop3A_124 = vector.broadcast %parallel_loop3A_123 : i32 to vector<16xi32>
        %parallel_loop3A_125 = arith.addi %parallel_loop3A_79, %parallel_loop3A_124 : vector<16xi32>
        %parallel_loop3A_126 = tpu.vector_load_idx %arg14[%parallel_loop3A_125] : memref<8448xf32, #tpu.memory_space<vmem>>[vector<16xi32>], vector<16xf32>,
        %parallel_loop3A_127 = arith.constant 11 : i32
        %parallel_loop3A_128 = vector.broadcast %parallel_loop3A_127 : i32 to vector<16xi32>
        %parallel_loop3A_129 = arith.addi %parallel_loop3A_79, %parallel_loop3A_128 : vector<16xi32>
        %parallel_loop3A_130 = tpu.vector_load_idx %arg14[%parallel_loop3A_129] : memref<8448xf32, #tpu.memory_space<vmem>>[vector<16xi32>], vector<16xf32>,
        %parallel_loop3A_131 = arith.constant 12 : i32
        %parallel_loop3A_132 = vector.broadcast %parallel_loop3A_131 : i32 to vector<16xi32>
        %parallel_loop3A_133 = arith.addi %parallel_loop3A_79, %parallel_loop3A_132 : vector<16xi32>
        %parallel_loop3A_134 = tpu.vector_load_idx %arg14[%parallel_loop3A_133] : memref<8448xf32, #tpu.memory_space<vmem>>[vector<16xi32>], vector<16xf32>,
        %parallel_loop3A_135 = arith.constant 13 : i32
        %parallel_loop3A_136 = vector.broadcast %parallel_loop3A_135 : i32 to vector<16xi32>
        %parallel_loop3A_137 = arith.addi %parallel_loop3A_79, %parallel_loop3A_136 : vector<16xi32>
        %parallel_loop3A_138 = tpu.vector_load_idx %arg14[%parallel_loop3A_137] : memref<8448xf32, #tpu.memory_space<vmem>>[vector<16xi32>], vector<16xf32>,
        %parallel_loop3A_139 = arith.constant 14 : i32
        %parallel_loop3A_140 = vector.broadcast %parallel_loop3A_139 : i32 to vector<16xi32>
        %parallel_loop3A_141 = arith.addi %parallel_loop3A_79, %parallel_loop3A_140 : vector<16xi32>
        %parallel_loop3A_142 = tpu.vector_load_idx %arg14[%parallel_loop3A_141] : memref<8448xf32, #tpu.memory_space<vmem>>[vector<16xi32>], vector<16xf32>,
        %parallel_loop3A_143 = arith.constant 15 : i32
        %parallel_loop3A_144 = vector.broadcast %parallel_loop3A_143 : i32 to vector<16xi32>
        %parallel_loop3A_145 = arith.addi %parallel_loop3A_79, %parallel_loop3A_144 : vector<16xi32>
        %parallel_loop3A_146 = tpu.vector_load_idx %arg14[%parallel_loop3A_145] : memref<8448xf32, #tpu.memory_space<vmem>>[vector<16xi32>], vector<16xf32>,
        %parallel_loop3A_147 = arith.constant 16 : i32
        %parallel_loop3A_148 = vector.broadcast %parallel_loop3A_147 : i32 to vector<16xi32>
        %parallel_loop3A_149 = arith.addi %parallel_loop3A_79, %parallel_loop3A_148 : vector<16xi32>
        %parallel_loop3A_150 = tpu.vector_load_idx %arg14[%parallel_loop3A_149] : memref<8448xf32, #tpu.memory_space<vmem>>[vector<16xi32>], vector<16xf32>,
        %parallel_loop3A_151 = arith.constant 17 : i32
        %parallel_loop3A_152 = vector.broadcast %parallel_loop3A_151 : i32 to vector<16xi32>
        %parallel_loop3A_153 = arith.addi %parallel_loop3A_79, %parallel_loop3A_152 : vector<16xi32>
        %parallel_loop3A_154 = tpu.vector_load_idx %arg14[%parallel_loop3A_153] : memref<8448xf32, #tpu.memory_space<vmem>>[vector<16xi32>], vector<16xf32>,
        %parallel_loop3A_155 = arith.constant 18 : i32
        %parallel_loop3A_156 = vector.broadcast %parallel_loop3A_155 : i32 to vector<16xi32>
        %parallel_loop3A_157 = arith.addi %parallel_loop3A_79, %parallel_loop3A_156 : vector<16xi32>
        %parallel_loop3A_158 = tpu.vector_load_idx %arg14[%parallel_loop3A_157] : memref<8448xf32, #tpu.memory_space<vmem>>[vector<16xi32>], vector<16xf32>,
        %parallel_loop3A_159 = arith.constant 19 : i32
        %parallel_loop3A_160 = vector.broadcast %parallel_loop3A_159 : i32 to vector<16xi32>
        %parallel_loop3A_161 = arith.addi %parallel_loop3A_79, %parallel_loop3A_160 : vector<16xi32>
        %parallel_loop3A_162 = tpu.vector_load_idx %arg14[%parallel_loop3A_161] : memref<8448xf32, #tpu.memory_space<vmem>>[vector<16xi32>], vector<16xf32>,
        %parallel_loop3A_163 = arith.constant 20 : i32
        %parallel_loop3A_164 = vector.broadcast %parallel_loop3A_163 : i32 to vector<16xi32>
        %parallel_loop3A_165 = arith.addi %parallel_loop3A_79, %parallel_loop3A_164 : vector<16xi32>
        %parallel_loop3A_166 = tpu.vector_load_idx %arg14[%parallel_loop3A_165] : memref<8448xf32, #tpu.memory_space<vmem>>[vector<16xi32>], vector<16xf32>,
        %parallel_loop3A_167 = arith.constant 21 : i32
        %parallel_loop3A_168 = vector.broadcast %parallel_loop3A_167 : i32 to vector<16xi32>
        %parallel_loop3A_169 = arith.addi %parallel_loop3A_79, %parallel_loop3A_168 : vector<16xi32>
        %parallel_loop3A_170 = tpu.vector_load_idx %arg14[%parallel_loop3A_169] : memref<8448xf32, #tpu.memory_space<vmem>>[vector<16xi32>], vector<16xf32>,
        %parallel_loop3A_171 = arith.constant 22 : i32
        %parallel_loop3A_172 = vector.broadcast %parallel_loop3A_171 : i32 to vector<16xi32>
        %parallel_loop3A_173 = arith.addi %parallel_loop3A_79, %parallel_loop3A_172 : vector<16xi32>
        %parallel_loop3A_174 = tpu.vector_load_idx %arg14[%parallel_loop3A_173] : memref<8448xf32, #tpu.memory_space<vmem>>[vector<16xi32>], vector<16xf32>,
        %parallel_loop3A_175 = arith.constant 23 : i32
        %parallel_loop3A_176 = vector.broadcast %parallel_loop3A_175 : i32 to vector<16xi32>
        %parallel_loop3A_177 = arith.addi %parallel_loop3A_79, %parallel_loop3A_176 : vector<16xi32>
        %parallel_loop3A_178 = tpu.vector_load_idx %arg14[%parallel_loop3A_177] : memref<8448xf32, #tpu.memory_space<vmem>>[vector<16xi32>], vector<16xf32>,
        %parallel_loop3A_179 = arith.constant 24 : i32
        %parallel_loop3A_180 = vector.broadcast %parallel_loop3A_179 : i32 to vector<16xi32>
        %parallel_loop3A_181 = arith.addi %parallel_loop3A_79, %parallel_loop3A_180 : vector<16xi32>
        %parallel_loop3A_182 = tpu.vector_load_idx %arg14[%parallel_loop3A_181] : memref<8448xf32, #tpu.memory_space<vmem>>[vector<16xi32>], vector<16xf32>,
        %parallel_loop3A_183 = arith.constant 25 : i32
        %parallel_loop3A_184 = vector.broadcast %parallel_loop3A_183 : i32 to vector<16xi32>
        %parallel_loop3A_185 = arith.addi %parallel_loop3A_79, %parallel_loop3A_184 : vector<16xi32>
        %parallel_loop3A_186 = tpu.vector_load_idx %arg14[%parallel_loop3A_185] : memref<8448xf32, #tpu.memory_space<vmem>>[vector<16xi32>], vector<16xf32>,
        %parallel_loop3A_187 = arith.constant 26 : i32
        %parallel_loop3A_188 = vector.broadcast %parallel_loop3A_187 : i32 to vector<16xi32>
        %parallel_loop3A_189 = arith.addi %parallel_loop3A_79, %parallel_loop3A_188 : vector<16xi32>
        %parallel_loop3A_190 = tpu.vector_load_idx %arg14[%parallel_loop3A_189] : memref<8448xf32, #tpu.memory_space<vmem>>[vector<16xi32>], vector<16xf32>,
        %parallel_loop3A_191 = arith.constant 27 : i32
        %parallel_loop3A_192 = vector.broadcast %parallel_loop3A_191 : i32 to vector<16xi32>
        %parallel_loop3A_193 = arith.addi %parallel_loop3A_79, %parallel_loop3A_192 : vector<16xi32>
        %parallel_loop3A_194 = tpu.vector_load_idx %arg14[%parallel_loop3A_193] : memref<8448xf32, #tpu.memory_space<vmem>>[vector<16xi32>], vector<16xf32>,
        %parallel_loop3A_195 = arith.constant 28 : i32
        %parallel_loop3A_196 = vector.broadcast %parallel_loop3A_195 : i32 to vector<16xi32>
        %parallel_loop3A_197 = arith.addi %parallel_loop3A_79, %parallel_loop3A_196 : vector<16xi32>
        %parallel_loop3A_198 = tpu.vector_load_idx %arg14[%parallel_loop3A_197] : memref<8448xf32, #tpu.memory_space<vmem>>[vector<16xi32>], vector<16xf32>,
        %parallel_loop3A_199 = arith.constant 29 : i32
        %parallel_loop3A_200 = vector.broadcast %parallel_loop3A_199 : i32 to vector<16xi32>
        %parallel_loop3A_201 = arith.addi %parallel_loop3A_79, %parallel_loop3A_200 : vector<16xi32>
        %parallel_loop3A_202 = tpu.vector_load_idx %arg14[%parallel_loop3A_201] : memref<8448xf32, #tpu.memory_space<vmem>>[vector<16xi32>], vector<16xf32>,
        %parallel_loop3A_203 = arith.constant 30 : i32
        %parallel_loop3A_204 = vector.broadcast %parallel_loop3A_203 : i32 to vector<16xi32>
        %parallel_loop3A_205 = arith.addi %parallel_loop3A_79, %parallel_loop3A_204 : vector<16xi32>
        %parallel_loop3A_206 = tpu.vector_load_idx %arg14[%parallel_loop3A_205] : memref<8448xf32, #tpu.memory_space<vmem>>[vector<16xi32>], vector<16xf32>,
        %parallel_loop3A_207 = arith.constant 31 : i32
        %parallel_loop3A_208 = vector.broadcast %parallel_loop3A_207 : i32 to vector<16xi32>
        %parallel_loop3A_209 = arith.addi %parallel_loop3A_79, %parallel_loop3A_208 : vector<16xi32>
        %parallel_loop3A_210 = tpu.vector_load_idx %arg14[%parallel_loop3A_209] : memref<8448xf32, #tpu.memory_space<vmem>>[vector<16xi32>], vector<16xf32>,
        %parallel_loop3A_211 = arith.constant 32 : i32
        %parallel_loop3A_212 = vector.broadcast %parallel_loop3A_211 : i32 to vector<16xi32>
        %parallel_loop3A_213 = arith.addi %parallel_loop3A_79, %parallel_loop3A_212 : vector<16xi32>
        %parallel_loop3A_214 = tpu.vector_load_idx %arg14[%parallel_loop3A_213] : memref<8448xf32, #tpu.memory_space<vmem>>[vector<16xi32>], vector<16xf32>,
        %parallel_loop3A_215 = arith.constant 0.000000e+00 : f32
        %parallel_loop3A_216 = vector.broadcast %parallel_loop3A_215 : f32 to vector<16xf32>
        %parallel_loop3A_217 = arith.cmpf one, %parallel_loop3A_86, %parallel_loop3A_216 : vector<16xf32>
        %parallel_loop3A_218 = arith.constant 0.000000e+00 : f32
        %parallel_loop3A_219 = vector.broadcast %parallel_loop3A_218 : f32 to vector<16xf32>
        %parallel_loop3A_220 = arith.cmpf ogt, %parallel_loop3A_126, %parallel_loop3A_219 : vector<16xf32>
        %parallel_loop3A_221 = arith.constant 0.000000e+00 : f32
        %parallel_loop3A_222 = vector.broadcast %parallel_loop3A_221 : f32 to vector<16xf32>
        %parallel_loop3A_223 = arith.cmpf oeq, %parallel_loop3A_106, %parallel_loop3A_222 : vector<16xf32>
        %parallel_loop3A_224 = arith.andi %parallel_loop3A_217, %parallel_loop3A_220 : vector<16xi1>
        %parallel_loop3A_225 = arith.andi %parallel_loop3A_224, %parallel_loop3A_223 : vector<16xi1>
        %parallel_loop3A_226 = arith.constant 0.000000e+00 : f32
        %parallel_loop3A_227 = vector.broadcast %parallel_loop3A_226 : f32 to vector<16xf32>
        %parallel_loop3A_228 = arith.cmpf ogt, %parallel_loop3A_178, %parallel_loop3A_227 : vector<16xf32>
        %parallel_loop3A_229 = arith.constant 0.000000e+00 : f32
        %parallel_loop3A_230 = vector.broadcast %parallel_loop3A_229 : f32 to vector<16xf32>
        %parallel_loop3A_231 = arith.cmpf oeq, %parallel_loop3A_198, %parallel_loop3A_230 : vector<16xf32>
        %parallel_loop3A_232 = arith.andi %parallel_loop3A_217, %parallel_loop3A_228 : vector<16xi1>
        %parallel_loop3A_233 = arith.andi %parallel_loop3A_232, %parallel_loop3A_231 : vector<16xi1>
        %parallel_loop3A_234 = arith.constant 0.000000e+00 : f32
        %parallel_loop3A_235 = vector.broadcast %parallel_loop3A_234 : f32 to vector<16xf32>
        %parallel_loop3A_236 = arith.cmpf ogt, %parallel_loop3A_150, %parallel_loop3A_235 : vector<16xf32>
        %parallel_loop3A_237 = arith.constant 0.000000e+00 : f32
        %parallel_loop3A_238 = vector.broadcast %parallel_loop3A_237 : f32 to vector<16xf32>
        %parallel_loop3A_239 = arith.cmpf oeq, %parallel_loop3A_146, %parallel_loop3A_238 : vector<16xf32>
        %parallel_loop3A_240 = arith.andi %parallel_loop3A_217, %parallel_loop3A_236 : vector<16xi1>
        %parallel_loop3A_241 = arith.andi %parallel_loop3A_240, %parallel_loop3A_239 : vector<16xi1>
        %parallel_loop3A_242 = arith.constant 0.000000e+00 : f32
        %parallel_loop3A_243 = vector.broadcast %parallel_loop3A_242 : f32 to vector<16xf32>
        %parallel_loop3A_244 = arith.cmpf ogt, %parallel_loop3A_154, %parallel_loop3A_243 : vector<16xf32>
        %parallel_loop3A_245 = arith.constant 0.000000e+00 : f32
        %parallel_loop3A_246 = vector.broadcast %parallel_loop3A_245 : f32 to vector<16xf32>
        %parallel_loop3A_247 = arith.cmpf oeq, %parallel_loop3A_158, %parallel_loop3A_246 : vector<16xf32>
        %parallel_loop3A_248 = arith.andi %parallel_loop3A_217, %parallel_loop3A_244 : vector<16xi1>
        %parallel_loop3A_249 = arith.andi %parallel_loop3A_248, %parallel_loop3A_247 : vector<16xi1>
        %parallel_loop3A_250 = arith.constant 0.000000e+00 : f32
        %parallel_loop3A_251 = vector.broadcast %parallel_loop3A_250 : f32 to vector<16xf32>
        %parallel_loop3A_252 = arith.cmpf one, %parallel_loop3A_90, %parallel_loop3A_251 : vector<16xf32>
        %parallel_loop3A_253 = arith.constant 0.000000e+00 : f32
        %parallel_loop3A_254 = vector.broadcast %parallel_loop3A_253 : f32 to vector<16xf32>
        %parallel_loop3A_255 = arith.cmpf ogt, %parallel_loop3A_102, %parallel_loop3A_254 : vector<16xf32>
        %parallel_loop3A_256 = arith.constant 0.000000e+00 : f32
        %parallel_loop3A_257 = vector.broadcast %parallel_loop3A_256 : f32 to vector<16xf32>
        %parallel_loop3A_258 = arith.cmpf oeq, %parallel_loop3A_122, %parallel_loop3A_257 : vector<16xf32>
        %parallel_loop3A_259 = arith.andi %parallel_loop3A_252, %parallel_loop3A_255 : vector<16xi1>
        %parallel_loop3A_260 = arith.andi %parallel_loop3A_259, %parallel_loop3A_258 : vector<16xi1>
        %parallel_loop3A_261 = arith.constant 0.000000e+00 : f32
        %parallel_loop3A_262 = vector.broadcast %parallel_loop3A_261 : f32 to vector<16xf32>
        %parallel_loop3A_263 = arith.cmpf ogt, %parallel_loop3A_94, %parallel_loop3A_262 : vector<16xf32>
        %parallel_loop3A_264 = arith.constant 0.000000e+00 : f32
        %parallel_loop3A_265 = vector.broadcast %parallel_loop3A_264 : f32 to vector<16xf32>
        %parallel_loop3A_266 = arith.cmpf oeq, %parallel_loop3A_98, %parallel_loop3A_265 : vector<16xf32>
        %parallel_loop3A_267 = arith.andi %parallel_loop3A_252, %parallel_loop3A_263 : vector<16xi1>
        %parallel_loop3A_268 = arith.andi %parallel_loop3A_267, %parallel_loop3A_266 : vector<16xi1>
        %parallel_loop3A_269 = arith.constant 0.000000e+00 : f32
        %parallel_loop3A_270 = vector.broadcast %parallel_loop3A_269 : f32 to vector<16xf32>
        %parallel_loop3A_271 = arith.cmpf one, %parallel_loop3A_94, %parallel_loop3A_270 : vector<16xf32>
        %parallel_loop3A_272 = arith.constant 0.000000e+00 : f32
        %parallel_loop3A_273 = vector.broadcast %parallel_loop3A_272 : f32 to vector<16xf32>
        %parallel_loop3A_274 = arith.cmpf ogt, %parallel_loop3A_106, %parallel_loop3A_273 : vector<16xf32>
        %parallel_loop3A_275 = arith.constant 0.000000e+00 : f32
        %parallel_loop3A_276 = vector.broadcast %parallel_loop3A_275 : f32 to vector<16xf32>
        %parallel_loop3A_277 = arith.cmpf oeq, %parallel_loop3A_126, %parallel_loop3A_276 : vector<16xf32>
        %parallel_loop3A_278 = arith.andi %parallel_loop3A_271, %parallel_loop3A_274 : vector<16xi1>
        %parallel_loop3A_279 = arith.andi %parallel_loop3A_278, %parallel_loop3A_277 : vector<16xi1>
        %parallel_loop3A_280 = arith.constant 0.000000e+00 : f32
        %parallel_loop3A_281 = vector.broadcast %parallel_loop3A_280 : f32 to vector<16xf32>
        %parallel_loop3A_282 = arith.cmpf one, %parallel_loop3A_98, %parallel_loop3A_281 : vector<16xf32>
        %parallel_loop3A_283 = arith.constant 0.000000e+00 : f32
        %parallel_loop3A_284 = vector.broadcast %parallel_loop3A_283 : f32 to vector<16xf32>
        %parallel_loop3A_285 = arith.cmpf ogt, %parallel_loop3A_110, %parallel_loop3A_284 : vector<16xf32>
        %parallel_loop3A_286 = arith.constant 0.000000e+00 : f32
        %parallel_loop3A_287 = vector.broadcast %parallel_loop3A_286 : f32 to vector<16xf32>
        %parallel_loop3A_288 = arith.cmpf oeq, %parallel_loop3A_130, %parallel_loop3A_287 : vector<16xf32>
        %parallel_loop3A_289 = arith.andi %parallel_loop3A_282, %parallel_loop3A_285 : vector<16xi1>
        %parallel_loop3A_290 = arith.andi %parallel_loop3A_289, %parallel_loop3A_288 : vector<16xi1>
        %parallel_loop3A_291 = arith.constant 0.000000e+00 : f32
        %parallel_loop3A_292 = vector.broadcast %parallel_loop3A_291 : f32 to vector<16xf32>
        %parallel_loop3A_293 = arith.cmpf oeq, %parallel_loop3A_90, %parallel_loop3A_292 : vector<16xf32>
        %parallel_loop3A_294 = arith.andi %parallel_loop3A_282, %parallel_loop3A_263 : vector<16xi1>
        %parallel_loop3A_295 = arith.andi %parallel_loop3A_294, %parallel_loop3A_293 : vector<16xi1>
        %parallel_loop3A_296 = arith.constant 0.000000e+00 : f32
        %parallel_loop3A_297 = vector.broadcast %parallel_loop3A_296 : f32 to vector<16xf32>
        %parallel_loop3A_298 = arith.cmpf one, %parallel_loop3A_102, %parallel_loop3A_297 : vector<16xf32>
        %parallel_loop3A_299 = arith.constant 0.000000e+00 : f32
        %parallel_loop3A_300 = vector.broadcast %parallel_loop3A_299 : f32 to vector<16xf32>
        %parallel_loop3A_301 = arith.cmpf ogt, %parallel_loop3A_122, %parallel_loop3A_300 : vector<16xf32>
        %parallel_loop3A_302 = arith.constant 0.000000e+00 : f32
        %parallel_loop3A_303 = vector.broadcast %parallel_loop3A_302 : f32 to vector<16xf32>
        %parallel_loop3A_304 = arith.cmpf oeq, %parallel_loop3A_150, %parallel_loop3A_303 : vector<16xf32>
        %parallel_loop3A_305 = arith.andi %parallel_loop3A_298, %parallel_loop3A_301 : vector<16xi1>
        %parallel_loop3A_306 = arith.andi %parallel_loop3A_305, %parallel_loop3A_304 : vector<16xi1>
        %parallel_loop3A_307 = arith.constant 0.000000e+00 : f32
        %parallel_loop3A_308 = vector.broadcast %parallel_loop3A_307 : f32 to vector<16xf32>
        %parallel_loop3A_309 = arith.cmpf oeq, %parallel_loop3A_110, %parallel_loop3A_308 : vector<16xf32>
        %parallel_loop3A_310 = arith.andi %parallel_loop3A_298, %parallel_loop3A_274 : vector<16xi1>
        %parallel_loop3A_311 = arith.andi %parallel_loop3A_310, %parallel_loop3A_309 : vector<16xi1>
        %parallel_loop3A_312 = arith.constant 0.000000e+00 : f32
        %parallel_loop3A_313 = vector.broadcast %parallel_loop3A_312 : f32 to vector<16xf32>
        %parallel_loop3A_314 = arith.cmpf one, %parallel_loop3A_106, %parallel_loop3A_313 : vector<16xf32>
        %parallel_loop3A_315 = arith.constant 0.000000e+00 : f32
        %parallel_loop3A_316 = vector.broadcast %parallel_loop3A_315 : f32 to vector<16xf32>
        %parallel_loop3A_317 = arith.cmpf oeq, %parallel_loop3A_86, %parallel_loop3A_316 : vector<16xf32>
        %parallel_loop3A_318 = arith.andi %parallel_loop3A_314, %parallel_loop3A_220 : vector<16xi1>
        %parallel_loop3A_319 = arith.andi %parallel_loop3A_318, %parallel_loop3A_317 : vector<16xi1>
        %parallel_loop3A_320 = arith.constant 0.000000e+00 : f32
        %parallel_loop3A_321 = vector.broadcast %parallel_loop3A_320 : f32 to vector<16xf32>
        %parallel_loop3A_322 = arith.cmpf one, %parallel_loop3A_110, %parallel_loop3A_321 : vector<16xf32>
        %parallel_loop3A_323 = arith.constant 0.000000e+00 : f32
        %parallel_loop3A_324 = vector.broadcast %parallel_loop3A_323 : f32 to vector<16xf32>
        %parallel_loop3A_325 = arith.cmpf ogt, %parallel_loop3A_130, %parallel_loop3A_324 : vector<16xf32>
        %parallel_loop3A_326 = arith.constant 0.000000e+00 : f32
        %parallel_loop3A_327 = vector.broadcast %parallel_loop3A_326 : f32 to vector<16xf32>
        %parallel_loop3A_328 = arith.cmpf oeq, %parallel_loop3A_154, %parallel_loop3A_327 : vector<16xf32>
        %parallel_loop3A_329 = arith.andi %parallel_loop3A_322, %parallel_loop3A_325 : vector<16xi1>
        %parallel_loop3A_330 = arith.andi %parallel_loop3A_329, %parallel_loop3A_328 : vector<16xi1>
        %parallel_loop3A_331 = arith.constant 0.000000e+00 : f32
        %parallel_loop3A_332 = vector.broadcast %parallel_loop3A_331 : f32 to vector<16xf32>
        %parallel_loop3A_333 = arith.cmpf oeq, %parallel_loop3A_102, %parallel_loop3A_332 : vector<16xf32>
        %parallel_loop3A_334 = arith.andi %parallel_loop3A_322, %parallel_loop3A_274 : vector<16xi1>
        %parallel_loop3A_335 = arith.andi %parallel_loop3A_334, %parallel_loop3A_333 : vector<16xi1>
        %parallel_loop3A_336 = arith.constant 0.000000e+00 : f32
        %parallel_loop3A_337 = vector.broadcast %parallel_loop3A_336 : f32 to vector<16xf32>
        %parallel_loop3A_338 = arith.cmpf one, %parallel_loop3A_114, %parallel_loop3A_337 : vector<16xf32>
        %parallel_loop3A_339 = arith.constant 0.000000e+00 : f32
        %parallel_loop3A_340 = vector.broadcast %parallel_loop3A_339 : f32 to vector<16xf32>
        %parallel_loop3A_341 = arith.cmpf ogt, %parallel_loop3A_142, %parallel_loop3A_340 : vector<16xf32>
        %parallel_loop3A_342 = arith.constant 0.000000e+00 : f32
        %parallel_loop3A_343 = vector.broadcast %parallel_loop3A_342 : f32 to vector<16xf32>
        %parallel_loop3A_344 = arith.cmpf oeq, %parallel_loop3A_166, %parallel_loop3A_343 : vector<16xf32>
        %parallel_loop3A_345 = arith.andi %parallel_loop3A_338, %parallel_loop3A_341 : vector<16xi1>
        %parallel_loop3A_346 = arith.andi %parallel_loop3A_345, %parallel_loop3A_344 : vector<16xi1>
        %parallel_loop3A_347 = arith.constant 0.000000e+00 : f32
        %parallel_loop3A_348 = vector.broadcast %parallel_loop3A_347 : f32 to vector<16xf32>
        %parallel_loop3A_349 = arith.cmpf ogt, %parallel_loop3A_118, %parallel_loop3A_348 : vector<16xf32>
        %parallel_loop3A_350 = arith.andi %parallel_loop3A_338, %parallel_loop3A_349 : vector<16xi1>
        %parallel_loop3A_351 = arith.andi %parallel_loop3A_350, %parallel_loop3A_258 : vector<16xi1>
        %parallel_loop3A_352 = arith.constant 0.000000e+00 : f32
        %parallel_loop3A_353 = vector.broadcast %parallel_loop3A_352 : f32 to vector<16xf32>
        %parallel_loop3A_354 = arith.cmpf one, %parallel_loop3A_118, %parallel_loop3A_353 : vector<16xf32>
        %parallel_loop3A_355 = arith.constant 0.000000e+00 : f32
        %parallel_loop3A_356 = vector.broadcast %parallel_loop3A_355 : f32 to vector<16xf32>
        %parallel_loop3A_357 = arith.cmpf ogt, %parallel_loop3A_146, %parallel_loop3A_356 : vector<16xf32>
        %parallel_loop3A_358 = arith.constant 0.000000e+00 : f32
        %parallel_loop3A_359 = vector.broadcast %parallel_loop3A_358 : f32 to vector<16xf32>
        %parallel_loop3A_360 = arith.cmpf oeq, %parallel_loop3A_170, %parallel_loop3A_359 : vector<16xf32>
        %parallel_loop3A_361 = arith.andi %parallel_loop3A_354, %parallel_loop3A_357 : vector<16xi1>
        %parallel_loop3A_362 = arith.andi %parallel_loop3A_361, %parallel_loop3A_360 : vector<16xi1>
        %parallel_loop3A_363 = arith.andi %parallel_loop3A_354, %parallel_loop3A_301 : vector<16xi1>
        %parallel_loop3A_364 = arith.andi %parallel_loop3A_363, %parallel_loop3A_277 : vector<16xi1>
        %parallel_loop3A_365 = arith.constant 0.000000e+00 : f32
        %parallel_loop3A_366 = vector.broadcast %parallel_loop3A_365 : f32 to vector<16xf32>
        %parallel_loop3A_367 = arith.cmpf one, %parallel_loop3A_122, %parallel_loop3A_366 : vector<16xf32>
        %parallel_loop3A_368 = arith.andi %parallel_loop3A_367, %parallel_loop3A_255 : vector<16xi1>
        %parallel_loop3A_369 = arith.andi %parallel_loop3A_368, %parallel_loop3A_293 : vector<16xi1>
        %parallel_loop3A_370 = arith.constant 0.000000e+00 : f32
        %parallel_loop3A_371 = vector.broadcast %parallel_loop3A_370 : f32 to vector<16xf32>
        %parallel_loop3A_372 = arith.cmpf oeq, %parallel_loop3A_174, %parallel_loop3A_371 : vector<16xf32>
        %parallel_loop3A_373 = arith.andi %parallel_loop3A_367, %parallel_loop3A_236 : vector<16xi1>
        %parallel_loop3A_374 = arith.andi %parallel_loop3A_373, %parallel_loop3A_372 : vector<16xi1>
        %parallel_loop3A_375 = arith.constant 0.000000e+00 : f32
        %parallel_loop3A_376 = vector.broadcast %parallel_loop3A_375 : f32 to vector<16xf32>
        %parallel_loop3A_377 = arith.cmpf oeq, %parallel_loop3A_114, %parallel_loop3A_376 : vector<16xf32>
        %parallel_loop3A_378 = arith.andi %parallel_loop3A_367, %parallel_loop3A_349 : vector<16xi1>
        %parallel_loop3A_379 = arith.andi %parallel_loop3A_378, %parallel_loop3A_377 : vector<16xi1>
        %parallel_loop3A_380 = arith.andi %parallel_loop3A_367, %parallel_loop3A_220 : vector<16xi1>
        %parallel_loop3A_381 = arith.andi %parallel_loop3A_380, %parallel_loop3A_288 : vector<16xi1>
        %parallel_loop3A_382 = arith.constant 0.000000e+00 : f32
        %parallel_loop3A_383 = vector.broadcast %parallel_loop3A_382 : f32 to vector<16xf32>
        %parallel_loop3A_384 = arith.cmpf one, %parallel_loop3A_126, %parallel_loop3A_383 : vector<16xf32>
        %parallel_loop3A_385 = arith.constant 0.000000e+00 : f32
        %parallel_loop3A_386 = vector.broadcast %parallel_loop3A_385 : f32 to vector<16xf32>
        %parallel_loop3A_387 = arith.cmpf oeq, %parallel_loop3A_94, %parallel_loop3A_386 : vector<16xf32>
        %parallel_loop3A_388 = arith.andi %parallel_loop3A_384, %parallel_loop3A_274 : vector<16xi1>
        %parallel_loop3A_389 = arith.andi %parallel_loop3A_388, %parallel_loop3A_387 : vector<16xi1>
        %parallel_loop3A_390 = arith.constant 0.000000e+00 : f32
        %parallel_loop3A_391 = vector.broadcast %parallel_loop3A_390 : f32 to vector<16xf32>
        %parallel_loop3A_392 = arith.cmpf ogt, %parallel_loop3A_86, %parallel_loop3A_391 : vector<16xf32>
        %parallel_loop3A_393 = arith.constant 0.000000e+00 : f32
        %parallel_loop3A_394 = vector.broadcast %parallel_loop3A_393 : f32 to vector<16xf32>
        %parallel_loop3A_395 = arith.cmpf oeq, %parallel_loop3A_178, %parallel_loop3A_394 : vector<16xf32>
        %parallel_loop3A_396 = arith.andi %parallel_loop3A_384, %parallel_loop3A_392 : vector<16xi1>
        %parallel_loop3A_397 = arith.andi %parallel_loop3A_396, %parallel_loop3A_395 : vector<16xi1>
        %parallel_loop3A_398 = arith.constant 0.000000e+00 : f32
        %parallel_loop3A_399 = vector.broadcast %parallel_loop3A_398 : f32 to vector<16xf32>
        %parallel_loop3A_400 = arith.cmpf oeq, %parallel_loop3A_118, %parallel_loop3A_399 : vector<16xf32>
        %parallel_loop3A_401 = arith.andi %parallel_loop3A_384, %parallel_loop3A_301 : vector<16xi1>
        %parallel_loop3A_402 = arith.andi %parallel_loop3A_401, %parallel_loop3A_400 : vector<16xi1>
        %parallel_loop3A_403 = arith.constant 0.000000e+00 : f32
        %parallel_loop3A_404 = vector.broadcast %parallel_loop3A_403 : f32 to vector<16xf32>
        %parallel_loop3A_405 = arith.cmpf oeq, %parallel_loop3A_134, %parallel_loop3A_404 : vector<16xf32>
        %parallel_loop3A_406 = arith.andi %parallel_loop3A_384, %parallel_loop3A_325 : vector<16xi1>
        %parallel_loop3A_407 = arith.andi %parallel_loop3A_406, %parallel_loop3A_405 : vector<16xi1>
        %parallel_loop3A_408 = arith.constant 0.000000e+00 : f32
        %parallel_loop3A_409 = vector.broadcast %parallel_loop3A_408 : f32 to vector<16xf32>
        %parallel_loop3A_410 = arith.cmpf one, %parallel_loop3A_130, %parallel_loop3A_409 : vector<16xf32>
        %parallel_loop3A_411 = arith.andi %parallel_loop3A_410, %parallel_loop3A_285 : vector<16xi1>
        %parallel_loop3A_412 = arith.andi %parallel_loop3A_411, %parallel_loop3A_266 : vector<16xi1>
        %parallel_loop3A_413 = arith.constant 0.000000e+00 : f32
        %parallel_loop3A_414 = vector.broadcast %parallel_loop3A_413 : f32 to vector<16xf32>
        %parallel_loop3A_415 = arith.cmpf oeq, %parallel_loop3A_182, %parallel_loop3A_414 : vector<16xf32>
        %parallel_loop3A_416 = arith.andi %parallel_loop3A_410, %parallel_loop3A_244 : vector<16xi1>
        %parallel_loop3A_417 = arith.andi %parallel_loop3A_416, %parallel_loop3A_415 : vector<16xi1>
        %parallel_loop3A_418 = arith.andi %parallel_loop3A_410, %parallel_loop3A_220 : vector<16xi1>
        %parallel_loop3A_419 = arith.andi %parallel_loop3A_418, %parallel_loop3A_258 : vector<16xi1>
        %parallel_loop3A_420 = arith.constant 0.000000e+00 : f32
        %parallel_loop3A_421 = vector.broadcast %parallel_loop3A_420 : f32 to vector<16xf32>
        %parallel_loop3A_422 = arith.cmpf ogt, %parallel_loop3A_134, %parallel_loop3A_421 : vector<16xf32>
        %parallel_loop3A_423 = arith.constant 0.000000e+00 : f32
        %parallel_loop3A_424 = vector.broadcast %parallel_loop3A_423 : f32 to vector<16xf32>
        %parallel_loop3A_425 = arith.cmpf oeq, %parallel_loop3A_138, %parallel_loop3A_424 : vector<16xf32>
        %parallel_loop3A_426 = arith.andi %parallel_loop3A_410, %parallel_loop3A_422 : vector<16xi1>
        %parallel_loop3A_427 = arith.andi %parallel_loop3A_426, %parallel_loop3A_425 : vector<16xi1>
        %parallel_loop3A_428 = arith.constant 0.000000e+00 : f32
        %parallel_loop3A_429 = vector.broadcast %parallel_loop3A_428 : f32 to vector<16xf32>
        %parallel_loop3A_430 = arith.cmpf one, %parallel_loop3A_134, %parallel_loop3A_429 : vector<16xf32>
        %parallel_loop3A_431 = arith.constant 0.000000e+00 : f32
        %parallel_loop3A_432 = vector.broadcast %parallel_loop3A_431 : f32 to vector<16xf32>
        %parallel_loop3A_433 = arith.cmpf ogt, %parallel_loop3A_158, %parallel_loop3A_432 : vector<16xf32>
        %parallel_loop3A_434 = arith.constant 0.000000e+00 : f32
        %parallel_loop3A_435 = vector.broadcast %parallel_loop3A_434 : f32 to vector<16xf32>
        %parallel_loop3A_436 = arith.cmpf oeq, %parallel_loop3A_186, %parallel_loop3A_435 : vector<16xf32>
        %parallel_loop3A_437 = arith.andi %parallel_loop3A_430, %parallel_loop3A_433 : vector<16xi1>
        %parallel_loop3A_438 = arith.andi %parallel_loop3A_437, %parallel_loop3A_436 : vector<16xi1>
        %parallel_loop3A_439 = arith.andi %parallel_loop3A_430, %parallel_loop3A_325 : vector<16xi1>
        %parallel_loop3A_440 = arith.andi %parallel_loop3A_439, %parallel_loop3A_277 : vector<16xi1>
        %parallel_loop3A_441 = arith.constant 0.000000e+00 : f32
        %parallel_loop3A_442 = vector.broadcast %parallel_loop3A_441 : f32 to vector<16xf32>
        %parallel_loop3A_443 = arith.cmpf one, %parallel_loop3A_138, %parallel_loop3A_442 : vector<16xf32>
        %parallel_loop3A_444 = arith.constant 0.000000e+00 : f32
        %parallel_loop3A_445 = vector.broadcast %parallel_loop3A_444 : f32 to vector<16xf32>
        %parallel_loop3A_446 = arith.cmpf ogt, %parallel_loop3A_162, %parallel_loop3A_445 : vector<16xf32>
        %parallel_loop3A_447 = arith.constant 0.000000e+00 : f32
        %parallel_loop3A_448 = vector.broadcast %parallel_loop3A_447 : f32 to vector<16xf32>
        %parallel_loop3A_449 = arith.cmpf oeq, %parallel_loop3A_190, %parallel_loop3A_448 : vector<16xf32>
        %parallel_loop3A_450 = arith.andi %parallel_loop3A_443, %parallel_loop3A_446 : vector<16xi1>
        %parallel_loop3A_451 = arith.andi %parallel_loop3A_450, %parallel_loop3A_449 : vector<16xi1>
        %parallel_loop3A_452 = arith.andi %parallel_loop3A_443, %parallel_loop3A_422 : vector<16xi1>
        %parallel_loop3A_453 = arith.andi %parallel_loop3A_452, %parallel_loop3A_288 : vector<16xi1>
        %parallel_loop3A_454 = arith.constant 0.000000e+00 : f32
        %parallel_loop3A_455 = vector.broadcast %parallel_loop3A_454 : f32 to vector<16xf32>
        %parallel_loop3A_456 = arith.cmpf one, %parallel_loop3A_142, %parallel_loop3A_455 : vector<16xf32>
        %parallel_loop3A_457 = arith.andi %parallel_loop3A_456, %parallel_loop3A_357 : vector<16xi1>
        %parallel_loop3A_458 = arith.andi %parallel_loop3A_457, %parallel_loop3A_304 : vector<16xi1>
        %parallel_loop3A_459 = arith.constant 0.000000e+00 : f32
        %parallel_loop3A_460 = vector.broadcast %parallel_loop3A_459 : f32 to vector<16xf32>
        %parallel_loop3A_461 = arith.cmpf one, %parallel_loop3A_146, %parallel_loop3A_460 : vector<16xf32>
        %parallel_loop3A_462 = arith.andi %parallel_loop3A_461, %parallel_loop3A_236 : vector<16xi1>
        %parallel_loop3A_463 = arith.andi %parallel_loop3A_462, %parallel_loop3A_317 : vector<16xi1>
        %parallel_loop3A_464 = arith.constant 0.000000e+00 : f32
        %parallel_loop3A_465 = vector.broadcast %parallel_loop3A_464 : f32 to vector<16xf32>
        %parallel_loop3A_466 = arith.cmpf one, %parallel_loop3A_150, %parallel_loop3A_465 : vector<16xf32>
        %parallel_loop3A_467 = arith.andi %parallel_loop3A_466, %parallel_loop3A_301 : vector<16xi1>
        %parallel_loop3A_468 = arith.andi %parallel_loop3A_467, %parallel_loop3A_333 : vector<16xi1>
        %parallel_loop3A_469 = arith.constant 0.000000e+00 : f32
        %parallel_loop3A_470 = vector.broadcast %parallel_loop3A_469 : f32 to vector<16xf32>
        %parallel_loop3A_471 = arith.cmpf ogt, %parallel_loop3A_174, %parallel_loop3A_470 : vector<16xf32>
        %parallel_loop3A_472 = arith.constant 0.000000e+00 : f32
        %parallel_loop3A_473 = vector.broadcast %parallel_loop3A_472 : f32 to vector<16xf32>
        %parallel_loop3A_474 = arith.cmpf oeq, %parallel_loop3A_194, %parallel_loop3A_473 : vector<16xf32>
        %parallel_loop3A_475 = arith.andi %parallel_loop3A_466, %parallel_loop3A_471 : vector<16xi1>
        %parallel_loop3A_476 = arith.andi %parallel_loop3A_475, %parallel_loop3A_474 : vector<16xi1>
        %parallel_loop3A_477 = arith.constant 0.000000e+00 : f32
        %parallel_loop3A_478 = vector.broadcast %parallel_loop3A_477 : f32 to vector<16xf32>
        %parallel_loop3A_479 = arith.cmpf oeq, %parallel_loop3A_142, %parallel_loop3A_478 : vector<16xf32>
        %parallel_loop3A_480 = arith.andi %parallel_loop3A_466, %parallel_loop3A_357 : vector<16xi1>
        %parallel_loop3A_481 = arith.andi %parallel_loop3A_480, %parallel_loop3A_479 : vector<16xi1>
        %parallel_loop3A_482 = arith.andi %parallel_loop3A_466, %parallel_loop3A_392 : vector<16xi1>
        %parallel_loop3A_483 = arith.andi %parallel_loop3A_482, %parallel_loop3A_328 : vector<16xi1>
        %parallel_loop3A_484 = arith.constant 0.000000e+00 : f32
        %parallel_loop3A_485 = vector.broadcast %parallel_loop3A_484 : f32 to vector<16xf32>
        %parallel_loop3A_486 = arith.cmpf one, %parallel_loop3A_154, %parallel_loop3A_485 : vector<16xf32>
        %parallel_loop3A_487 = arith.andi %parallel_loop3A_486, %parallel_loop3A_325 : vector<16xi1>
        %parallel_loop3A_488 = arith.andi %parallel_loop3A_487, %parallel_loop3A_309 : vector<16xi1>
        %parallel_loop3A_489 = arith.constant 0.000000e+00 : f32
        %parallel_loop3A_490 = vector.broadcast %parallel_loop3A_489 : f32 to vector<16xf32>
        %parallel_loop3A_491 = arith.cmpf ogt, %parallel_loop3A_182, %parallel_loop3A_490 : vector<16xf32>
        %parallel_loop3A_492 = arith.constant 0.000000e+00 : f32
        %parallel_loop3A_493 = vector.broadcast %parallel_loop3A_492 : f32 to vector<16xf32>
        %parallel_loop3A_494 = arith.cmpf oeq, %parallel_loop3A_202, %parallel_loop3A_493 : vector<16xf32>
        %parallel_loop3A_495 = arith.andi %parallel_loop3A_486, %parallel_loop3A_491 : vector<16xi1>
        %parallel_loop3A_496 = arith.andi %parallel_loop3A_495, %parallel_loop3A_494 : vector<16xi1>
        %parallel_loop3A_497 = arith.andi %parallel_loop3A_486, %parallel_loop3A_392 : vector<16xi1>
        %parallel_loop3A_498 = arith.andi %parallel_loop3A_497, %parallel_loop3A_304 : vector<16xi1>
        %parallel_loop3A_499 = arith.constant 0.000000e+00 : f32
        %parallel_loop3A_500 = vector.broadcast %parallel_loop3A_499 : f32 to vector<16xf32>
        %parallel_loop3A_501 = arith.cmpf oeq, %parallel_loop3A_162, %parallel_loop3A_500 : vector<16xf32>
        %parallel_loop3A_502 = arith.andi %parallel_loop3A_486, %parallel_loop3A_433 : vector<16xi1>
        %parallel_loop3A_503 = arith.andi %parallel_loop3A_502, %parallel_loop3A_501 : vector<16xi1>
        %parallel_loop3A_504 = arith.constant 0.000000e+00 : f32
        %parallel_loop3A_505 = vector.broadcast %parallel_loop3A_504 : f32 to vector<16xf32>
        %parallel_loop3A_506 = arith.cmpf one, %parallel_loop3A_158, %parallel_loop3A_505 : vector<16xf32>
        %parallel_loop3A_507 = arith.andi %parallel_loop3A_506, %parallel_loop3A_244 : vector<16xi1>
        %parallel_loop3A_508 = arith.andi %parallel_loop3A_507, %parallel_loop3A_317 : vector<16xi1>
        %parallel_loop3A_509 = arith.constant 0.000000e+00 : f32
        %parallel_loop3A_510 = vector.broadcast %parallel_loop3A_509 : f32 to vector<16xf32>
        %parallel_loop3A_511 = arith.cmpf one, %parallel_loop3A_162, %parallel_loop3A_510 : vector<16xf32>
        %parallel_loop3A_512 = arith.andi %parallel_loop3A_511, %parallel_loop3A_433 : vector<16xi1>
        %parallel_loop3A_513 = arith.andi %parallel_loop3A_512, %parallel_loop3A_328 : vector<16xi1>
        %parallel_loop3A_514 = arith.constant 0.000000e+00 : f32
        %parallel_loop3A_515 = vector.broadcast %parallel_loop3A_514 : f32 to vector<16xf32>
        %parallel_loop3A_516 = arith.cmpf one, %parallel_loop3A_166, %parallel_loop3A_515 : vector<16xf32>
        %parallel_loop3A_517 = arith.andi %parallel_loop3A_516, %parallel_loop3A_341 : vector<16xi1>
        %parallel_loop3A_518 = arith.andi %parallel_loop3A_517, %parallel_loop3A_377 : vector<16xi1>
        %parallel_loop3A_519 = arith.constant 0.000000e+00 : f32
        %parallel_loop3A_520 = vector.broadcast %parallel_loop3A_519 : f32 to vector<16xf32>
        %parallel_loop3A_521 = arith.cmpf ogt, %parallel_loop3A_170, %parallel_loop3A_520 : vector<16xf32>
        %parallel_loop3A_522 = arith.andi %parallel_loop3A_516, %parallel_loop3A_521 : vector<16xi1>
        %parallel_loop3A_523 = arith.andi %parallel_loop3A_522, %parallel_loop3A_372 : vector<16xi1>
        %parallel_loop3A_524 = arith.constant 0.000000e+00 : f32
        %parallel_loop3A_525 = vector.broadcast %parallel_loop3A_524 : f32 to vector<16xf32>
        %parallel_loop3A_526 = arith.cmpf one, %parallel_loop3A_170, %parallel_loop3A_525 : vector<16xf32>
        %parallel_loop3A_527 = arith.andi %parallel_loop3A_526, %parallel_loop3A_357 : vector<16xi1>
        %parallel_loop3A_528 = arith.andi %parallel_loop3A_527, %parallel_loop3A_400 : vector<16xi1>
        %parallel_loop3A_529 = arith.andi %parallel_loop3A_526, %parallel_loop3A_471 : vector<16xi1>
        %parallel_loop3A_530 = arith.andi %parallel_loop3A_529, %parallel_loop3A_395 : vector<16xi1>
        %parallel_loop3A_531 = arith.constant 0.000000e+00 : f32
        %parallel_loop3A_532 = vector.broadcast %parallel_loop3A_531 : f32 to vector<16xf32>
        %parallel_loop3A_533 = arith.cmpf one, %parallel_loop3A_174, %parallel_loop3A_532 : vector<16xf32>
        %parallel_loop3A_534 = arith.andi %parallel_loop3A_533, %parallel_loop3A_236 : vector<16xi1>
        %parallel_loop3A_535 = arith.andi %parallel_loop3A_534, %parallel_loop3A_258 : vector<16xi1>
        %parallel_loop3A_536 = arith.constant 0.000000e+00 : f32
        %parallel_loop3A_537 = vector.broadcast %parallel_loop3A_536 : f32 to vector<16xf32>
        %parallel_loop3A_538 = arith.cmpf ogt, %parallel_loop3A_194, %parallel_loop3A_537 : vector<16xf32>
        %parallel_loop3A_539 = arith.constant 0.000000e+00 : f32
        %parallel_loop3A_540 = vector.broadcast %parallel_loop3A_539 : f32 to vector<16xf32>
        %parallel_loop3A_541 = arith.cmpf oeq, %parallel_loop3A_206, %parallel_loop3A_540 : vector<16xf32>
        %parallel_loop3A_542 = arith.andi %parallel_loop3A_533, %parallel_loop3A_538 : vector<16xi1>
        %parallel_loop3A_543 = arith.andi %parallel_loop3A_542, %parallel_loop3A_541 : vector<16xi1>
        %parallel_loop3A_544 = arith.andi %parallel_loop3A_533, %parallel_loop3A_521 : vector<16xi1>
        %parallel_loop3A_545 = arith.andi %parallel_loop3A_544, %parallel_loop3A_344 : vector<16xi1>
        %parallel_loop3A_546 = arith.andi %parallel_loop3A_533, %parallel_loop3A_228 : vector<16xi1>
        %parallel_loop3A_547 = arith.andi %parallel_loop3A_546, %parallel_loop3A_415 : vector<16xi1>
        %parallel_loop3A_548 = arith.constant 0.000000e+00 : f32
        %parallel_loop3A_549 = vector.broadcast %parallel_loop3A_548 : f32 to vector<16xf32>
        %parallel_loop3A_550 = arith.cmpf one, %parallel_loop3A_178, %parallel_loop3A_549 : vector<16xf32>
        %parallel_loop3A_551 = arith.andi %parallel_loop3A_550, %parallel_loop3A_392 : vector<16xi1>
        %parallel_loop3A_552 = arith.andi %parallel_loop3A_551, %parallel_loop3A_277 : vector<16xi1>
        %parallel_loop3A_553 = arith.constant 0.000000e+00 : f32
        %parallel_loop3A_554 = vector.broadcast %parallel_loop3A_553 : f32 to vector<16xf32>
        %parallel_loop3A_555 = arith.cmpf ogt, %parallel_loop3A_198, %parallel_loop3A_554 : vector<16xf32>
        %parallel_loop3A_556 = arith.constant 0.000000e+00 : f32
        %parallel_loop3A_557 = vector.broadcast %parallel_loop3A_556 : f32 to vector<16xf32>
        %parallel_loop3A_558 = arith.cmpf oeq, %parallel_loop3A_210, %parallel_loop3A_557 : vector<16xf32>
        %parallel_loop3A_559 = arith.andi %parallel_loop3A_550, %parallel_loop3A_555 : vector<16xi1>
        %parallel_loop3A_560 = arith.andi %parallel_loop3A_559, %parallel_loop3A_558 : vector<16xi1>
        %parallel_loop3A_561 = arith.andi %parallel_loop3A_550, %parallel_loop3A_471 : vector<16xi1>
        %parallel_loop3A_562 = arith.andi %parallel_loop3A_561, %parallel_loop3A_360 : vector<16xi1>
        %parallel_loop3A_563 = arith.andi %parallel_loop3A_550, %parallel_loop3A_491 : vector<16xi1>
        %parallel_loop3A_564 = arith.andi %parallel_loop3A_563, %parallel_loop3A_436 : vector<16xi1>
        %parallel_loop3A_565 = arith.constant 0.000000e+00 : f32
        %parallel_loop3A_566 = vector.broadcast %parallel_loop3A_565 : f32 to vector<16xf32>
        %parallel_loop3A_567 = arith.cmpf one, %parallel_loop3A_182, %parallel_loop3A_566 : vector<16xf32>
        %parallel_loop3A_568 = arith.andi %parallel_loop3A_567, %parallel_loop3A_244 : vector<16xi1>
        %parallel_loop3A_569 = arith.andi %parallel_loop3A_568, %parallel_loop3A_288 : vector<16xi1>
        %parallel_loop3A_570 = arith.constant 0.000000e+00 : f32
        %parallel_loop3A_571 = vector.broadcast %parallel_loop3A_570 : f32 to vector<16xf32>
        %parallel_loop3A_572 = arith.cmpf ogt, %parallel_loop3A_202, %parallel_loop3A_571 : vector<16xf32>
        %parallel_loop3A_573 = arith.constant 0.000000e+00 : f32
        %parallel_loop3A_574 = vector.broadcast %parallel_loop3A_573 : f32 to vector<16xf32>
        %parallel_loop3A_575 = arith.cmpf oeq, %parallel_loop3A_214, %parallel_loop3A_574 : vector<16xf32>
        %parallel_loop3A_576 = arith.andi %parallel_loop3A_567, %parallel_loop3A_572 : vector<16xi1>
        %parallel_loop3A_577 = arith.andi %parallel_loop3A_576, %parallel_loop3A_575 : vector<16xi1>
        %parallel_loop3A_578 = arith.andi %parallel_loop3A_567, %parallel_loop3A_228 : vector<16xi1>
        %parallel_loop3A_579 = arith.andi %parallel_loop3A_578, %parallel_loop3A_372 : vector<16xi1>
        %parallel_loop3A_580 = arith.constant 0.000000e+00 : f32
        %parallel_loop3A_581 = vector.broadcast %parallel_loop3A_580 : f32 to vector<16xf32>
        %parallel_loop3A_582 = arith.cmpf ogt, %parallel_loop3A_186, %parallel_loop3A_581 : vector<16xf32>
        %parallel_loop3A_583 = arith.andi %parallel_loop3A_567, %parallel_loop3A_582 : vector<16xi1>
        %parallel_loop3A_584 = arith.andi %parallel_loop3A_583, %parallel_loop3A_449 : vector<16xi1>
        %parallel_loop3A_585 = arith.constant 0.000000e+00 : f32
        %parallel_loop3A_586 = vector.broadcast %parallel_loop3A_585 : f32 to vector<16xf32>
        %parallel_loop3A_587 = arith.cmpf one, %parallel_loop3A_186, %parallel_loop3A_586 : vector<16xf32>
        %parallel_loop3A_588 = arith.andi %parallel_loop3A_587, %parallel_loop3A_433 : vector<16xi1>
        %parallel_loop3A_589 = arith.andi %parallel_loop3A_588, %parallel_loop3A_405 : vector<16xi1>
        %parallel_loop3A_590 = arith.andi %parallel_loop3A_587, %parallel_loop3A_491 : vector<16xi1>
        %parallel_loop3A_591 = arith.andi %parallel_loop3A_590, %parallel_loop3A_395 : vector<16xi1>
        %parallel_loop3A_592 = arith.constant 0.000000e+00 : f32
        %parallel_loop3A_593 = vector.broadcast %parallel_loop3A_592 : f32 to vector<16xf32>
        %parallel_loop3A_594 = arith.cmpf one, %parallel_loop3A_190, %parallel_loop3A_593 : vector<16xf32>
        %parallel_loop3A_595 = arith.andi %parallel_loop3A_594, %parallel_loop3A_446 : vector<16xi1>
        %parallel_loop3A_596 = arith.andi %parallel_loop3A_595, %parallel_loop3A_425 : vector<16xi1>
        %parallel_loop3A_597 = arith.andi %parallel_loop3A_594, %parallel_loop3A_582 : vector<16xi1>
        %parallel_loop3A_598 = arith.andi %parallel_loop3A_597, %parallel_loop3A_415 : vector<16xi1>
        %parallel_loop3A_599 = arith.constant 0.000000e+00 : f32
        %parallel_loop3A_600 = vector.broadcast %parallel_loop3A_599 : f32 to vector<16xf32>
        %parallel_loop3A_601 = arith.cmpf one, %parallel_loop3A_194, %parallel_loop3A_600 : vector<16xf32>
        %parallel_loop3A_602 = arith.andi %parallel_loop3A_601, %parallel_loop3A_471 : vector<16xi1>
        %parallel_loop3A_603 = arith.andi %parallel_loop3A_602, %parallel_loop3A_304 : vector<16xi1>
        %parallel_loop3A_604 = arith.andi %parallel_loop3A_601, %parallel_loop3A_555 : vector<16xi1>
        %parallel_loop3A_605 = arith.andi %parallel_loop3A_604, %parallel_loop3A_494 : vector<16xi1>
        %parallel_loop3A_606 = arith.constant 0.000000e+00 : f32
        %parallel_loop3A_607 = vector.broadcast %parallel_loop3A_606 : f32 to vector<16xf32>
        %parallel_loop3A_608 = arith.cmpf one, %parallel_loop3A_198, %parallel_loop3A_607 : vector<16xf32>
        %parallel_loop3A_609 = arith.andi %parallel_loop3A_608, %parallel_loop3A_228 : vector<16xi1>
        %parallel_loop3A_610 = arith.andi %parallel_loop3A_609, %parallel_loop3A_317 : vector<16xi1>
        %parallel_loop3A_611 = arith.constant 0.000000e+00 : f32
        %parallel_loop3A_612 = vector.broadcast %parallel_loop3A_611 : f32 to vector<16xf32>
        %parallel_loop3A_613 = arith.cmpf one, %parallel_loop3A_202, %parallel_loop3A_612 : vector<16xf32>
        %parallel_loop3A_614 = arith.andi %parallel_loop3A_613, %parallel_loop3A_491 : vector<16xi1>
        %parallel_loop3A_615 = arith.andi %parallel_loop3A_614, %parallel_loop3A_328 : vector<16xi1>
        %parallel_loop3A_616 = arith.andi %parallel_loop3A_613, %parallel_loop3A_555 : vector<16xi1>
        %parallel_loop3A_617 = arith.andi %parallel_loop3A_616, %parallel_loop3A_474 : vector<16xi1>
        %parallel_loop3A_618 = arith.constant 0.000000e+00 : f32
        %parallel_loop3A_619 = vector.broadcast %parallel_loop3A_618 : f32 to vector<16xf32>
        %parallel_loop3A_620 = arith.cmpf one, %parallel_loop3A_206, %parallel_loop3A_619 : vector<16xf32>
        %parallel_loop3A_621 = arith.andi %parallel_loop3A_620, %parallel_loop3A_538 : vector<16xi1>
        %parallel_loop3A_622 = arith.andi %parallel_loop3A_621, %parallel_loop3A_372 : vector<16xi1>
        %parallel_loop3A_623 = arith.constant 0.000000e+00 : f32
        %parallel_loop3A_624 = vector.broadcast %parallel_loop3A_623 : f32 to vector<16xf32>
        %parallel_loop3A_625 = arith.cmpf ogt, %parallel_loop3A_210, %parallel_loop3A_624 : vector<16xf32>
        %parallel_loop3A_626 = arith.andi %parallel_loop3A_620, %parallel_loop3A_625 : vector<16xi1>
        %parallel_loop3A_627 = arith.andi %parallel_loop3A_626, %parallel_loop3A_575 : vector<16xi1>
        %parallel_loop3A_628 = arith.constant 0.000000e+00 : f32
        %parallel_loop3A_629 = vector.broadcast %parallel_loop3A_628 : f32 to vector<16xf32>
        %parallel_loop3A_630 = arith.cmpf one, %parallel_loop3A_210, %parallel_loop3A_629 : vector<16xf32>
        %parallel_loop3A_631 = arith.andi %parallel_loop3A_630, %parallel_loop3A_555 : vector<16xi1>
        %parallel_loop3A_632 = arith.andi %parallel_loop3A_631, %parallel_loop3A_395 : vector<16xi1>
        %parallel_loop3A_633 = arith.constant 0.000000e+00 : f32
        %parallel_loop3A_634 = vector.broadcast %parallel_loop3A_633 : f32 to vector<16xf32>
        %parallel_loop3A_635 = arith.cmpf one, %parallel_loop3A_214, %parallel_loop3A_634 : vector<16xf32>
        %parallel_loop3A_636 = arith.andi %parallel_loop3A_635, %parallel_loop3A_572 : vector<16xi1>
        %parallel_loop3A_637 = arith.andi %parallel_loop3A_636, %parallel_loop3A_415 : vector<16xi1>
        %parallel_loop3A_638 = arith.andi %parallel_loop3A_635, %parallel_loop3A_625 : vector<16xi1>
        %parallel_loop3A_639 = arith.andi %parallel_loop3A_638, %parallel_loop3A_541 : vector<16xi1>
        %parallel_loop3A_640 = arith.ori %parallel_loop3A_225, %parallel_loop3A_233 : vector<16xi1>
        %parallel_loop3A_641 = arith.ori %parallel_loop3A_241, %parallel_loop3A_249 : vector<16xi1>
        %parallel_loop3A_642 = arith.ori %parallel_loop3A_260, %parallel_loop3A_268 : vector<16xi1>
        %parallel_loop3A_643 = arith.ori %parallel_loop3A_279, %parallel_loop3A_290 : vector<16xi1>
        %parallel_loop3A_644 = arith.ori %parallel_loop3A_295, %parallel_loop3A_306 : vector<16xi1>
        %parallel_loop3A_645 = arith.ori %parallel_loop3A_311, %parallel_loop3A_319 : vector<16xi1>
        %parallel_loop3A_646 = arith.ori %parallel_loop3A_330, %parallel_loop3A_335 : vector<16xi1>
        %parallel_loop3A_647 = arith.ori %parallel_loop3A_346, %parallel_loop3A_351 : vector<16xi1>
        %parallel_loop3A_648 = arith.ori %parallel_loop3A_362, %parallel_loop3A_364 : vector<16xi1>
        %parallel_loop3A_649 = arith.ori %parallel_loop3A_369, %parallel_loop3A_374 : vector<16xi1>
        %parallel_loop3A_650 = arith.ori %parallel_loop3A_379, %parallel_loop3A_381 : vector<16xi1>
        %parallel_loop3A_651 = arith.ori %parallel_loop3A_389, %parallel_loop3A_397 : vector<16xi1>
        %parallel_loop3A_652 = arith.ori %parallel_loop3A_402, %parallel_loop3A_407 : vector<16xi1>
        %parallel_loop3A_653 = arith.ori %parallel_loop3A_412, %parallel_loop3A_417 : vector<16xi1>
        %parallel_loop3A_654 = arith.ori %parallel_loop3A_419, %parallel_loop3A_427 : vector<16xi1>
        %parallel_loop3A_655 = arith.ori %parallel_loop3A_438, %parallel_loop3A_440 : vector<16xi1>
        %parallel_loop3A_656 = arith.ori %parallel_loop3A_451, %parallel_loop3A_453 : vector<16xi1>
        %parallel_loop3A_657 = arith.ori %parallel_loop3A_458, %parallel_loop3A_463 : vector<16xi1>
        %parallel_loop3A_658 = arith.ori %parallel_loop3A_468, %parallel_loop3A_476 : vector<16xi1>
        %parallel_loop3A_659 = arith.ori %parallel_loop3A_481, %parallel_loop3A_483 : vector<16xi1>
        %parallel_loop3A_660 = arith.ori %parallel_loop3A_488, %parallel_loop3A_496 : vector<16xi1>
        %parallel_loop3A_661 = arith.ori %parallel_loop3A_498, %parallel_loop3A_503 : vector<16xi1>
        %parallel_loop3A_662 = arith.ori %parallel_loop3A_508, %parallel_loop3A_513 : vector<16xi1>
        %parallel_loop3A_663 = arith.ori %parallel_loop3A_518, %parallel_loop3A_523 : vector<16xi1>
        %parallel_loop3A_664 = arith.ori %parallel_loop3A_528, %parallel_loop3A_530 : vector<16xi1>
        %parallel_loop3A_665 = arith.ori %parallel_loop3A_535, %parallel_loop3A_543 : vector<16xi1>
        %parallel_loop3A_666 = arith.ori %parallel_loop3A_545, %parallel_loop3A_547 : vector<16xi1>
        %parallel_loop3A_667 = arith.ori %parallel_loop3A_552, %parallel_loop3A_560 : vector<16xi1>
        %parallel_loop3A_668 = arith.ori %parallel_loop3A_562, %parallel_loop3A_564 : vector<16xi1>
        %parallel_loop3A_669 = arith.ori %parallel_loop3A_569, %parallel_loop3A_577 : vector<16xi1>
        %parallel_loop3A_670 = arith.ori %parallel_loop3A_579, %parallel_loop3A_584 : vector<16xi1>
        %parallel_loop3A_671 = arith.ori %parallel_loop3A_589, %parallel_loop3A_591 : vector<16xi1>
        %parallel_loop3A_672 = arith.ori %parallel_loop3A_596, %parallel_loop3A_598 : vector<16xi1>
        %parallel_loop3A_673 = arith.ori %parallel_loop3A_603, %parallel_loop3A_605 : vector<16xi1>
        %parallel_loop3A_674 = arith.ori %parallel_loop3A_610, %parallel_loop3A_615 : vector<16xi1>
        %parallel_loop3A_675 = arith.ori %parallel_loop3A_617, %parallel_loop3A_622 : vector<16xi1>
        %parallel_loop3A_676 = arith.ori %parallel_loop3A_627, %parallel_loop3A_632 : vector<16xi1>
        %parallel_loop3A_677 = arith.ori %parallel_loop3A_637, %parallel_loop3A_639 : vector<16xi1>
        %parallel_loop3A_678 = arith.ori %parallel_loop3A_640, %parallel_loop3A_641 : vector<16xi1>
        %parallel_loop3A_679 = arith.ori %parallel_loop3A_642, %parallel_loop3A_643 : vector<16xi1>
        %parallel_loop3A_680 = arith.ori %parallel_loop3A_644, %parallel_loop3A_645 : vector<16xi1>
        %parallel_loop3A_681 = arith.ori %parallel_loop3A_646, %parallel_loop3A_647 : vector<16xi1>
        %parallel_loop3A_682 = arith.ori %parallel_loop3A_648, %parallel_loop3A_649 : vector<16xi1>
        %parallel_loop3A_683 = arith.ori %parallel_loop3A_650, %parallel_loop3A_651 : vector<16xi1>
        %parallel_loop3A_684 = arith.ori %parallel_loop3A_652, %parallel_loop3A_653 : vector<16xi1>
        %parallel_loop3A_685 = arith.ori %parallel_loop3A_654, %parallel_loop3A_655 : vector<16xi1>
        %parallel_loop3A_686 = arith.ori %parallel_loop3A_656, %parallel_loop3A_657 : vector<16xi1>
        %parallel_loop3A_687 = arith.ori %parallel_loop3A_658, %parallel_loop3A_659 : vector<16xi1>
        %parallel_loop3A_688 = arith.ori %parallel_loop3A_660, %parallel_loop3A_661 : vector<16xi1>
        %parallel_loop3A_689 = arith.ori %parallel_loop3A_662, %parallel_loop3A_663 : vector<16xi1>
        %parallel_loop3A_690 = arith.ori %parallel_loop3A_664, %parallel_loop3A_665 : vector<16xi1>
        %parallel_loop3A_691 = arith.ori %parallel_loop3A_666, %parallel_loop3A_667 : vector<16xi1>
        %parallel_loop3A_692 = arith.ori %parallel_loop3A_668, %parallel_loop3A_669 : vector<16xi1>
        %parallel_loop3A_693 = arith.ori %parallel_loop3A_670, %parallel_loop3A_671 : vector<16xi1>
        %parallel_loop3A_694 = arith.ori %parallel_loop3A_672, %parallel_loop3A_673 : vector<16xi1>
        %parallel_loop3A_695 = arith.ori %parallel_loop3A_674, %parallel_loop3A_675 : vector<16xi1>
        %parallel_loop3A_696 = arith.ori %parallel_loop3A_676, %parallel_loop3A_677 : vector<16xi1>
        %parallel_loop3A_697 = arith.ori %parallel_loop3A_678, %parallel_loop3A_679 : vector<16xi1>
        %parallel_loop3A_698 = arith.ori %parallel_loop3A_680, %parallel_loop3A_681 : vector<16xi1>
        %parallel_loop3A_699 = arith.ori %parallel_loop3A_682, %parallel_loop3A_683 : vector<16xi1>
        %parallel_loop3A_700 = arith.ori %parallel_loop3A_684, %parallel_loop3A_685 : vector<16xi1>
        %parallel_loop3A_701 = arith.ori %parallel_loop3A_686, %parallel_loop3A_687 : vector<16xi1>
        %parallel_loop3A_702 = arith.ori %parallel_loop3A_688, %parallel_loop3A_689 : vector<16xi1>
        %parallel_loop3A_703 = arith.ori %parallel_loop3A_690, %parallel_loop3A_691 : vector<16xi1>
        %parallel_loop3A_704 = arith.ori %parallel_loop3A_692, %parallel_loop3A_693 : vector<16xi1>
        %parallel_loop3A_705 = arith.ori %parallel_loop3A_694, %parallel_loop3A_695 : vector<16xi1>
        %parallel_loop3A_706 = arith.ori %parallel_loop3A_697, %parallel_loop3A_698 : vector<16xi1>
        %parallel_loop3A_707 = arith.ori %parallel_loop3A_699, %parallel_loop3A_700 : vector<16xi1>
        %parallel_loop3A_708 = arith.ori %parallel_loop3A_701, %parallel_loop3A_702 : vector<16xi1>
        %parallel_loop3A_709 = arith.ori %parallel_loop3A_703, %parallel_loop3A_704 : vector<16xi1>
        %parallel_loop3A_710 = arith.ori %parallel_loop3A_705, %parallel_loop3A_696 : vector<16xi1>
        %parallel_loop3A_711 = arith.ori %parallel_loop3A_706, %parallel_loop3A_707 : vector<16xi1>
        %parallel_loop3A_712 = arith.ori %parallel_loop3A_708, %parallel_loop3A_709 : vector<16xi1>
        %parallel_loop3A_713 = arith.ori %parallel_loop3A_711, %parallel_loop3A_712 : vector<16xi1>
        %parallel_loop3A_714 = arith.ori %parallel_loop3A_713, %parallel_loop3A_710 : vector<16xi1>
        %parallel_loop3A_715 = arith.index_cast %parallel_loop3A_62 : i32 to index
        %parallel_loop3A_716 = tpu.vector_load %arg17[%parallel_loop3A_715] {strides = array<i32>} : memref<256xi32, #tpu.memory_space<vmem>>, vector<16xi32>,
        %parallel_loop3A_717 = arith.constant 0 : i32
        %parallel_loop3A_718 = vector.broadcast %parallel_loop3A_717 : i32 to vector<16xi32>
        %parallel_loop3A_719 = arith.cmpi eq, %parallel_loop3A_716, %parallel_loop3A_718 : vector<16xi32>
        %parallel_loop3A_720 = arith.andi %parallel_loop3A_714, %parallel_loop3A_719 : vector<16xi1>
        %parallel_loop3A_721 = arith.index_cast %parallel_loop3A_62 : i32 to index
        %parallel_loop3A_722 = tpu.vector_load %arg16[%parallel_loop3A_721] {strides = array<i32>} : memref<256xi32, #tpu.memory_space<vmem>>, vector<16xi32>,
        %parallel_loop3A_723 = arith.constant 1 : i32
        %parallel_loop3A_724 = vector.broadcast %parallel_loop3A_723 : i32 to vector<16xi32>
        %parallel_loop3A_725 = arith.subi %parallel_loop3A_722, %parallel_loop3A_724 : vector<16xi32>
        %parallel_loop3A_726 = arith.constant 1 : i32
        %parallel_loop3A_727 = vector.broadcast %parallel_loop3A_726 : i32 to vector<16xi32>
        %parallel_loop3A_728 = arith.cmpi eq, %parallel_loop3A_725, %parallel_loop3A_727 : vector<16xi32>
        %parallel_loop3A_729 = arith.constant 1.000000e+00 : f32
        %parallel_loop3A_730 = vector.broadcast %parallel_loop3A_729 : f32 to vector<16xf32>
        %parallel_loop3A_731 = arith.constant 0.0322580636 : f32
        %parallel_loop3A_732 = vector.broadcast %parallel_loop3A_731 : f32 to vector<16xf32>
        %parallel_loop3A_733 = arith.select %parallel_loop3A_728, %parallel_loop3A_730, %parallel_loop3A_732 : vector<16xi1>, vector<16xf32>
        %parallel_loop3A_734 = arith.constant dense<true> : vector<16xi1>
        %parallel_loop3A_735 = arith.xori %parallel_loop3A_720, %parallel_loop3A_734 : vector<16xi1>
        %parallel_loop3A_736 = arith.ori %parallel_loop3A_728, %parallel_loop3A_735 : vector<16xi1>
        %parallel_loop3A_737 = arith.extui %parallel_loop3A_736 : vector<16xi1> to vector<16xi32>
        %parallel_loop3A_738 = arith.sitofp %parallel_loop3A_725 : vector<16xi32> to vector<16xf32>
        %parallel_loop3A_739 = arith.constant 1.000000e+00 : f32
        %parallel_loop3A_740 = vector.broadcast %parallel_loop3A_739 : f32 to vector<16xf32>
        %parallel_loop3A_741 = arith.subf %parallel_loop3A_738, %parallel_loop3A_740 : vector<16xf32>
        %parallel_loop3A_742 = arith.constant 0.0322580636 : f32
        %parallel_loop3A_743 = vector.broadcast %parallel_loop3A_742 : f32 to vector<16xf32>
        %parallel_loop3A_744 = arith.mulf %parallel_loop3A_741, %parallel_loop3A_743 : vector<16xf32>
        %parallel_loop3A_745 = arith.constant 3.200000e+01 : f32
        %parallel_loop3A_746 = vector.broadcast %parallel_loop3A_745 : f32 to vector<16xf32>
        %parallel_loop3A_747 = arith.subf %parallel_loop3A_746, %parallel_loop3A_738 : vector<16xf32>
        %parallel_loop3A_748 = arith.constant 0.0322580636 : f32
        %parallel_loop3A_749 = vector.broadcast %parallel_loop3A_748 : f32 to vector<16xf32>
        %parallel_loop3A_750 = arith.mulf %parallel_loop3A_747, %parallel_loop3A_749 : vector<16xf32>
        %parallel_loop3A_751 = arith.index_cast %parallel_loop3A_62 : i32 to index
        %parallel_loop3A_752 = tpu.vector_load %arg20[%parallel_loop3A_751] {strides = array<i32>} : memref<256xf32, #tpu.memory_space<vmem>>, vector<16xf32>,
        tpu.vector_store %arg20[%parallel_loop3A_751], %parallel_loop3A_733 {strides = array<i32>} : memref<256xf32, #tpu.memory_space<vmem>>, vector<16xf32>,
        %parallel_loop3A_753 = arith.index_cast %parallel_loop3A_62 : i32 to index
        %parallel_loop3A_754 = tpu.vector_load %arg21[%parallel_loop3A_753] {strides = array<i32>} : memref<256xi32, #tpu.memory_space<vmem>>, vector<16xi32>,
        tpu.vector_store %arg21[%parallel_loop3A_753], %parallel_loop3A_737 {strides = array<i32>} : memref<256xi32, #tpu.memory_space<vmem>>, vector<16xi32>,
        %parallel_loop3A_755 = arith.index_cast %parallel_loop3A_62 : i32 to index
        %parallel_loop3A_756 = tpu.vector_load %arg22[%parallel_loop3A_755] {strides = array<i32>} : memref<256xi32, #tpu.memory_space<vmem>>, vector<16xi32>,
        tpu.vector_store %arg22[%parallel_loop3A_755], %parallel_loop3A_725 {strides = array<i32>} : memref<256xi32, #tpu.memory_space<vmem>>, vector<16xi32>,
        %parallel_loop3A_757 = arith.index_cast %parallel_loop3A_62 : i32 to index
        %parallel_loop3A_758 = tpu.vector_load %arg18[%parallel_loop3A_757] {strides = array<i32>} : memref<256xf32, #tpu.memory_space<vmem>>, vector<16xf32>,
        %parallel_loop3A_759 = arith.addf %parallel_loop3A_758, %parallel_loop3A_733 : vector<16xf32>
        %parallel_loop3A_760 = arith.index_cast %parallel_loop3A_62 : i32 to index
        %parallel_loop3A_761 = tpu.vector_load %arg23[%parallel_loop3A_760] {strides = array<i32>} : memref<256xf32, #tpu.memory_space<vmem>>, vector<16xf32>,
        tpu.vector_store %arg23[%parallel_loop3A_760], %parallel_loop3A_759 {strides = array<i32>} : memref<256xf32, #tpu.memory_space<vmem>>, vector<16xf32>,
        %parallel_loop3A_762 = arith.constant 147 : i32
        %parallel_loop3A_763 = vector.broadcast %parallel_loop3A_762 : i32 to vector<16xi32>
        %parallel_loop3A_764 = arith.muli %parallel_loop3A_65, %parallel_loop3A_763 : vector<16xi32>
        %parallel_loop3A_765 = arith.constant 0 : i32
        %parallel_loop3A_766 = vector.broadcast %parallel_loop3A_765 : i32 to vector<16xi32>
        %parallel_loop3A_767 = arith.addi %parallel_loop3A_764, %parallel_loop3A_766 : vector<16xi32>
        tpu.vector_store_idx %arg19[%parallel_loop3A_767], %parallel_loop3A_74 : memref<37632xf32, #tpu.memory_space<vmem>>[vector<16xi32>], vector<16xf32>,
        %parallel_loop3A_768 = arith.constant 1 : i32
        %parallel_loop3A_769 = vector.broadcast %parallel_loop3A_768 : i32 to vector<16xi32>
        %parallel_loop3A_770 = arith.addi %parallel_loop3A_764, %parallel_loop3A_769 : vector<16xi32>
        tpu.vector_store_idx %arg19[%parallel_loop3A_770], %parallel_loop3A_744 : memref<37632xf32, #tpu.memory_space<vmem>>[vector<16xi32>], vector<16xf32>,
        %parallel_loop3A_771 = arith.constant 2 : i32
        %parallel_loop3A_772 = vector.broadcast %parallel_loop3A_771 : i32 to vector<16xi32>
        %parallel_loop3A_773 = arith.addi %parallel_loop3A_764, %parallel_loop3A_772 : vector<16xi32>
        tpu.vector_store_idx %arg19[%parallel_loop3A_773], %parallel_loop3A_750 : memref<37632xf32, #tpu.memory_space<vmem>>[vector<16xi32>], vector<16xf32>,
        %parallel_loop3A_774 = arith.constant 3 : i32
        %parallel_loop3A_775 = vector.broadcast %parallel_loop3A_774 : i32 to vector<16xi32>
        %parallel_loop3A_776 = arith.addi %parallel_loop3A_764, %parallel_loop3A_775 : vector<16xi32>
        tpu.vector_store_idx %arg19[%parallel_loop3A_776], %parallel_loop3A_74 : memref<37632xf32, #tpu.memory_space<vmem>>[vector<16xi32>], vector<16xf32>,
        %parallel_loop3A_777 = arith.constant 4 : i32
        %parallel_loop3A_778 = vector.broadcast %parallel_loop3A_777 : i32 to vector<16xi32>
        %parallel_loop3A_779 = arith.addi %parallel_loop3A_764, %parallel_loop3A_778 : vector<16xi32>
        tpu.vector_store_idx %arg19[%parallel_loop3A_779], %parallel_loop3A_744 : memref<37632xf32, #tpu.memory_space<vmem>>[vector<16xi32>], vector<16xf32>,
        %parallel_loop3A_780 = arith.constant 5 : i32
        %parallel_loop3A_781 = vector.broadcast %parallel_loop3A_780 : i32 to vector<16xi32>
        %parallel_loop3A_782 = arith.addi %parallel_loop3A_764, %parallel_loop3A_781 : vector<16xi32>
        tpu.vector_store_idx %arg19[%parallel_loop3A_782], %parallel_loop3A_750 : memref<37632xf32, #tpu.memory_space<vmem>>[vector<16xi32>], vector<16xf32>,
        %parallel_loop3A_783 = arith.constant 6 : i32
        %parallel_loop3A_784 = vector.broadcast %parallel_loop3A_783 : i32 to vector<16xi32>
        %parallel_loop3A_785 = arith.addi %parallel_loop3A_764, %parallel_loop3A_784 : vector<16xi32>
        tpu.vector_store_idx %arg19[%parallel_loop3A_785], %parallel_loop3A_90 : memref<37632xf32, #tpu.memory_space<vmem>>[vector<16xi32>], vector<16xf32>,
        %parallel_loop3A_786 = arith.constant 7 : i32
        %parallel_loop3A_787 = vector.broadcast %parallel_loop3A_786 : i32 to vector<16xi32>
        %parallel_loop3A_788 = arith.addi %parallel_loop3A_764, %parallel_loop3A_787 : vector<16xi32>
        tpu.vector_store_idx %arg19[%parallel_loop3A_788], %parallel_loop3A_744 : memref<37632xf32, #tpu.memory_space<vmem>>[vector<16xi32>], vector<16xf32>,
        %parallel_loop3A_789 = arith.constant 8 : i32
        %parallel_loop3A_790 = vector.broadcast %parallel_loop3A_789 : i32 to vector<16xi32>
        %parallel_loop3A_791 = arith.addi %parallel_loop3A_764, %parallel_loop3A_790 : vector<16xi32>
        tpu.vector_store_idx %arg19[%parallel_loop3A_791], %parallel_loop3A_750 : memref<37632xf32, #tpu.memory_space<vmem>>[vector<16xi32>], vector<16xf32>,
        %parallel_loop3A_792 = arith.constant 9 : i32
        %parallel_loop3A_793 = vector.broadcast %parallel_loop3A_792 : i32 to vector<16xi32>
        %parallel_loop3A_794 = arith.addi %parallel_loop3A_764, %parallel_loop3A_793 : vector<16xi32>
        tpu.vector_store_idx %arg19[%parallel_loop3A_794], %parallel_loop3A_94 : memref<37632xf32, #tpu.memory_space<vmem>>[vector<16xi32>], vector<16xf32>,
        %parallel_loop3A_795 = arith.constant 10 : i32
        %parallel_loop3A_796 = vector.broadcast %parallel_loop3A_795 : i32 to vector<16xi32>
        %parallel_loop3A_797 = arith.addi %parallel_loop3A_764, %parallel_loop3A_796 : vector<16xi32>
        tpu.vector_store_idx %arg19[%parallel_loop3A_797], %parallel_loop3A_744 : memref<37632xf32, #tpu.memory_space<vmem>>[vector<16xi32>], vector<16xf32>,
        %parallel_loop3A_798 = arith.constant 11 : i32
        %parallel_loop3A_799 = vector.broadcast %parallel_loop3A_798 : i32 to vector<16xi32>
        %parallel_loop3A_800 = arith.addi %parallel_loop3A_764, %parallel_loop3A_799 : vector<16xi32>
        tpu.vector_store_idx %arg19[%parallel_loop3A_800], %parallel_loop3A_750 : memref<37632xf32, #tpu.memory_space<vmem>>[vector<16xi32>], vector<16xf32>,
        %parallel_loop3A_801 = arith.constant 12 : i32
        %parallel_loop3A_802 = vector.broadcast %parallel_loop3A_801 : i32 to vector<16xi32>
        %parallel_loop3A_803 = arith.addi %parallel_loop3A_764, %parallel_loop3A_802 : vector<16xi32>
        tpu.vector_store_idx %arg19[%parallel_loop3A_803], %parallel_loop3A_98 : memref<37632xf32, #tpu.memory_space<vmem>>[vector<16xi32>], vector<16xf32>,
        %parallel_loop3A_804 = arith.constant 13 : i32
        %parallel_loop3A_805 = vector.broadcast %parallel_loop3A_804 : i32 to vector<16xi32>
        %parallel_loop3A_806 = arith.addi %parallel_loop3A_764, %parallel_loop3A_805 : vector<16xi32>
        tpu.vector_store_idx %arg19[%parallel_loop3A_806], %parallel_loop3A_744 : memref<37632xf32, #tpu.memory_space<vmem>>[vector<16xi32>], vector<16xf32>,
        %parallel_loop3A_807 = arith.constant 14 : i32
        %parallel_loop3A_808 = vector.broadcast %parallel_loop3A_807 : i32 to vector<16xi32>
        %parallel_loop3A_809 = arith.addi %parallel_loop3A_764, %parallel_loop3A_808 : vector<16xi32>
        tpu.vector_store_idx %arg19[%parallel_loop3A_809], %parallel_loop3A_750 : memref<37632xf32, #tpu.memory_space<vmem>>[vector<16xi32>], vector<16xf32>,
        %parallel_loop3A_810 = arith.constant 15 : i32
        %parallel_loop3A_811 = vector.broadcast %parallel_loop3A_810 : i32 to vector<16xi32>
        %parallel_loop3A_812 = arith.addi %parallel_loop3A_764, %parallel_loop3A_811 : vector<16xi32>
        tpu.vector_store_idx %arg19[%parallel_loop3A_812], %parallel_loop3A_74 : memref<37632xf32, #tpu.memory_space<vmem>>[vector<16xi32>], vector<16xf32>,
        %parallel_loop3A_813 = arith.constant 16 : i32
        %parallel_loop3A_814 = vector.broadcast %parallel_loop3A_813 : i32 to vector<16xi32>
        %parallel_loop3A_815 = arith.addi %parallel_loop3A_764, %parallel_loop3A_814 : vector<16xi32>
        tpu.vector_store_idx %arg19[%parallel_loop3A_815], %parallel_loop3A_744 : memref<37632xf32, #tpu.memory_space<vmem>>[vector<16xi32>], vector<16xf32>,
        %parallel_loop3A_816 = arith.constant 17 : i32
        %parallel_loop3A_817 = vector.broadcast %parallel_loop3A_816 : i32 to vector<16xi32>
        %parallel_loop3A_818 = arith.addi %parallel_loop3A_764, %parallel_loop3A_817 : vector<16xi32>
        tpu.vector_store_idx %arg19[%parallel_loop3A_818], %parallel_loop3A_750 : memref<37632xf32, #tpu.memory_space<vmem>>[vector<16xi32>], vector<16xf32>,
        %parallel_loop3A_819 = arith.constant 18 : i32
        %parallel_loop3A_820 = vector.broadcast %parallel_loop3A_819 : i32 to vector<16xi32>
        %parallel_loop3A_821 = arith.addi %parallel_loop3A_764, %parallel_loop3A_820 : vector<16xi32>
        tpu.vector_store_idx %arg19[%parallel_loop3A_821], %parallel_loop3A_74 : memref<37632xf32, #tpu.memory_space<vmem>>[vector<16xi32>], vector<16xf32>,
        %parallel_loop3A_822 = arith.constant 19 : i32
        %parallel_loop3A_823 = vector.broadcast %parallel_loop3A_822 : i32 to vector<16xi32>
        %parallel_loop3A_824 = arith.addi %parallel_loop3A_764, %parallel_loop3A_823 : vector<16xi32>
        tpu.vector_store_idx %arg19[%parallel_loop3A_824], %parallel_loop3A_744 : memref<37632xf32, #tpu.memory_space<vmem>>[vector<16xi32>], vector<16xf32>,
        %parallel_loop3A_825 = arith.constant 20 : i32
        %parallel_loop3A_826 = vector.broadcast %parallel_loop3A_825 : i32 to vector<16xi32>
        %parallel_loop3A_827 = arith.addi %parallel_loop3A_764, %parallel_loop3A_826 : vector<16xi32>
        tpu.vector_store_idx %arg19[%parallel_loop3A_827], %parallel_loop3A_750 : memref<37632xf32, #tpu.memory_space<vmem>>[vector<16xi32>], vector<16xf32>,
        %parallel_loop3A_828 = arith.constant 21 : i32
        %parallel_loop3A_829 = vector.broadcast %parallel_loop3A_828 : i32 to vector<16xi32>
        %parallel_loop3A_830 = arith.addi %parallel_loop3A_764, %parallel_loop3A_829 : vector<16xi32>
        tpu.vector_store_idx %arg19[%parallel_loop3A_830], %parallel_loop3A_74 : memref<37632xf32, #tpu.memory_space<vmem>>[vector<16xi32>], vector<16xf32>,
        %parallel_loop3A_831 = arith.constant 22 : i32
        %parallel_loop3A_832 = vector.broadcast %parallel_loop3A_831 : i32 to vector<16xi32>
        %parallel_loop3A_833 = arith.addi %parallel_loop3A_764, %parallel_loop3A_832 : vector<16xi32>
        tpu.vector_store_idx %arg19[%parallel_loop3A_833], %parallel_loop3A_744 : memref<37632xf32, #tpu.memory_space<vmem>>[vector<16xi32>], vector<16xf32>,
        %parallel_loop3A_834 = arith.constant 23 : i32
        %parallel_loop3A_835 = vector.broadcast %parallel_loop3A_834 : i32 to vector<16xi32>
        %parallel_loop3A_836 = arith.addi %parallel_loop3A_764, %parallel_loop3A_835 : vector<16xi32>
        tpu.vector_store_idx %arg19[%parallel_loop3A_836], %parallel_loop3A_750 : memref<37632xf32, #tpu.memory_space<vmem>>[vector<16xi32>], vector<16xf32>,
        %parallel_loop3A_837 = arith.constant 24 : i32
        %parallel_loop3A_838 = vector.broadcast %parallel_loop3A_837 : i32 to vector<16xi32>
        %parallel_loop3A_839 = arith.addi %parallel_loop3A_764, %parallel_loop3A_838 : vector<16xi32>
        tpu.vector_store_idx %arg19[%parallel_loop3A_839], %parallel_loop3A_74 : memref<37632xf32, #tpu.memory_space<vmem>>[vector<16xi32>], vector<16xf32>,
        %parallel_loop3A_840 = arith.constant 25 : i32
        %parallel_loop3A_841 = vector.broadcast %parallel_loop3A_840 : i32 to vector<16xi32>
        %parallel_loop3A_842 = arith.addi %parallel_loop3A_764, %parallel_loop3A_841 : vector<16xi32>
        tpu.vector_store_idx %arg19[%parallel_loop3A_842], %parallel_loop3A_744 : memref<37632xf32, #tpu.memory_space<vmem>>[vector<16xi32>], vector<16xf32>,
        %parallel_loop3A_843 = arith.constant 26 : i32
        %parallel_loop3A_844 = vector.broadcast %parallel_loop3A_843 : i32 to vector<16xi32>
        %parallel_loop3A_845 = arith.addi %parallel_loop3A_764, %parallel_loop3A_844 : vector<16xi32>
        tpu.vector_store_idx %arg19[%parallel_loop3A_845], %parallel_loop3A_750 : memref<37632xf32, #tpu.memory_space<vmem>>[vector<16xi32>], vector<16xf32>,
        %parallel_loop3A_846 = arith.constant 27 : i32
        %parallel_loop3A_847 = vector.broadcast %parallel_loop3A_846 : i32 to vector<16xi32>
        %parallel_loop3A_848 = arith.addi %parallel_loop3A_764, %parallel_loop3A_847 : vector<16xi32>
        tpu.vector_store_idx %arg19[%parallel_loop3A_848], %parallel_loop3A_102 : memref<37632xf32, #tpu.memory_space<vmem>>[vector<16xi32>], vector<16xf32>,
        %parallel_loop3A_849 = arith.constant 28 : i32
        %parallel_loop3A_850 = vector.broadcast %parallel_loop3A_849 : i32 to vector<16xi32>
        %parallel_loop3A_851 = arith.addi %parallel_loop3A_764, %parallel_loop3A_850 : vector<16xi32>
        tpu.vector_store_idx %arg19[%parallel_loop3A_851], %parallel_loop3A_744 : memref<37632xf32, #tpu.memory_space<vmem>>[vector<16xi32>], vector<16xf32>,
        %parallel_loop3A_852 = arith.constant 29 : i32
        %parallel_loop3A_853 = vector.broadcast %parallel_loop3A_852 : i32 to vector<16xi32>
        %parallel_loop3A_854 = arith.addi %parallel_loop3A_764, %parallel_loop3A_853 : vector<16xi32>
        tpu.vector_store_idx %arg19[%parallel_loop3A_854], %parallel_loop3A_750 : memref<37632xf32, #tpu.memory_space<vmem>>[vector<16xi32>], vector<16xf32>,
        %parallel_loop3A_855 = arith.constant 30 : i32
        %parallel_loop3A_856 = vector.broadcast %parallel_loop3A_855 : i32 to vector<16xi32>
        %parallel_loop3A_857 = arith.addi %parallel_loop3A_764, %parallel_loop3A_856 : vector<16xi32>
        tpu.vector_store_idx %arg19[%parallel_loop3A_857], %parallel_loop3A_106 : memref<37632xf32, #tpu.memory_space<vmem>>[vector<16xi32>], vector<16xf32>,
        %parallel_loop3A_858 = arith.constant 31 : i32
        %parallel_loop3A_859 = vector.broadcast %parallel_loop3A_858 : i32 to vector<16xi32>
        %parallel_loop3A_860 = arith.addi %parallel_loop3A_764, %parallel_loop3A_859 : vector<16xi32>
        tpu.vector_store_idx %arg19[%parallel_loop3A_860], %parallel_loop3A_744 : memref<37632xf32, #tpu.memory_space<vmem>>[vector<16xi32>], vector<16xf32>,
        %parallel_loop3A_861 = arith.constant 32 : i32
        %parallel_loop3A_862 = vector.broadcast %parallel_loop3A_861 : i32 to vector<16xi32>
        %parallel_loop3A_863 = arith.addi %parallel_loop3A_764, %parallel_loop3A_862 : vector<16xi32>
        tpu.vector_store_idx %arg19[%parallel_loop3A_863], %parallel_loop3A_750 : memref<37632xf32, #tpu.memory_space<vmem>>[vector<16xi32>], vector<16xf32>,
        %parallel_loop3A_864 = arith.constant 33 : i32
        %parallel_loop3A_865 = vector.broadcast %parallel_loop3A_864 : i32 to vector<16xi32>
        %parallel_loop3A_866 = arith.addi %parallel_loop3A_764, %parallel_loop3A_865 : vector<16xi32>
        tpu.vector_store_idx %arg19[%parallel_loop3A_866], %parallel_loop3A_110 : memref<37632xf32, #tpu.memory_space<vmem>>[vector<16xi32>], vector<16xf32>,
        %parallel_loop3A_867 = arith.constant 34 : i32
        %parallel_loop3A_868 = vector.broadcast %parallel_loop3A_867 : i32 to vector<16xi32>
        %parallel_loop3A_869 = arith.addi %parallel_loop3A_764, %parallel_loop3A_868 : vector<16xi32>
        tpu.vector_store_idx %arg19[%parallel_loop3A_869], %parallel_loop3A_744 : memref<37632xf32, #tpu.memory_space<vmem>>[vector<16xi32>], vector<16xf32>,
        %parallel_loop3A_870 = arith.constant 35 : i32
        %parallel_loop3A_871 = vector.broadcast %parallel_loop3A_870 : i32 to vector<16xi32>
        %parallel_loop3A_872 = arith.addi %parallel_loop3A_764, %parallel_loop3A_871 : vector<16xi32>
        tpu.vector_store_idx %arg19[%parallel_loop3A_872], %parallel_loop3A_750 : memref<37632xf32, #tpu.memory_space<vmem>>[vector<16xi32>], vector<16xf32>,
        %parallel_loop3A_873 = arith.constant 36 : i32
        %parallel_loop3A_874 = vector.broadcast %parallel_loop3A_873 : i32 to vector<16xi32>
        %parallel_loop3A_875 = arith.addi %parallel_loop3A_764, %parallel_loop3A_874 : vector<16xi32>
        tpu.vector_store_idx %arg19[%parallel_loop3A_875], %parallel_loop3A_74 : memref<37632xf32, #tpu.memory_space<vmem>>[vector<16xi32>], vector<16xf32>,
        %parallel_loop3A_876 = arith.constant 37 : i32
        %parallel_loop3A_877 = vector.broadcast %parallel_loop3A_876 : i32 to vector<16xi32>
        %parallel_loop3A_878 = arith.addi %parallel_loop3A_764, %parallel_loop3A_877 : vector<16xi32>
        tpu.vector_store_idx %arg19[%parallel_loop3A_878], %parallel_loop3A_744 : memref<37632xf32, #tpu.memory_space<vmem>>[vector<16xi32>], vector<16xf32>,
        %parallel_loop3A_879 = arith.constant 38 : i32
        %parallel_loop3A_880 = vector.broadcast %parallel_loop3A_879 : i32 to vector<16xi32>
        %parallel_loop3A_881 = arith.addi %parallel_loop3A_764, %parallel_loop3A_880 : vector<16xi32>
        tpu.vector_store_idx %arg19[%parallel_loop3A_881], %parallel_loop3A_750 : memref<37632xf32, #tpu.memory_space<vmem>>[vector<16xi32>], vector<16xf32>,
        %parallel_loop3A_882 = arith.constant 39 : i32
        %parallel_loop3A_883 = vector.broadcast %parallel_loop3A_882 : i32 to vector<16xi32>
        %parallel_loop3A_884 = arith.addi %parallel_loop3A_764, %parallel_loop3A_883 : vector<16xi32>
        tpu.vector_store_idx %arg19[%parallel_loop3A_884], %parallel_loop3A_74 : memref<37632xf32, #tpu.memory_space<vmem>>[vector<16xi32>], vector<16xf32>,
        %parallel_loop3A_885 = arith.constant 40 : i32
        %parallel_loop3A_886 = vector.broadcast %parallel_loop3A_885 : i32 to vector<16xi32>
        %parallel_loop3A_887 = arith.addi %parallel_loop3A_764, %parallel_loop3A_886 : vector<16xi32>
        tpu.vector_store_idx %arg19[%parallel_loop3A_887], %parallel_loop3A_744 : memref<37632xf32, #tpu.memory_space<vmem>>[vector<16xi32>], vector<16xf32>,
        %parallel_loop3A_888 = arith.constant 41 : i32
        %parallel_loop3A_889 = vector.broadcast %parallel_loop3A_888 : i32 to vector<16xi32>
        %parallel_loop3A_890 = arith.addi %parallel_loop3A_764, %parallel_loop3A_889 : vector<16xi32>
        tpu.vector_store_idx %arg19[%parallel_loop3A_890], %parallel_loop3A_750 : memref<37632xf32, #tpu.memory_space<vmem>>[vector<16xi32>], vector<16xf32>,
        %parallel_loop3A_891 = arith.constant 42 : i32
        %parallel_loop3A_892 = vector.broadcast %parallel_loop3A_891 : i32 to vector<16xi32>
        %parallel_loop3A_893 = arith.addi %parallel_loop3A_764, %parallel_loop3A_892 : vector<16xi32>
        tpu.vector_store_idx %arg19[%parallel_loop3A_893], %parallel_loop3A_114 : memref<37632xf32, #tpu.memory_space<vmem>>[vector<16xi32>], vector<16xf32>,
        %parallel_loop3A_894 = arith.constant 43 : i32
        %parallel_loop3A_895 = vector.broadcast %parallel_loop3A_894 : i32 to vector<16xi32>
        %parallel_loop3A_896 = arith.addi %parallel_loop3A_764, %parallel_loop3A_895 : vector<16xi32>
        tpu.vector_store_idx %arg19[%parallel_loop3A_896], %parallel_loop3A_744 : memref<37632xf32, #tpu.memory_space<vmem>>[vector<16xi32>], vector<16xf32>,
        %parallel_loop3A_897 = arith.constant 44 : i32
        %parallel_loop3A_898 = vector.broadcast %parallel_loop3A_897 : i32 to vector<16xi32>
        %parallel_loop3A_899 = arith.addi %parallel_loop3A_764, %parallel_loop3A_898 : vector<16xi32>
        tpu.vector_store_idx %arg19[%parallel_loop3A_899], %parallel_loop3A_750 : memref<37632xf32, #tpu.memory_space<vmem>>[vector<16xi32>], vector<16xf32>,
        %parallel_loop3A_900 = arith.constant 45 : i32
        %parallel_loop3A_901 = vector.broadcast %parallel_loop3A_900 : i32 to vector<16xi32>
        %parallel_loop3A_902 = arith.addi %parallel_loop3A_764, %parallel_loop3A_901 : vector<16xi32>
        tpu.vector_store_idx %arg19[%parallel_loop3A_902], %parallel_loop3A_118 : memref<37632xf32, #tpu.memory_space<vmem>>[vector<16xi32>], vector<16xf32>,
        %parallel_loop3A_903 = arith.constant 46 : i32
        %parallel_loop3A_904 = vector.broadcast %parallel_loop3A_903 : i32 to vector<16xi32>
        %parallel_loop3A_905 = arith.addi %parallel_loop3A_764, %parallel_loop3A_904 : vector<16xi32>
        tpu.vector_store_idx %arg19[%parallel_loop3A_905], %parallel_loop3A_744 : memref<37632xf32, #tpu.memory_space<vmem>>[vector<16xi32>], vector<16xf32>,
        %parallel_loop3A_906 = arith.constant 47 : i32
        %parallel_loop3A_907 = vector.broadcast %parallel_loop3A_906 : i32 to vector<16xi32>
        %parallel_loop3A_908 = arith.addi %parallel_loop3A_764, %parallel_loop3A_907 : vector<16xi32>
        tpu.vector_store_idx %arg19[%parallel_loop3A_908], %parallel_loop3A_750 : memref<37632xf32, #tpu.memory_space<vmem>>[vector<16xi32>], vector<16xf32>,
        %parallel_loop3A_909 = arith.constant 48 : i32
        %parallel_loop3A_910 = vector.broadcast %parallel_loop3A_909 : i32 to vector<16xi32>
        %parallel_loop3A_911 = arith.addi %parallel_loop3A_764, %parallel_loop3A_910 : vector<16xi32>
        tpu.vector_store_idx %arg19[%parallel_loop3A_911], %parallel_loop3A_122 : memref<37632xf32, #tpu.memory_space<vmem>>[vector<16xi32>], vector<16xf32>,
        %parallel_loop3A_912 = arith.constant 49 : i32
        %parallel_loop3A_913 = vector.broadcast %parallel_loop3A_912 : i32 to vector<16xi32>
        %parallel_loop3A_914 = arith.addi %parallel_loop3A_764, %parallel_loop3A_913 : vector<16xi32>
        tpu.vector_store_idx %arg19[%parallel_loop3A_914], %parallel_loop3A_744 : memref<37632xf32, #tpu.memory_space<vmem>>[vector<16xi32>], vector<16xf32>,
        %parallel_loop3A_915 = arith.constant 50 : i32
        %parallel_loop3A_916 = vector.broadcast %parallel_loop3A_915 : i32 to vector<16xi32>
        %parallel_loop3A_917 = arith.addi %parallel_loop3A_764, %parallel_loop3A_916 : vector<16xi32>
        tpu.vector_store_idx %arg19[%parallel_loop3A_917], %parallel_loop3A_750 : memref<37632xf32, #tpu.memory_space<vmem>>[vector<16xi32>], vector<16xf32>,
        %parallel_loop3A_918 = arith.constant 51 : i32
        %parallel_loop3A_919 = vector.broadcast %parallel_loop3A_918 : i32 to vector<16xi32>
        %parallel_loop3A_920 = arith.addi %parallel_loop3A_764, %parallel_loop3A_919 : vector<16xi32>
        tpu.vector_store_idx %arg19[%parallel_loop3A_920], %parallel_loop3A_126 : memref<37632xf32, #tpu.memory_space<vmem>>[vector<16xi32>], vector<16xf32>,
        %parallel_loop3A_921 = arith.constant 52 : i32
        %parallel_loop3A_922 = vector.broadcast %parallel_loop3A_921 : i32 to vector<16xi32>
        %parallel_loop3A_923 = arith.addi %parallel_loop3A_764, %parallel_loop3A_922 : vector<16xi32>
        tpu.vector_store_idx %arg19[%parallel_loop3A_923], %parallel_loop3A_744 : memref<37632xf32, #tpu.memory_space<vmem>>[vector<16xi32>], vector<16xf32>,
        %parallel_loop3A_924 = arith.constant 53 : i32
        %parallel_loop3A_925 = vector.broadcast %parallel_loop3A_924 : i32 to vector<16xi32>
        %parallel_loop3A_926 = arith.addi %parallel_loop3A_764, %parallel_loop3A_925 : vector<16xi32>
        tpu.vector_store_idx %arg19[%parallel_loop3A_926], %parallel_loop3A_750 : memref<37632xf32, #tpu.memory_space<vmem>>[vector<16xi32>], vector<16xf32>,
        %parallel_loop3A_927 = arith.constant 54 : i32
        %parallel_loop3A_928 = vector.broadcast %parallel_loop3A_927 : i32 to vector<16xi32>
        %parallel_loop3A_929 = arith.addi %parallel_loop3A_764, %parallel_loop3A_928 : vector<16xi32>
        tpu.vector_store_idx %arg19[%parallel_loop3A_929], %parallel_loop3A_130 : memref<37632xf32, #tpu.memory_space<vmem>>[vector<16xi32>], vector<16xf32>,
        %parallel_loop3A_930 = arith.constant 55 : i32
        %parallel_loop3A_931 = vector.broadcast %parallel_loop3A_930 : i32 to vector<16xi32>
        %parallel_loop3A_932 = arith.addi %parallel_loop3A_764, %parallel_loop3A_931 : vector<16xi32>
        tpu.vector_store_idx %arg19[%parallel_loop3A_932], %parallel_loop3A_744 : memref<37632xf32, #tpu.memory_space<vmem>>[vector<16xi32>], vector<16xf32>,
        %parallel_loop3A_933 = arith.constant 56 : i32
        %parallel_loop3A_934 = vector.broadcast %parallel_loop3A_933 : i32 to vector<16xi32>
        %parallel_loop3A_935 = arith.addi %parallel_loop3A_764, %parallel_loop3A_934 : vector<16xi32>
        tpu.vector_store_idx %arg19[%parallel_loop3A_935], %parallel_loop3A_750 : memref<37632xf32, #tpu.memory_space<vmem>>[vector<16xi32>], vector<16xf32>,
        %parallel_loop3A_936 = arith.constant 57 : i32
        %parallel_loop3A_937 = vector.broadcast %parallel_loop3A_936 : i32 to vector<16xi32>
        %parallel_loop3A_938 = arith.addi %parallel_loop3A_764, %parallel_loop3A_937 : vector<16xi32>
        tpu.vector_store_idx %arg19[%parallel_loop3A_938], %parallel_loop3A_134 : memref<37632xf32, #tpu.memory_space<vmem>>[vector<16xi32>], vector<16xf32>,
        %parallel_loop3A_939 = arith.constant 58 : i32
        %parallel_loop3A_940 = vector.broadcast %parallel_loop3A_939 : i32 to vector<16xi32>
        %parallel_loop3A_941 = arith.addi %parallel_loop3A_764, %parallel_loop3A_940 : vector<16xi32>
        tpu.vector_store_idx %arg19[%parallel_loop3A_941], %parallel_loop3A_744 : memref<37632xf32, #tpu.memory_space<vmem>>[vector<16xi32>], vector<16xf32>,
        %parallel_loop3A_942 = arith.constant 59 : i32
        %parallel_loop3A_943 = vector.broadcast %parallel_loop3A_942 : i32 to vector<16xi32>
        %parallel_loop3A_944 = arith.addi %parallel_loop3A_764, %parallel_loop3A_943 : vector<16xi32>
        tpu.vector_store_idx %arg19[%parallel_loop3A_944], %parallel_loop3A_750 : memref<37632xf32, #tpu.memory_space<vmem>>[vector<16xi32>], vector<16xf32>,
        %parallel_loop3A_945 = arith.constant 60 : i32
        %parallel_loop3A_946 = vector.broadcast %parallel_loop3A_945 : i32 to vector<16xi32>
        %parallel_loop3A_947 = arith.addi %parallel_loop3A_764, %parallel_loop3A_946 : vector<16xi32>
        tpu.vector_store_idx %arg19[%parallel_loop3A_947], %parallel_loop3A_138 : memref<37632xf32, #tpu.memory_space<vmem>>[vector<16xi32>], vector<16xf32>,
        %parallel_loop3A_948 = arith.constant 61 : i32
        %parallel_loop3A_949 = vector.broadcast %parallel_loop3A_948 : i32 to vector<16xi32>
        %parallel_loop3A_950 = arith.addi %parallel_loop3A_764, %parallel_loop3A_949 : vector<16xi32>
        tpu.vector_store_idx %arg19[%parallel_loop3A_950], %parallel_loop3A_744 : memref<37632xf32, #tpu.memory_space<vmem>>[vector<16xi32>], vector<16xf32>,
        %parallel_loop3A_951 = arith.constant 62 : i32
        %parallel_loop3A_952 = vector.broadcast %parallel_loop3A_951 : i32 to vector<16xi32>
        %parallel_loop3A_953 = arith.addi %parallel_loop3A_764, %parallel_loop3A_952 : vector<16xi32>
        tpu.vector_store_idx %arg19[%parallel_loop3A_953], %parallel_loop3A_750 : memref<37632xf32, #tpu.memory_space<vmem>>[vector<16xi32>], vector<16xf32>,
        %parallel_loop3A_954 = arith.constant 63 : i32
        %parallel_loop3A_955 = vector.broadcast %parallel_loop3A_954 : i32 to vector<16xi32>
        %parallel_loop3A_956 = arith.addi %parallel_loop3A_764, %parallel_loop3A_955 : vector<16xi32>
        tpu.vector_store_idx %arg19[%parallel_loop3A_956], %parallel_loop3A_142 : memref<37632xf32, #tpu.memory_space<vmem>>[vector<16xi32>], vector<16xf32>,
        %parallel_loop3A_957 = arith.constant 64 : i32
        %parallel_loop3A_958 = vector.broadcast %parallel_loop3A_957 : i32 to vector<16xi32>
        %parallel_loop3A_959 = arith.addi %parallel_loop3A_764, %parallel_loop3A_958 : vector<16xi32>
        tpu.vector_store_idx %arg19[%parallel_loop3A_959], %parallel_loop3A_744 : memref<37632xf32, #tpu.memory_space<vmem>>[vector<16xi32>], vector<16xf32>,
        %parallel_loop3A_960 = arith.constant 65 : i32
        %parallel_loop3A_961 = vector.broadcast %parallel_loop3A_960 : i32 to vector<16xi32>
        %parallel_loop3A_962 = arith.addi %parallel_loop3A_764, %parallel_loop3A_961 : vector<16xi32>
        tpu.vector_store_idx %arg19[%parallel_loop3A_962], %parallel_loop3A_750 : memref<37632xf32, #tpu.memory_space<vmem>>[vector<16xi32>], vector<16xf32>,
        %parallel_loop3A_963 = arith.constant 66 : i32
        %parallel_loop3A_964 = vector.broadcast %parallel_loop3A_963 : i32 to vector<16xi32>
        %parallel_loop3A_965 = arith.addi %parallel_loop3A_764, %parallel_loop3A_964 : vector<16xi32>
        tpu.vector_store_idx %arg19[%parallel_loop3A_965], %parallel_loop3A_146 : memref<37632xf32, #tpu.memory_space<vmem>>[vector<16xi32>], vector<16xf32>,
        %parallel_loop3A_966 = arith.constant 67 : i32
        %parallel_loop3A_967 = vector.broadcast %parallel_loop3A_966 : i32 to vector<16xi32>
        %parallel_loop3A_968 = arith.addi %parallel_loop3A_764, %parallel_loop3A_967 : vector<16xi32>
        tpu.vector_store_idx %arg19[%parallel_loop3A_968], %parallel_loop3A_744 : memref<37632xf32, #tpu.memory_space<vmem>>[vector<16xi32>], vector<16xf32>,
        %parallel_loop3A_969 = arith.constant 68 : i32
        %parallel_loop3A_970 = vector.broadcast %parallel_loop3A_969 : i32 to vector<16xi32>
        %parallel_loop3A_971 = arith.addi %parallel_loop3A_764, %parallel_loop3A_970 : vector<16xi32>
        tpu.vector_store_idx %arg19[%parallel_loop3A_971], %parallel_loop3A_750 : memref<37632xf32, #tpu.memory_space<vmem>>[vector<16xi32>], vector<16xf32>,
        %parallel_loop3A_972 = arith.constant 69 : i32
        %parallel_loop3A_973 = vector.broadcast %parallel_loop3A_972 : i32 to vector<16xi32>
        %parallel_loop3A_974 = arith.addi %parallel_loop3A_764, %parallel_loop3A_973 : vector<16xi32>
        tpu.vector_store_idx %arg19[%parallel_loop3A_974], %parallel_loop3A_150 : memref<37632xf32, #tpu.memory_space<vmem>>[vector<16xi32>], vector<16xf32>,
        %parallel_loop3A_975 = arith.constant 70 : i32
        %parallel_loop3A_976 = vector.broadcast %parallel_loop3A_975 : i32 to vector<16xi32>
        %parallel_loop3A_977 = arith.addi %parallel_loop3A_764, %parallel_loop3A_976 : vector<16xi32>
        tpu.vector_store_idx %arg19[%parallel_loop3A_977], %parallel_loop3A_744 : memref<37632xf32, #tpu.memory_space<vmem>>[vector<16xi32>], vector<16xf32>,
        %parallel_loop3A_978 = arith.constant 71 : i32
        %parallel_loop3A_979 = vector.broadcast %parallel_loop3A_978 : i32 to vector<16xi32>
        %parallel_loop3A_980 = arith.addi %parallel_loop3A_764, %parallel_loop3A_979 : vector<16xi32>
        tpu.vector_store_idx %arg19[%parallel_loop3A_980], %parallel_loop3A_750 : memref<37632xf32, #tpu.memory_space<vmem>>[vector<16xi32>], vector<16xf32>,
        %parallel_loop3A_981 = arith.constant 72 : i32
        %parallel_loop3A_982 = vector.broadcast %parallel_loop3A_981 : i32 to vector<16xi32>
        %parallel_loop3A_983 = arith.addi %parallel_loop3A_764, %parallel_loop3A_982 : vector<16xi32>
        tpu.vector_store_idx %arg19[%parallel_loop3A_983], %parallel_loop3A_86 : memref<37632xf32, #tpu.memory_space<vmem>>[vector<16xi32>], vector<16xf32>,
        %parallel_loop3A_984 = arith.constant 73 : i32
        %parallel_loop3A_985 = vector.broadcast %parallel_loop3A_984 : i32 to vector<16xi32>
        %parallel_loop3A_986 = arith.addi %parallel_loop3A_764, %parallel_loop3A_985 : vector<16xi32>
        tpu.vector_store_idx %arg19[%parallel_loop3A_986], %parallel_loop3A_744 : memref<37632xf32, #tpu.memory_space<vmem>>[vector<16xi32>], vector<16xf32>,
        %parallel_loop3A_987 = arith.constant 74 : i32
        %parallel_loop3A_988 = vector.broadcast %parallel_loop3A_987 : i32 to vector<16xi32>
        %parallel_loop3A_989 = arith.addi %parallel_loop3A_764, %parallel_loop3A_988 : vector<16xi32>
        tpu.vector_store_idx %arg19[%parallel_loop3A_989], %parallel_loop3A_750 : memref<37632xf32, #tpu.memory_space<vmem>>[vector<16xi32>], vector<16xf32>,
        %parallel_loop3A_990 = arith.constant 75 : i32
        %parallel_loop3A_991 = vector.broadcast %parallel_loop3A_990 : i32 to vector<16xi32>
        %parallel_loop3A_992 = arith.addi %parallel_loop3A_764, %parallel_loop3A_991 : vector<16xi32>
        tpu.vector_store_idx %arg19[%parallel_loop3A_992], %parallel_loop3A_154 : memref<37632xf32, #tpu.memory_space<vmem>>[vector<16xi32>], vector<16xf32>,
        %parallel_loop3A_993 = arith.constant 76 : i32
        %parallel_loop3A_994 = vector.broadcast %parallel_loop3A_993 : i32 to vector<16xi32>
        %parallel_loop3A_995 = arith.addi %parallel_loop3A_764, %parallel_loop3A_994 : vector<16xi32>
        tpu.vector_store_idx %arg19[%parallel_loop3A_995], %parallel_loop3A_744 : memref<37632xf32, #tpu.memory_space<vmem>>[vector<16xi32>], vector<16xf32>,
        %parallel_loop3A_996 = arith.constant 77 : i32
        %parallel_loop3A_997 = vector.broadcast %parallel_loop3A_996 : i32 to vector<16xi32>
        %parallel_loop3A_998 = arith.addi %parallel_loop3A_764, %parallel_loop3A_997 : vector<16xi32>
        tpu.vector_store_idx %arg19[%parallel_loop3A_998], %parallel_loop3A_750 : memref<37632xf32, #tpu.memory_space<vmem>>[vector<16xi32>], vector<16xf32>,
        %parallel_loop3A_999 = arith.constant 78 : i32
        %parallel_loop3A_1000 = vector.broadcast %parallel_loop3A_999 : i32 to vector<16xi32>
        %parallel_loop3A_1001 = arith.addi %parallel_loop3A_764, %parallel_loop3A_1000 : vector<16xi32>
        tpu.vector_store_idx %arg19[%parallel_loop3A_1001], %parallel_loop3A_158 : memref<37632xf32, #tpu.memory_space<vmem>>[vector<16xi32>], vector<16xf32>,
        %parallel_loop3A_1002 = arith.constant 79 : i32
        %parallel_loop3A_1003 = vector.broadcast %parallel_loop3A_1002 : i32 to vector<16xi32>
        %parallel_loop3A_1004 = arith.addi %parallel_loop3A_764, %parallel_loop3A_1003 : vector<16xi32>
        tpu.vector_store_idx %arg19[%parallel_loop3A_1004], %parallel_loop3A_744 : memref<37632xf32, #tpu.memory_space<vmem>>[vector<16xi32>], vector<16xf32>,
        %parallel_loop3A_1005 = arith.constant 80 : i32
        %parallel_loop3A_1006 = vector.broadcast %parallel_loop3A_1005 : i32 to vector<16xi32>
        %parallel_loop3A_1007 = arith.addi %parallel_loop3A_764, %parallel_loop3A_1006 : vector<16xi32>
        tpu.vector_store_idx %arg19[%parallel_loop3A_1007], %parallel_loop3A_750 : memref<37632xf32, #tpu.memory_space<vmem>>[vector<16xi32>], vector<16xf32>,
        %parallel_loop3A_1008 = arith.constant 81 : i32
        %parallel_loop3A_1009 = vector.broadcast %parallel_loop3A_1008 : i32 to vector<16xi32>
        %parallel_loop3A_1010 = arith.addi %parallel_loop3A_764, %parallel_loop3A_1009 : vector<16xi32>
        tpu.vector_store_idx %arg19[%parallel_loop3A_1010], %parallel_loop3A_162 : memref<37632xf32, #tpu.memory_space<vmem>>[vector<16xi32>], vector<16xf32>,
        %parallel_loop3A_1011 = arith.constant 82 : i32
        %parallel_loop3A_1012 = vector.broadcast %parallel_loop3A_1011 : i32 to vector<16xi32>
        %parallel_loop3A_1013 = arith.addi %parallel_loop3A_764, %parallel_loop3A_1012 : vector<16xi32>
        tpu.vector_store_idx %arg19[%parallel_loop3A_1013], %parallel_loop3A_744 : memref<37632xf32, #tpu.memory_space<vmem>>[vector<16xi32>], vector<16xf32>,
        %parallel_loop3A_1014 = arith.constant 83 : i32
        %parallel_loop3A_1015 = vector.broadcast %parallel_loop3A_1014 : i32 to vector<16xi32>
        %parallel_loop3A_1016 = arith.addi %parallel_loop3A_764, %parallel_loop3A_1015 : vector<16xi32>
        tpu.vector_store_idx %arg19[%parallel_loop3A_1016], %parallel_loop3A_750 : memref<37632xf32, #tpu.memory_space<vmem>>[vector<16xi32>], vector<16xf32>,
        %parallel_loop3A_1017 = arith.constant 84 : i32
        %parallel_loop3A_1018 = vector.broadcast %parallel_loop3A_1017 : i32 to vector<16xi32>
        %parallel_loop3A_1019 = arith.addi %parallel_loop3A_764, %parallel_loop3A_1018 : vector<16xi32>
        tpu.vector_store_idx %arg19[%parallel_loop3A_1019], %parallel_loop3A_166 : memref<37632xf32, #tpu.memory_space<vmem>>[vector<16xi32>], vector<16xf32>,
        %parallel_loop3A_1020 = arith.constant 85 : i32
        %parallel_loop3A_1021 = vector.broadcast %parallel_loop3A_1020 : i32 to vector<16xi32>
        %parallel_loop3A_1022 = arith.addi %parallel_loop3A_764, %parallel_loop3A_1021 : vector<16xi32>
        tpu.vector_store_idx %arg19[%parallel_loop3A_1022], %parallel_loop3A_744 : memref<37632xf32, #tpu.memory_space<vmem>>[vector<16xi32>], vector<16xf32>,
        %parallel_loop3A_1023 = arith.constant 86 : i32
        %parallel_loop3A_1024 = vector.broadcast %parallel_loop3A_1023 : i32 to vector<16xi32>
        %parallel_loop3A_1025 = arith.addi %parallel_loop3A_764, %parallel_loop3A_1024 : vector<16xi32>
        tpu.vector_store_idx %arg19[%parallel_loop3A_1025], %parallel_loop3A_750 : memref<37632xf32, #tpu.memory_space<vmem>>[vector<16xi32>], vector<16xf32>,
        %parallel_loop3A_1026 = arith.constant 87 : i32
        %parallel_loop3A_1027 = vector.broadcast %parallel_loop3A_1026 : i32 to vector<16xi32>
        %parallel_loop3A_1028 = arith.addi %parallel_loop3A_764, %parallel_loop3A_1027 : vector<16xi32>
        tpu.vector_store_idx %arg19[%parallel_loop3A_1028], %parallel_loop3A_170 : memref<37632xf32, #tpu.memory_space<vmem>>[vector<16xi32>], vector<16xf32>,
        %parallel_loop3A_1029 = arith.constant 88 : i32
        %parallel_loop3A_1030 = vector.broadcast %parallel_loop3A_1029 : i32 to vector<16xi32>
        %parallel_loop3A_1031 = arith.addi %parallel_loop3A_764, %parallel_loop3A_1030 : vector<16xi32>
        tpu.vector_store_idx %arg19[%parallel_loop3A_1031], %parallel_loop3A_744 : memref<37632xf32, #tpu.memory_space<vmem>>[vector<16xi32>], vector<16xf32>,
        %parallel_loop3A_1032 = arith.constant 89 : i32
        %parallel_loop3A_1033 = vector.broadcast %parallel_loop3A_1032 : i32 to vector<16xi32>
        %parallel_loop3A_1034 = arith.addi %parallel_loop3A_764, %parallel_loop3A_1033 : vector<16xi32>
        tpu.vector_store_idx %arg19[%parallel_loop3A_1034], %parallel_loop3A_750 : memref<37632xf32, #tpu.memory_space<vmem>>[vector<16xi32>], vector<16xf32>,
        %parallel_loop3A_1035 = arith.constant 90 : i32
        %parallel_loop3A_1036 = vector.broadcast %parallel_loop3A_1035 : i32 to vector<16xi32>
        %parallel_loop3A_1037 = arith.addi %parallel_loop3A_764, %parallel_loop3A_1036 : vector<16xi32>
        tpu.vector_store_idx %arg19[%parallel_loop3A_1037], %parallel_loop3A_174 : memref<37632xf32, #tpu.memory_space<vmem>>[vector<16xi32>], vector<16xf32>,
        %parallel_loop3A_1038 = arith.constant 91 : i32
        %parallel_loop3A_1039 = vector.broadcast %parallel_loop3A_1038 : i32 to vector<16xi32>
        %parallel_loop3A_1040 = arith.addi %parallel_loop3A_764, %parallel_loop3A_1039 : vector<16xi32>
        tpu.vector_store_idx %arg19[%parallel_loop3A_1040], %parallel_loop3A_744 : memref<37632xf32, #tpu.memory_space<vmem>>[vector<16xi32>], vector<16xf32>,
        %parallel_loop3A_1041 = arith.constant 92 : i32
        %parallel_loop3A_1042 = vector.broadcast %parallel_loop3A_1041 : i32 to vector<16xi32>
        %parallel_loop3A_1043 = arith.addi %parallel_loop3A_764, %parallel_loop3A_1042 : vector<16xi32>
        tpu.vector_store_idx %arg19[%parallel_loop3A_1043], %parallel_loop3A_750 : memref<37632xf32, #tpu.memory_space<vmem>>[vector<16xi32>], vector<16xf32>,
        %parallel_loop3A_1044 = arith.constant 93 : i32
        %parallel_loop3A_1045 = vector.broadcast %parallel_loop3A_1044 : i32 to vector<16xi32>
        %parallel_loop3A_1046 = arith.addi %parallel_loop3A_764, %parallel_loop3A_1045 : vector<16xi32>
        tpu.vector_store_idx %arg19[%parallel_loop3A_1046], %parallel_loop3A_178 : memref<37632xf32, #tpu.memory_space<vmem>>[vector<16xi32>], vector<16xf32>,
        %parallel_loop3A_1047 = arith.constant 94 : i32
        %parallel_loop3A_1048 = vector.broadcast %parallel_loop3A_1047 : i32 to vector<16xi32>
        %parallel_loop3A_1049 = arith.addi %parallel_loop3A_764, %parallel_loop3A_1048 : vector<16xi32>
        tpu.vector_store_idx %arg19[%parallel_loop3A_1049], %parallel_loop3A_744 : memref<37632xf32, #tpu.memory_space<vmem>>[vector<16xi32>], vector<16xf32>,
        %parallel_loop3A_1050 = arith.constant 95 : i32
        %parallel_loop3A_1051 = vector.broadcast %parallel_loop3A_1050 : i32 to vector<16xi32>
        %parallel_loop3A_1052 = arith.addi %parallel_loop3A_764, %parallel_loop3A_1051 : vector<16xi32>
        tpu.vector_store_idx %arg19[%parallel_loop3A_1052], %parallel_loop3A_750 : memref<37632xf32, #tpu.memory_space<vmem>>[vector<16xi32>], vector<16xf32>,
        %parallel_loop3A_1053 = arith.constant 96 : i32
        %parallel_loop3A_1054 = vector.broadcast %parallel_loop3A_1053 : i32 to vector<16xi32>
        %parallel_loop3A_1055 = arith.addi %parallel_loop3A_764, %parallel_loop3A_1054 : vector<16xi32>
        tpu.vector_store_idx %arg19[%parallel_loop3A_1055], %parallel_loop3A_182 : memref<37632xf32, #tpu.memory_space<vmem>>[vector<16xi32>], vector<16xf32>,
        %parallel_loop3A_1056 = arith.constant 97 : i32
        %parallel_loop3A_1057 = vector.broadcast %parallel_loop3A_1056 : i32 to vector<16xi32>
        %parallel_loop3A_1058 = arith.addi %parallel_loop3A_764, %parallel_loop3A_1057 : vector<16xi32>
        tpu.vector_store_idx %arg19[%parallel_loop3A_1058], %parallel_loop3A_744 : memref<37632xf32, #tpu.memory_space<vmem>>[vector<16xi32>], vector<16xf32>,
        %parallel_loop3A_1059 = arith.constant 98 : i32
        %parallel_loop3A_1060 = vector.broadcast %parallel_loop3A_1059 : i32 to vector<16xi32>
        %parallel_loop3A_1061 = arith.addi %parallel_loop3A_764, %parallel_loop3A_1060 : vector<16xi32>
        tpu.vector_store_idx %arg19[%parallel_loop3A_1061], %parallel_loop3A_750 : memref<37632xf32, #tpu.memory_space<vmem>>[vector<16xi32>], vector<16xf32>,
        %parallel_loop3A_1062 = arith.constant 99 : i32
        %parallel_loop3A_1063 = vector.broadcast %parallel_loop3A_1062 : i32 to vector<16xi32>
        %parallel_loop3A_1064 = arith.addi %parallel_loop3A_764, %parallel_loop3A_1063 : vector<16xi32>
        tpu.vector_store_idx %arg19[%parallel_loop3A_1064], %parallel_loop3A_186 : memref<37632xf32, #tpu.memory_space<vmem>>[vector<16xi32>], vector<16xf32>,
        %parallel_loop3A_1065 = arith.constant 100 : i32
        %parallel_loop3A_1066 = vector.broadcast %parallel_loop3A_1065 : i32 to vector<16xi32>
        %parallel_loop3A_1067 = arith.addi %parallel_loop3A_764, %parallel_loop3A_1066 : vector<16xi32>
        tpu.vector_store_idx %arg19[%parallel_loop3A_1067], %parallel_loop3A_744 : memref<37632xf32, #tpu.memory_space<vmem>>[vector<16xi32>], vector<16xf32>,
        %parallel_loop3A_1068 = arith.constant 101 : i32
        %parallel_loop3A_1069 = vector.broadcast %parallel_loop3A_1068 : i32 to vector<16xi32>
        %parallel_loop3A_1070 = arith.addi %parallel_loop3A_764, %parallel_loop3A_1069 : vector<16xi32>
        tpu.vector_store_idx %arg19[%parallel_loop3A_1070], %parallel_loop3A_750 : memref<37632xf32, #tpu.memory_space<vmem>>[vector<16xi32>], vector<16xf32>,
        %parallel_loop3A_1071 = arith.constant 102 : i32
        %parallel_loop3A_1072 = vector.broadcast %parallel_loop3A_1071 : i32 to vector<16xi32>
        %parallel_loop3A_1073 = arith.addi %parallel_loop3A_764, %parallel_loop3A_1072 : vector<16xi32>
        tpu.vector_store_idx %arg19[%parallel_loop3A_1073], %parallel_loop3A_190 : memref<37632xf32, #tpu.memory_space<vmem>>[vector<16xi32>], vector<16xf32>,
        %parallel_loop3A_1074 = arith.constant 103 : i32
        %parallel_loop3A_1075 = vector.broadcast %parallel_loop3A_1074 : i32 to vector<16xi32>
        %parallel_loop3A_1076 = arith.addi %parallel_loop3A_764, %parallel_loop3A_1075 : vector<16xi32>
        tpu.vector_store_idx %arg19[%parallel_loop3A_1076], %parallel_loop3A_744 : memref<37632xf32, #tpu.memory_space<vmem>>[vector<16xi32>], vector<16xf32>,
        %parallel_loop3A_1077 = arith.constant 104 : i32
        %parallel_loop3A_1078 = vector.broadcast %parallel_loop3A_1077 : i32 to vector<16xi32>
        %parallel_loop3A_1079 = arith.addi %parallel_loop3A_764, %parallel_loop3A_1078 : vector<16xi32>
        tpu.vector_store_idx %arg19[%parallel_loop3A_1079], %parallel_loop3A_750 : memref<37632xf32, #tpu.memory_space<vmem>>[vector<16xi32>], vector<16xf32>,
        %parallel_loop3A_1080 = arith.constant 105 : i32
        %parallel_loop3A_1081 = vector.broadcast %parallel_loop3A_1080 : i32 to vector<16xi32>
        %parallel_loop3A_1082 = arith.addi %parallel_loop3A_764, %parallel_loop3A_1081 : vector<16xi32>
        tpu.vector_store_idx %arg19[%parallel_loop3A_1082], %parallel_loop3A_74 : memref<37632xf32, #tpu.memory_space<vmem>>[vector<16xi32>], vector<16xf32>,
        %parallel_loop3A_1083 = arith.constant 106 : i32
        %parallel_loop3A_1084 = vector.broadcast %parallel_loop3A_1083 : i32 to vector<16xi32>
        %parallel_loop3A_1085 = arith.addi %parallel_loop3A_764, %parallel_loop3A_1084 : vector<16xi32>
        tpu.vector_store_idx %arg19[%parallel_loop3A_1085], %parallel_loop3A_744 : memref<37632xf32, #tpu.memory_space<vmem>>[vector<16xi32>], vector<16xf32>,
        %parallel_loop3A_1086 = arith.constant 107 : i32
        %parallel_loop3A_1087 = vector.broadcast %parallel_loop3A_1086 : i32 to vector<16xi32>
        %parallel_loop3A_1088 = arith.addi %parallel_loop3A_764, %parallel_loop3A_1087 : vector<16xi32>
        tpu.vector_store_idx %arg19[%parallel_loop3A_1088], %parallel_loop3A_750 : memref<37632xf32, #tpu.memory_space<vmem>>[vector<16xi32>], vector<16xf32>,
        %parallel_loop3A_1089 = arith.constant 108 : i32
        %parallel_loop3A_1090 = vector.broadcast %parallel_loop3A_1089 : i32 to vector<16xi32>
        %parallel_loop3A_1091 = arith.addi %parallel_loop3A_764, %parallel_loop3A_1090 : vector<16xi32>
        tpu.vector_store_idx %arg19[%parallel_loop3A_1091], %parallel_loop3A_74 : memref<37632xf32, #tpu.memory_space<vmem>>[vector<16xi32>], vector<16xf32>,
        %parallel_loop3A_1092 = arith.constant 109 : i32
        %parallel_loop3A_1093 = vector.broadcast %parallel_loop3A_1092 : i32 to vector<16xi32>
        %parallel_loop3A_1094 = arith.addi %parallel_loop3A_764, %parallel_loop3A_1093 : vector<16xi32>
        tpu.vector_store_idx %arg19[%parallel_loop3A_1094], %parallel_loop3A_744 : memref<37632xf32, #tpu.memory_space<vmem>>[vector<16xi32>], vector<16xf32>,
        %parallel_loop3A_1095 = arith.constant 110 : i32
        %parallel_loop3A_1096 = vector.broadcast %parallel_loop3A_1095 : i32 to vector<16xi32>
        %parallel_loop3A_1097 = arith.addi %parallel_loop3A_764, %parallel_loop3A_1096 : vector<16xi32>
        tpu.vector_store_idx %arg19[%parallel_loop3A_1097], %parallel_loop3A_750 : memref<37632xf32, #tpu.memory_space<vmem>>[vector<16xi32>], vector<16xf32>,
        %parallel_loop3A_1098 = arith.constant 111 : i32
        %parallel_loop3A_1099 = vector.broadcast %parallel_loop3A_1098 : i32 to vector<16xi32>
        %parallel_loop3A_1100 = arith.addi %parallel_loop3A_764, %parallel_loop3A_1099 : vector<16xi32>
        tpu.vector_store_idx %arg19[%parallel_loop3A_1100], %parallel_loop3A_194 : memref<37632xf32, #tpu.memory_space<vmem>>[vector<16xi32>], vector<16xf32>,
        %parallel_loop3A_1101 = arith.constant 112 : i32
        %parallel_loop3A_1102 = vector.broadcast %parallel_loop3A_1101 : i32 to vector<16xi32>
        %parallel_loop3A_1103 = arith.addi %parallel_loop3A_764, %parallel_loop3A_1102 : vector<16xi32>
        tpu.vector_store_idx %arg19[%parallel_loop3A_1103], %parallel_loop3A_744 : memref<37632xf32, #tpu.memory_space<vmem>>[vector<16xi32>], vector<16xf32>,
        %parallel_loop3A_1104 = arith.constant 113 : i32
        %parallel_loop3A_1105 = vector.broadcast %parallel_loop3A_1104 : i32 to vector<16xi32>
        %parallel_loop3A_1106 = arith.addi %parallel_loop3A_764, %parallel_loop3A_1105 : vector<16xi32>
        tpu.vector_store_idx %arg19[%parallel_loop3A_1106], %parallel_loop3A_750 : memref<37632xf32, #tpu.memory_space<vmem>>[vector<16xi32>], vector<16xf32>,
        %parallel_loop3A_1107 = arith.constant 114 : i32
        %parallel_loop3A_1108 = vector.broadcast %parallel_loop3A_1107 : i32 to vector<16xi32>
        %parallel_loop3A_1109 = arith.addi %parallel_loop3A_764, %parallel_loop3A_1108 : vector<16xi32>
        tpu.vector_store_idx %arg19[%parallel_loop3A_1109], %parallel_loop3A_198 : memref<37632xf32, #tpu.memory_space<vmem>>[vector<16xi32>], vector<16xf32>,
        %parallel_loop3A_1110 = arith.constant 115 : i32
        %parallel_loop3A_1111 = vector.broadcast %parallel_loop3A_1110 : i32 to vector<16xi32>
        %parallel_loop3A_1112 = arith.addi %parallel_loop3A_764, %parallel_loop3A_1111 : vector<16xi32>
        tpu.vector_store_idx %arg19[%parallel_loop3A_1112], %parallel_loop3A_744 : memref<37632xf32, #tpu.memory_space<vmem>>[vector<16xi32>], vector<16xf32>,
        %parallel_loop3A_1113 = arith.constant 116 : i32
        %parallel_loop3A_1114 = vector.broadcast %parallel_loop3A_1113 : i32 to vector<16xi32>
        %parallel_loop3A_1115 = arith.addi %parallel_loop3A_764, %parallel_loop3A_1114 : vector<16xi32>
        tpu.vector_store_idx %arg19[%parallel_loop3A_1115], %parallel_loop3A_750 : memref<37632xf32, #tpu.memory_space<vmem>>[vector<16xi32>], vector<16xf32>,
        %parallel_loop3A_1116 = arith.constant 117 : i32
        %parallel_loop3A_1117 = vector.broadcast %parallel_loop3A_1116 : i32 to vector<16xi32>
        %parallel_loop3A_1118 = arith.addi %parallel_loop3A_764, %parallel_loop3A_1117 : vector<16xi32>
        tpu.vector_store_idx %arg19[%parallel_loop3A_1118], %parallel_loop3A_202 : memref<37632xf32, #tpu.memory_space<vmem>>[vector<16xi32>], vector<16xf32>,
        %parallel_loop3A_1119 = arith.constant 118 : i32
        %parallel_loop3A_1120 = vector.broadcast %parallel_loop3A_1119 : i32 to vector<16xi32>
        %parallel_loop3A_1121 = arith.addi %parallel_loop3A_764, %parallel_loop3A_1120 : vector<16xi32>
        tpu.vector_store_idx %arg19[%parallel_loop3A_1121], %parallel_loop3A_744 : memref<37632xf32, #tpu.memory_space<vmem>>[vector<16xi32>], vector<16xf32>,
        %parallel_loop3A_1122 = arith.constant 119 : i32
        %parallel_loop3A_1123 = vector.broadcast %parallel_loop3A_1122 : i32 to vector<16xi32>
        %parallel_loop3A_1124 = arith.addi %parallel_loop3A_764, %parallel_loop3A_1123 : vector<16xi32>
        tpu.vector_store_idx %arg19[%parallel_loop3A_1124], %parallel_loop3A_750 : memref<37632xf32, #tpu.memory_space<vmem>>[vector<16xi32>], vector<16xf32>,
        %parallel_loop3A_1125 = arith.constant 120 : i32
        %parallel_loop3A_1126 = vector.broadcast %parallel_loop3A_1125 : i32 to vector<16xi32>
        %parallel_loop3A_1127 = arith.addi %parallel_loop3A_764, %parallel_loop3A_1126 : vector<16xi32>
        tpu.vector_store_idx %arg19[%parallel_loop3A_1127], %parallel_loop3A_74 : memref<37632xf32, #tpu.memory_space<vmem>>[vector<16xi32>], vector<16xf32>,
        %parallel_loop3A_1128 = arith.constant 121 : i32
        %parallel_loop3A_1129 = vector.broadcast %parallel_loop3A_1128 : i32 to vector<16xi32>
        %parallel_loop3A_1130 = arith.addi %parallel_loop3A_764, %parallel_loop3A_1129 : vector<16xi32>
        tpu.vector_store_idx %arg19[%parallel_loop3A_1130], %parallel_loop3A_744 : memref<37632xf32, #tpu.memory_space<vmem>>[vector<16xi32>], vector<16xf32>,
        %parallel_loop3A_1131 = arith.constant 122 : i32
        %parallel_loop3A_1132 = vector.broadcast %parallel_loop3A_1131 : i32 to vector<16xi32>
        %parallel_loop3A_1133 = arith.addi %parallel_loop3A_764, %parallel_loop3A_1132 : vector<16xi32>
        tpu.vector_store_idx %arg19[%parallel_loop3A_1133], %parallel_loop3A_750 : memref<37632xf32, #tpu.memory_space<vmem>>[vector<16xi32>], vector<16xf32>,
        %parallel_loop3A_1134 = arith.constant 123 : i32
        %parallel_loop3A_1135 = vector.broadcast %parallel_loop3A_1134 : i32 to vector<16xi32>
        %parallel_loop3A_1136 = arith.addi %parallel_loop3A_764, %parallel_loop3A_1135 : vector<16xi32>
        tpu.vector_store_idx %arg19[%parallel_loop3A_1136], %parallel_loop3A_74 : memref<37632xf32, #tpu.memory_space<vmem>>[vector<16xi32>], vector<16xf32>,
        %parallel_loop3A_1137 = arith.constant 124 : i32
        %parallel_loop3A_1138 = vector.broadcast %parallel_loop3A_1137 : i32 to vector<16xi32>
        %parallel_loop3A_1139 = arith.addi %parallel_loop3A_764, %parallel_loop3A_1138 : vector<16xi32>
        tpu.vector_store_idx %arg19[%parallel_loop3A_1139], %parallel_loop3A_744 : memref<37632xf32, #tpu.memory_space<vmem>>[vector<16xi32>], vector<16xf32>,
        %parallel_loop3A_1140 = arith.constant 125 : i32
        %parallel_loop3A_1141 = vector.broadcast %parallel_loop3A_1140 : i32 to vector<16xi32>
        %parallel_loop3A_1142 = arith.addi %parallel_loop3A_764, %parallel_loop3A_1141 : vector<16xi32>
        tpu.vector_store_idx %arg19[%parallel_loop3A_1142], %parallel_loop3A_750 : memref<37632xf32, #tpu.memory_space<vmem>>[vector<16xi32>], vector<16xf32>,
        %parallel_loop3A_1143 = arith.constant 126 : i32
        %parallel_loop3A_1144 = vector.broadcast %parallel_loop3A_1143 : i32 to vector<16xi32>
        %parallel_loop3A_1145 = arith.addi %parallel_loop3A_764, %parallel_loop3A_1144 : vector<16xi32>
        tpu.vector_store_idx %arg19[%parallel_loop3A_1145], %parallel_loop3A_74 : memref<37632xf32, #tpu.memory_space<vmem>>[vector<16xi32>], vector<16xf32>,
        %parallel_loop3A_1146 = arith.constant 127 : i32
        %parallel_loop3A_1147 = vector.broadcast %parallel_loop3A_1146 : i32 to vector<16xi32>
        %parallel_loop3A_1148 = arith.addi %parallel_loop3A_764, %parallel_loop3A_1147 : vector<16xi32>
        tpu.vector_store_idx %arg19[%parallel_loop3A_1148], %parallel_loop3A_744 : memref<37632xf32, #tpu.memory_space<vmem>>[vector<16xi32>], vector<16xf32>,
        %parallel_loop3A_1149 = arith.constant 128 : i32
        %parallel_loop3A_1150 = vector.broadcast %parallel_loop3A_1149 : i32 to vector<16xi32>
        %parallel_loop3A_1151 = arith.addi %parallel_loop3A_764, %parallel_loop3A_1150 : vector<16xi32>
        tpu.vector_store_idx %arg19[%parallel_loop3A_1151], %parallel_loop3A_750 : memref<37632xf32, #tpu.memory_space<vmem>>[vector<16xi32>], vector<16xf32>,
        %parallel_loop3A_1152 = arith.constant 129 : i32
        %parallel_loop3A_1153 = vector.broadcast %parallel_loop3A_1152 : i32 to vector<16xi32>
        %parallel_loop3A_1154 = arith.addi %parallel_loop3A_764, %parallel_loop3A_1153 : vector<16xi32>
        tpu.vector_store_idx %arg19[%parallel_loop3A_1154], %parallel_loop3A_74 : memref<37632xf32, #tpu.memory_space<vmem>>[vector<16xi32>], vector<16xf32>,
        %parallel_loop3A_1155 = arith.constant 130 : i32
        %parallel_loop3A_1156 = vector.broadcast %parallel_loop3A_1155 : i32 to vector<16xi32>
        %parallel_loop3A_1157 = arith.addi %parallel_loop3A_764, %parallel_loop3A_1156 : vector<16xi32>
        tpu.vector_store_idx %arg19[%parallel_loop3A_1157], %parallel_loop3A_744 : memref<37632xf32, #tpu.memory_space<vmem>>[vector<16xi32>], vector<16xf32>,
        %parallel_loop3A_1158 = arith.constant 131 : i32
        %parallel_loop3A_1159 = vector.broadcast %parallel_loop3A_1158 : i32 to vector<16xi32>
        %parallel_loop3A_1160 = arith.addi %parallel_loop3A_764, %parallel_loop3A_1159 : vector<16xi32>
        tpu.vector_store_idx %arg19[%parallel_loop3A_1160], %parallel_loop3A_750 : memref<37632xf32, #tpu.memory_space<vmem>>[vector<16xi32>], vector<16xf32>,
        %parallel_loop3A_1161 = arith.constant 132 : i32
        %parallel_loop3A_1162 = vector.broadcast %parallel_loop3A_1161 : i32 to vector<16xi32>
        %parallel_loop3A_1163 = arith.addi %parallel_loop3A_764, %parallel_loop3A_1162 : vector<16xi32>
        tpu.vector_store_idx %arg19[%parallel_loop3A_1163], %parallel_loop3A_206 : memref<37632xf32, #tpu.memory_space<vmem>>[vector<16xi32>], vector<16xf32>,
        %parallel_loop3A_1164 = arith.constant 133 : i32
        %parallel_loop3A_1165 = vector.broadcast %parallel_loop3A_1164 : i32 to vector<16xi32>
        %parallel_loop3A_1166 = arith.addi %parallel_loop3A_764, %parallel_loop3A_1165 : vector<16xi32>
        tpu.vector_store_idx %arg19[%parallel_loop3A_1166], %parallel_loop3A_744 : memref<37632xf32, #tpu.memory_space<vmem>>[vector<16xi32>], vector<16xf32>,
        %parallel_loop3A_1167 = arith.constant 134 : i32
        %parallel_loop3A_1168 = vector.broadcast %parallel_loop3A_1167 : i32 to vector<16xi32>
        %parallel_loop3A_1169 = arith.addi %parallel_loop3A_764, %parallel_loop3A_1168 : vector<16xi32>
        tpu.vector_store_idx %arg19[%parallel_loop3A_1169], %parallel_loop3A_750 : memref<37632xf32, #tpu.memory_space<vmem>>[vector<16xi32>], vector<16xf32>,
        %parallel_loop3A_1170 = arith.constant 135 : i32
        %parallel_loop3A_1171 = vector.broadcast %parallel_loop3A_1170 : i32 to vector<16xi32>
        %parallel_loop3A_1172 = arith.addi %parallel_loop3A_764, %parallel_loop3A_1171 : vector<16xi32>
        tpu.vector_store_idx %arg19[%parallel_loop3A_1172], %parallel_loop3A_210 : memref<37632xf32, #tpu.memory_space<vmem>>[vector<16xi32>], vector<16xf32>,
        %parallel_loop3A_1173 = arith.constant 136 : i32
        %parallel_loop3A_1174 = vector.broadcast %parallel_loop3A_1173 : i32 to vector<16xi32>
        %parallel_loop3A_1175 = arith.addi %parallel_loop3A_764, %parallel_loop3A_1174 : vector<16xi32>
        tpu.vector_store_idx %arg19[%parallel_loop3A_1175], %parallel_loop3A_744 : memref<37632xf32, #tpu.memory_space<vmem>>[vector<16xi32>], vector<16xf32>,
        %parallel_loop3A_1176 = arith.constant 137 : i32
        %parallel_loop3A_1177 = vector.broadcast %parallel_loop3A_1176 : i32 to vector<16xi32>
        %parallel_loop3A_1178 = arith.addi %parallel_loop3A_764, %parallel_loop3A_1177 : vector<16xi32>
        tpu.vector_store_idx %arg19[%parallel_loop3A_1178], %parallel_loop3A_750 : memref<37632xf32, #tpu.memory_space<vmem>>[vector<16xi32>], vector<16xf32>,
        %parallel_loop3A_1179 = arith.constant 138 : i32
        %parallel_loop3A_1180 = vector.broadcast %parallel_loop3A_1179 : i32 to vector<16xi32>
        %parallel_loop3A_1181 = arith.addi %parallel_loop3A_764, %parallel_loop3A_1180 : vector<16xi32>
        tpu.vector_store_idx %arg19[%parallel_loop3A_1181], %parallel_loop3A_214 : memref<37632xf32, #tpu.memory_space<vmem>>[vector<16xi32>], vector<16xf32>,
        %parallel_loop3A_1182 = arith.constant 139 : i32
        %parallel_loop3A_1183 = vector.broadcast %parallel_loop3A_1182 : i32 to vector<16xi32>
        %parallel_loop3A_1184 = arith.addi %parallel_loop3A_764, %parallel_loop3A_1183 : vector<16xi32>
        tpu.vector_store_idx %arg19[%parallel_loop3A_1184], %parallel_loop3A_744 : memref<37632xf32, #tpu.memory_space<vmem>>[vector<16xi32>], vector<16xf32>,
        %parallel_loop3A_1185 = arith.constant 140 : i32
        %parallel_loop3A_1186 = vector.broadcast %parallel_loop3A_1185 : i32 to vector<16xi32>
        %parallel_loop3A_1187 = arith.addi %parallel_loop3A_764, %parallel_loop3A_1186 : vector<16xi32>
        tpu.vector_store_idx %arg19[%parallel_loop3A_1187], %parallel_loop3A_750 : memref<37632xf32, #tpu.memory_space<vmem>>[vector<16xi32>], vector<16xf32>,
        %parallel_loop3A_1188 = arith.constant 141 : i32
        %parallel_loop3A_1189 = vector.broadcast %parallel_loop3A_1188 : i32 to vector<16xi32>
        %parallel_loop3A_1190 = arith.addi %parallel_loop3A_764, %parallel_loop3A_1189 : vector<16xi32>
        tpu.vector_store_idx %arg19[%parallel_loop3A_1190], %parallel_loop3A_74 : memref<37632xf32, #tpu.memory_space<vmem>>[vector<16xi32>], vector<16xf32>,
        %parallel_loop3A_1191 = arith.constant 142 : i32
        %parallel_loop3A_1192 = vector.broadcast %parallel_loop3A_1191 : i32 to vector<16xi32>
        %parallel_loop3A_1193 = arith.addi %parallel_loop3A_764, %parallel_loop3A_1192 : vector<16xi32>
        tpu.vector_store_idx %arg19[%parallel_loop3A_1193], %parallel_loop3A_744 : memref<37632xf32, #tpu.memory_space<vmem>>[vector<16xi32>], vector<16xf32>,
        %parallel_loop3A_1194 = arith.constant 143 : i32
        %parallel_loop3A_1195 = vector.broadcast %parallel_loop3A_1194 : i32 to vector<16xi32>
        %parallel_loop3A_1196 = arith.addi %parallel_loop3A_764, %parallel_loop3A_1195 : vector<16xi32>
        tpu.vector_store_idx %arg19[%parallel_loop3A_1196], %parallel_loop3A_750 : memref<37632xf32, #tpu.memory_space<vmem>>[vector<16xi32>], vector<16xf32>,
        %parallel_loop3A_1197 = arith.constant 144 : i32
        %parallel_loop3A_1198 = vector.broadcast %parallel_loop3A_1197 : i32 to vector<16xi32>
        %parallel_loop3A_1199 = arith.addi %parallel_loop3A_764, %parallel_loop3A_1198 : vector<16xi32>
        tpu.vector_store_idx %arg19[%parallel_loop3A_1199], %parallel_loop3A_74 : memref<37632xf32, #tpu.memory_space<vmem>>[vector<16xi32>], vector<16xf32>,
        %parallel_loop3A_1200 = arith.constant 145 : i32
        %parallel_loop3A_1201 = vector.broadcast %parallel_loop3A_1200 : i32 to vector<16xi32>
        %parallel_loop3A_1202 = arith.addi %parallel_loop3A_764, %parallel_loop3A_1201 : vector<16xi32>
        tpu.vector_store_idx %arg19[%parallel_loop3A_1202], %parallel_loop3A_744 : memref<37632xf32, #tpu.memory_space<vmem>>[vector<16xi32>], vector<16xf32>,
        %parallel_loop3A_1203 = arith.constant 146 : i32
        %parallel_loop3A_1204 = vector.broadcast %parallel_loop3A_1203 : i32 to vector<16xi32>
        %parallel_loop3A_1205 = arith.addi %parallel_loop3A_764, %parallel_loop3A_1204 : vector<16xi32>
        tpu.vector_store_idx %arg19[%parallel_loop3A_1205], %parallel_loop3A_750 : memref<37632xf32, #tpu.memory_space<vmem>>[vector<16xi32>], vector<16xf32>,
      } {sc.loop_unroll_factor = 1 : i64, sc.parallel_access}
      %mul3A_36 = arith.constant 147 : i32
      %mul3A_37 = arith.muli %add3A_11, %mul3A_36 : i32
      %dma_start3A_38 = tpu.memref_slice %arg9[%mul3A_37] : memref<9633792xf32, #tpu.memory_space<hbm>> -> memref<37632xf32, #tpu.memory_space<hbm>>
      %dma_start3A_39 = tpu.memref_slice %arg9[%mul3A_37] : memref<9633792xf32, #tpu.memory_space<hbm>> -> memref<37632xf32, #tpu.memory_space<hbm>>
      tpu.enqueue_dma source(%arg19 : memref<37632xf32, #tpu.memory_space<vmem>>) target(%dma_start3A_39 : memref<37632xf32, #tpu.memory_space<hbm>>) target_semaphore(%arg38 : memref<!tpu.dma_semaphore, #tpu.memory_space<semaphore_mem>>)
      %dma_start3A_40 = tpu.memref_slice %arg10[%add3A_11] : memref<65536xf32, #tpu.memory_space<hbm>> -> memref<256xf32, #tpu.memory_space<hbm>>
      %dma_start3A_41 = tpu.memref_slice %arg10[%add3A_11] : memref<65536xf32, #tpu.memory_space<hbm>> -> memref<256xf32, #tpu.memory_space<hbm>>
      tpu.enqueue_dma source(%arg20 : memref<256xf32, #tpu.memory_space<vmem>>) target(%dma_start3A_41 : memref<256xf32, #tpu.memory_space<hbm>>) target_semaphore(%arg38 : memref<!tpu.dma_semaphore, #tpu.memory_space<semaphore_mem>>)
      %dma_start3A_42 = tpu.memref_slice %arg11[%add3A_11] : memref<65536xi32, #tpu.memory_space<hbm>> -> memref<256xi32, #tpu.memory_space<hbm>>
      %dma_start3A_43 = tpu.memref_slice %arg11[%add3A_11] : memref<65536xi32, #tpu.memory_space<hbm>> -> memref<256xi32, #tpu.memory_space<hbm>>
      tpu.enqueue_dma source(%arg21 : memref<256xi32, #tpu.memory_space<vmem>>) target(%dma_start3A_43 : memref<256xi32, #tpu.memory_space<hbm>>) target_semaphore(%arg38 : memref<!tpu.dma_semaphore, #tpu.memory_space<semaphore_mem>>)
      %dma_start3A_44 = tpu.memref_slice %arg12[%add3A_11] : memref<65536xi32, #tpu.memory_space<hbm>> -> memref<256xi32, #tpu.memory_space<hbm>>
      %dma_start3A_45 = tpu.memref_slice %arg12[%add3A_11] : memref<65536xi32, #tpu.memory_space<hbm>> -> memref<256xi32, #tpu.memory_space<hbm>>
      tpu.enqueue_dma source(%arg22 : memref<256xi32, #tpu.memory_space<vmem>>) target(%dma_start3A_45 : memref<256xi32, #tpu.memory_space<hbm>>) target_semaphore(%arg38 : memref<!tpu.dma_semaphore, #tpu.memory_space<semaphore_mem>>)
      %dma_start3A_46 = tpu.memref_slice %arg13[%add3A_11] : memref<65536xf32, #tpu.memory_space<hbm>> -> memref<256xf32, #tpu.memory_space<hbm>>
      %dma_start3A_47 = tpu.memref_slice %arg13[%add3A_11] : memref<65536xf32, #tpu.memory_space<hbm>> -> memref<256xf32, #tpu.memory_space<hbm>>
      tpu.enqueue_dma source(%arg23 : memref<256xf32, #tpu.memory_space<vmem>>) target(%dma_start3A_47 : memref<256xf32, #tpu.memory_space<hbm>>) target_semaphore(%arg38 : memref<!tpu.dma_semaphore, #tpu.memory_space<semaphore_mem>>)
      %mul3A_48 = arith.constant 147 : i32
      %mul3A_49 = arith.muli %add3A_11, %mul3A_48 : i32
      %dma_wait3A_50 = tpu.memref_slice %arg9[%mul3A_49] : memref<9633792xf32, #tpu.memory_space<hbm>> -> memref<37632xf32, #tpu.memory_space<hbm>>
      %dma_wait3A_51 = tpu.memref_slice %arg9[%mul3A_49] : memref<9633792xf32, #tpu.memory_space<hbm>> -> memref<37632xf32, #tpu.memory_space<hbm>>
      tpu.wait_dma2 semaphore(%arg38 : memref<!tpu.dma_semaphore, #tpu.memory_space<semaphore_mem>>) src(%arg19 : memref<37632xf32, #tpu.memory_space<vmem>>) dst(%dma_wait3A_51 : memref<37632xf32, #tpu.memory_space<hbm>>)
      %dma_wait3A_52 = tpu.memref_slice %arg10[%add3A_11] : memref<65536xf32, #tpu.memory_space<hbm>> -> memref<256xf32, #tpu.memory_space<hbm>>
      %dma_wait3A_53 = tpu.memref_slice %arg10[%add3A_11] : memref<65536xf32, #tpu.memory_space<hbm>> -> memref<256xf32, #tpu.memory_space<hbm>>
      tpu.wait_dma2 semaphore(%arg38 : memref<!tpu.dma_semaphore, #tpu.memory_space<semaphore_mem>>) src(%arg20 : memref<256xf32, #tpu.memory_space<vmem>>) dst(%dma_wait3A_53 : memref<256xf32, #tpu.memory_space<hbm>>)
      %dma_wait3A_54 = tpu.memref_slice %arg11[%add3A_11] : memref<65536xi32, #tpu.memory_space<hbm>> -> memref<256xi32, #tpu.memory_space<hbm>>
      %dma_wait3A_55 = tpu.memref_slice %arg11[%add3A_11] : memref<65536xi32, #tpu.memory_space<hbm>> -> memref<256xi32, #tpu.memory_space<hbm>>
      tpu.wait_dma2 semaphore(%arg38 : memref<!tpu.dma_semaphore, #tpu.memory_space<semaphore_mem>>) src(%arg21 : memref<256xi32, #tpu.memory_space<vmem>>) dst(%dma_wait3A_55 : memref<256xi32, #tpu.memory_space<hbm>>)
      %dma_wait3A_56 = tpu.memref_slice %arg12[%add3A_11] : memref<65536xi32, #tpu.memory_space<hbm>> -> memref<256xi32, #tpu.memory_space<hbm>>
      %dma_wait3A_57 = tpu.memref_slice %arg12[%add3A_11] : memref<65536xi32, #tpu.memory_space<hbm>> -> memref<256xi32, #tpu.memory_space<hbm>>
      tpu.wait_dma2 semaphore(%arg38 : memref<!tpu.dma_semaphore, #tpu.memory_space<semaphore_mem>>) src(%arg22 : memref<256xi32, #tpu.memory_space<vmem>>) dst(%dma_wait3A_57 : memref<256xi32, #tpu.memory_space<hbm>>)
      %dma_wait3A_58 = tpu.memref_slice %arg13[%add3A_11] : memref<65536xf32, #tpu.memory_space<hbm>> -> memref<256xf32, #tpu.memory_space<hbm>>
      %dma_wait3A_59 = tpu.memref_slice %arg13[%add3A_11] : memref<65536xf32, #tpu.memory_space<hbm>> -> memref<256xf32, #tpu.memory_space<hbm>>
      tpu.wait_dma2 semaphore(%arg38 : memref<!tpu.dma_semaphore, #tpu.memory_space<semaphore_mem>>) src(%arg23 : memref<256xf32, #tpu.memory_space<vmem>>) dst(%dma_wait3A_59 : memref<256xf32, #tpu.memory_space<hbm>>)
    }
    %scan3A_7 = arith.constant 8 : i32
    return
  }
}

</mosaic_0001>

<sc_bundles>
// kernel: kernel.3.cloned.1.call-start
scs
__scs_entry_jumppad:
0x0: {  	(pc) =	sbr.rel $0x88, $3  }
0x1: {  	(tag) =	ssettag $0x0;
	lr =	simm.s32 $0x1  }
0x2: {  	[smem:$0x3F9C] =	sst lr;
	_ =	strace $0xD0000000  }
0x3: {  	_ = 	snop  }
0x4: {  	_ = 	snop  }
0x5: {  	_ = 	snop  }
0x6: {  	_ = 	snop  }
0x7: {  	_ = 	snop  }
__scs_overlays_trampoline_lowered:
0x8: {  	[smem:$0x3FAB] =	sst s0  }
0x9: {  	[smem:$0x3FAC] =	sst s1  }
0xa: {  	[smem:$0x3FAD] =	sst s2  }
0xb: {  	[smem:$0x3FAE] =	sst s3  }
0xc: {  	[smem:$0x3FAF] =	sst s4  }
0xd: {  	[smem:$0x3FB0] =	sst s5  }
0xe: {  	[smem:$0x3FB1] =	sst s6  }
0xf: {  	[smem:$0x3FB2] =	sst s7  }
0x10: {  	[smem:$0x3FB3] =	sst s8  }
0x11: {  	[smem:$0x3FB4] =	sst s9;
	s0 =	simm.s32 @!p0 $0x0  }
0x12: {  	s1 =	sld [smem:$0x3F9A];
	s0 =	simm.s32 @p0 $0x1  }
0x13: {  	[smem:$0x3FB5] =	sst s0;
	s0 =	simm.s32 @!p1 $0x0  }
0x14: {  	s2 =	sld [smem:$0x3F99];
	s0 =	simm.s32 @p1 $0x1  }
0x15: {  	[smem:$0x3FB6] =	sst s0;
	s0 =	simm.s32 @!p2 $0x0  }
0x16: {  	s3 =	sld [smem:$0x3FDB];
	s0 =	simm.s32 @p2 $0x1  }
0x17: {  	s4 =	simm.s32 $0x1BF5;
	[smem:$0x3FB8] =	sst s0  }
0x18: {  	s0 =	sld [smem:$0x3F9B];
	_ =	swait.ge [sflag:s4], $0x0  }
0x19: {  	s7 =	sld [smem:$0x3F9C]  }
0x1a: {  	s8 =	sadd.s32 $0xFFFFE003, lr  }
0x1b: {  	s9 =	sadd.s32 $0xFFFFFEF7, lr;
	s5 =	simm.s32 $0xFFFFFFFF;
	p2 =	slt.u32 s8, $0xFFFFF086  }
0x1c: {  	p1 =	slt.u32 s9, $0xF7A;
	s5 =	simm.s32 @!p2 $0x0  }
0x1d: {  	s5 =	simm.s32 @p1 $0x1;
	p0 =	seq.s32 s7, s2  }
0x1e: {  	s7 =	smul.u32 @!p0 $0xF7A, s2;
	p2 =	seq.s32 @!p0 s5, $0x0  }
0x1f: {  	s9 =	smul.u32 $0xF7A, s1;
	s8 =	simm.s32 @!p0 $0x1BF5;
	p2 =	por !p2, p0  }
0x20: {  	[sflag:s8] =	ssyncset.s32 @!p0 $0xFFFFF086;
	s6 =	sadd.s32 @!p0 s3, s7;
	s7 =	simm.s32 @!p0 $0x108  }
0x21: {  	s3 =	sadd.s32 s3, s9;
	s6 =	sadd.s32 @!p0 $0x88, s6;
	s7 =	simm.s32 @p2 $0x1082  }
0x22: {  	[simem:s7], [sflag:s8] =	dma.local @!p0 [hbm:s6], $0xF7A  }
0x23: {  	s9 =	sor.u32 $0xD0000000, s2;
	s6 =	simm.s32 $0x108;
	_ =	swait.ge @!p0 [sflag:s8], $0x0  }
0x24: {  	s3 =	sadd.s32 $0x88, s3;
	s6 =	simm.s32 @!p1 $0x1082;
	[sflag:s4] =	ssyncset.s32 $0xFFFFF086  }
0x25: {  	[simem:s6], [sflag:s4] =	dma.local [hbm:s3], $0xF7A  }
0x26: {  	[smem:$0x3F9C] =	sst s1;
	(tag) =	ssettag s2;
	_ =	strace s9  }
0x27: {  	s1 =	sld [smem:$0x3FAC]  }
0x28: {  	s2 =	sld [smem:$0x3FAD]  }
0x29: {  	s4 =	sld [smem:$0x3FAF]  }
0x2a: {  	p0 =	seq.s32 s5, $0x0;
	s5 =	sld [smem:$0x3FB0]  }
0x2b: {  	s6 =	sld [smem:$0x3FB1]  }
0x2c: {  	s7 =	sld [smem:$0x3FB2]  }
0x2d: {  	s3 =	simm.s32 $0x108;
	s8 =	sld [smem:$0x3FB3]  }
0x2e: {  	s3 =	simm.s32 @!p0 $0x1082;
	s9 =	sld [smem:$0x3FB4]  }
0x2f: {  	lr =	sadd.s32 s0, s3;
	s0 =	sld [smem:$0x3FAB]  }
0x30: {  	s3 =	sld [smem:$0x3FAE]  }
0x31: {  	[smem:$0x3FB7] =	sst s10  }
0x32: {  	s10 =	sld [smem:$0x3FB5];
	_ =	sdelay $0x3  }
0x33: {  	p0 =	seq.s32 s10, $0x1;
	s10 =	sld [smem:$0x3FB7];
	_ =	sdelay $0x3  }
0x34: {  	[smem:$0x3FB7] =	sst s10  }
0x35: {  	s10 =	sld [smem:$0x3FB6];
	_ =	sdelay $0x3  }
0x36: {  	p1 =	seq.s32 s10, $0x1;
	s10 =	sld [smem:$0x3FB7];
	_ =	sdelay $0x3  }
0x37: {  	[smem:$0x3FB7] =	sst s10  }
0x38: {  	s10 =	sld [smem:$0x3FB8]  }
0x39: {  	_ = 	snop;
	(pc) =	sbr.ind lr, $3  }
0x3a: {  	_ = 	snop  }
0x3b: {  	_ = 	snop  }
0x3c: {  	p2 =	seq.s32 s10, $0x1;
	s10 =	sld [smem:$0x3FB7]  }
0x3d: {  	_ =	shalt  }
0x3e: {  	_ =	shalt  }
0x3f: {  	_ =	shalt  }
0x40: {  	_ =	shalt  }
0x41: {  	_ =	shalt  }
0x42: {  	_ =	shalt  }
0x43: {  	_ =	shalt  }
0x44: {  	_ =	shalt  }
0x45: {  	_ =	shalt  }
0x46: {  	_ =	shalt  }
0x47: {  	_ =	shalt  }
0x48: {  	_ =	shalt  }
0x49: {  	_ =	shalt  }
0x4a: {  	_ =	shalt  }
0x4b: {  	_ =	shalt  }
0x4c: {  	_ =	shalt  }
0x4d: {  	_ =	shalt  }
0x4e: {  	_ =	shalt  }
0x4f: {  	_ =	shalt  }
0x50: {  	_ =	shalt  }
0x51: {  	_ =	shalt  }
0x52: {  	_ =	shalt  }
0x53: {  	_ =	shalt  }
0x54: {  	_ =	shalt  }
0x55: {  	_ =	shalt  }
0x56: {  	_ =	shalt  }
0x57: {  	_ =	shalt  }
0x58: {  	_ =	shalt  }
0x59: {  	_ =	shalt  }
0x5a: {  	_ =	shalt  }
0x5b: {  	_ =	shalt  }
0x5c: {  	_ =	shalt  }
0x5d: {  	_ =	shalt  }
0x5e: {  	_ =	shalt  }
0x5f: {  	_ =	shalt  }
0x60: {  	_ =	shalt  }
0x61: {  	_ =	shalt  }
0x62: {  	_ =	shalt  }
0x63: {  	_ =	shalt  }
0x64: {  	_ =	shalt  }
0x65: {  	_ =	shalt  }
0x66: {  	_ =	shalt  }
0x67: {  	_ =	shalt  }
0x68: {  	_ =	shalt  }
0x69: {  	_ =	shalt  }
0x6a: {  	_ =	shalt  }
0x6b: {  	_ =	shalt  }
0x6c: {  	_ =	shalt  }
0x6d: {  	_ =	shalt  }
0x6e: {  	_ =	shalt  }
0x6f: {  	_ =	shalt  }
0x70: {  	_ =	shalt  }
0x71: {  	_ =	shalt  }
0x72: {  	_ =	shalt  }
0x73: {  	_ =	shalt  }
0x74: {  	_ =	shalt  }
0x75: {  	_ =	shalt  }
0x76: {  	_ =	shalt  }
0x77: {  	_ =	shalt  }
0x78: {  	_ =	shalt  }
0x79: {  	_ =	shalt  }
0x7a: {  	_ =	shalt  }
0x7b: {  	_ =	shalt  }
0x7c: {  	_ =	shalt  }
0x7d: {  	_ =	shalt  }
0x7e: {  	_ =	shalt  }
0x7f: {  	_ =	shalt  }
0x80: {  	_ =	shalt  }
0x81: {  	_ =	shalt  }
0x82: {  	_ =	shalt  }
0x83: {  	_ =	shalt  }
0x84: {  	_ =	shalt  }
0x85: {  	_ =	shalt  }
0x86: {  	_ =	shalt  }
0x87: {  	_ =	shalt  }
.Lfunc_end0:
.L_simem_size_0:
called_computation.1_lowered:
.L_overlay_start_0:
0x88: {  	s2 =	sld [smem:$0x3FD9]  }
0x89: {  	s3 =	sld [smem:$0x3FFE];
	_ =	sdelay $0x1  }
0x8a: {  	s1 =	srdreg.scid  }
0x8b: {  	s0 =	sand.u32 $0x1, s1  }
0x8c: {  	s14 =	sshll.u32 s0, $0xA;
	s2 =	sadd.s32 s3, s2  }
0x8d: {  	s2 =	sadd.s32 s2, s14  }
0x8e: {  	[smem:$0x3FC3] =	sst s2  }
0x8f: {  	_ = 	snop  }
0x90: {  	s2 =	sld [smem:$0x3FD0]  }
0x91: {  	s15 =	sld [smem:$0x3FC8]  }
0x92: {  	s4 =	sld [smem:$0x3FC7]  }
0x93: {  	s6 =	simm.s32 $0xA;
	s7 =	simm.s32 $0x10;
	s5 =	sld [smem:$0x3FC5]  }
0x94: {  	[smem:s7], [sflag:s6] =	dma.local [hbm:s2], $0x1  }
0x95: {  	_ =	swait.eq [sflag:s6], $0x1  }
0x96: {  	s16 =	sld [smem:$0x10]  }
0x97: {  	s17 =	sld [smem:$0x11]  }
0x98: {  	s8 =	sld [smem:$0x12];
	[sflag:s6] =	ssyncset.done $0x0  }
0x99: {  	s9 =	sld [smem:$0x13];
	[sflag:s6] =	ssyncadd.s32 $0xFFFFFFFF  }
0x9a: {  	s18 =	sld [smem:$0x14];
	(tm) =	ssettm $0x1  }
0x9b: {  	s10 =	sld [smem:$0x3FFB];
	_ =	sdelay $0x3  }
0x9c: {  	_ =	strace s10  }
0x9d: {  	s10 =	sld [smem:$0x3FFC];
	_ =	sdelay $0x3  }
0x9e: {  	_ =	strace s10  }
0x9f: {  	s10 =	sld [smem:$0x3FFD];
	_ =	sdelay $0x3  }
0xa0: {  	_ =	strace s10  }
0xa1: {  	_ =	strace $0x8FFFFFFF  }
0xa2: {  	s19 =	sld [smem:$0x3FDB];
	_ =	sdelay $0x1  }
0xa3: {  	s11 =	simm.s32 $_scs_section_size  }
0xa4: {  	s12 =	simm.s32 $_size__tile_overlayer_lowered;
	s13 =	simm.s32 $_tile_overlayer_lowered  }
0xa5: {  	s22 =	simm.s32 $0x1BFF;
	s21 =	sshll.u32 s13, $0x1;
	s10 =	sadd.s32 s11, s19  }
0xa6: {  	s20 =	sshll.u32 s12, $0x1;
	s14 =	simm.s32 $0x0;
	s12 =	sadd.s32 s21, s10  }
0xa7: {  	[timem:s14], [sflag:s22] =	dma.local [hbm:s12], s20  }
0xa8: {  	_ =	swait.ge [sflag:s22], s20  }
0xa9: {  	s11 =	ssub.s32 $0x0, s20;
	[sflag:s22] =	ssyncset.done $0x0  }
0xaa: {  	[sflag:s22] =	ssyncadd.s32 s11;
	_ =	sdelay $0x1  }
0xab: {  	s23 =	simm.s32 $0x1B8B  }
0xac: {  	_ =	swait.ge [sflag:s23], $0x1  }
0xad: {  	[sflag:s23] =	ssyncset.done $0x0  }
0xae: {  	s25 =	simm.s32 $0x1B8E;
	s24 =	sld [smem:$0x3FFE];
	[sflag:s23] =	ssyncadd.s32 $0xFFFFFFFF  }
0xaf: {  	s26 =	simm.s32 $execute0_lowered;
	[smem:$0x3FD2] =	sst s25  }
0xb0: {  	s12 =	sshll.u32 s26, $0x1;
	_ =	strace $0x80000046;
	[dreg:$0x1] =	wrdreg $0xFFFFFFFF  }
0xb1: {  	s28 =	simm.s32 $_size_execute0_lowered;
	s10 =	sadd.s32 s10, s12;
	[dreg:$0x0] =	wrdreg $0x0  }
0xb2: {  	s12 =	sshll.u32 s28, $0x1;
	[dreg:$0x2] =	wrdreg s10  }
0xb3: {  	[dreg:$0x3] =	wrdreg s12  }
0xb4: {  	[dreg:$0x4] =	wrdreg $0xC0  }
0xb5: {  	_ =	task [dreg:s14], $0x5FFFF  }
0xb6: {  	[dreg:$0x1] =	wrdreg $0xFFFFFFFF  }
0xb7: {  	[dreg:$0x0] =	wrdreg $0x60  }
0xb8: {  	[dreg:$0x2] =	wrdreg s24  }
0xb9: {  	[dreg:$0x3] =	wrdreg s5  }
0xba: {  	[dreg:$0x4] =	wrdreg s4  }
0xbb: {  	[dreg:$0x5] =	wrdreg s15  }
0xbc: {  	[dreg:$0x6] =	wrdreg s8  }
0xbd: {  	[dreg:$0x7] =	wrdreg s17  }
0xbe: {  	[dreg:$0x8] =	wrdreg s16  }
0xbf: {  	[dreg:$0x9] =	wrdreg s9  }
0xc0: {  	[dreg:$0xa] =	wrdreg s18  }
0xc1: {  	[dreg:$0xb] =	wrdreg $0x9  }
0xc2: {  	_ =	task.clear_ibuf [dreg:s14], $0xCFFFF;
	_ =	strace $0x90000046  }
0xc3: {  	s29 =	simm.s32 $0x9;
	_ =	strace $0x80000048  }
0xc4: {  	_ =	swait.ge [sflag:s29], $0x1  }
0xc5: {  	[sflag:s29] =	ssyncadd.s32 $0xFFFFFFFF  }
0xc6: {  	_ =	strace $0x90000048  }
0xc7: {  	_ =	sfence  }
0xc8: {  	s30 =	sld [smem:$0x0];
	_ =	sdelay $0x2  }
0xc9: {  	s31 =	sshll.u32 s1, $0xD;
	s1 =	sshrl.u32 s1, $0x2  }
0xca: {  	s3 =	sand.u32 $0x4000, s31;
	s1 =	sadd.s32 s1, s30  }
0xcb: {  	s0 =	sor.u32 s3, s0;
	s1 =	sshll.u32 s1, $0x11  }
0xcc: {  	s0 =	sor.u32 s1, s0  }
0xcd: {  	s0 =	sadd.s32 $0x8F2B, s0  }
0xce: {  	[sflag:s0] =	ssyncadd.remote.s32 $0x1  }
0xcf: {  	_ =	sfence.sel $0xFFFF  }
0xd0: {  	[dreg:$0x0] =	wrdreg $0xFFFFFFFF;
	(pc) =	sbr.abs _section_cstart, $3  }
0xd1: {  	[dreg:$0x1] =	wrdreg $0xFFFFFFFF  }
0xd2: {  	_ =	task.clear_ibuf [dreg:s14], $0x2FFFF;
	_ =	strace $0x9FFFFFFF  }
0xd3: {  	(tm) =	ssettm $0x7FFFFFFF  }
tec
execute0_lowered:
.L_overlay_start_1:
0x0: {  	(tag) =	ssettag $0x1  }
0x1: {  	s2 =	rddreg [dreg:$0x0]  }
0x2: {  	s0 =	rddreg [dreg:$0x1]  }
0x3: {  	s1 =	rddreg [dreg:$0x2]  }
0x4: {  	s3 =	rddreg [dreg:$0x3]  }
0x5: {  	s5 =	rddreg [dreg:$0x5]  }
0x6: {  	s6 =	rddreg [dreg:$0x6]  }
0x7: {  	s7 =	rddreg [dreg:$0x7]  }
0x8: {  	s8 =	rddreg [dreg:$0x8]  }
0x9: {  	s9 =	simm.s32 $0x0;
	s4 =	srdreg.scid;
	s14 =	stileid.u32  }
0xa: {  	s17 =	simm.s32 $0xBC00;
	s19 =	simm.s32 $0xBD00;
	s20 =	simm.s32 $0x2100  }
0xb: {  	s21 =	simm.s32 $0x2200;
	s22 =	simm.s32 $0x2300;
	s23 =	simm.s32 $0x2400  }
0xc: {  	s28 =	simm.s32 $0xB900;
	s29 =	simm.s32 $0xBA00;
	s30 =	simm.s32 $0xBB00  }
0xd: {  	s31 =	simm.s32 $0x2;
	[smem:$0x7FF] =	sst s9;
	s4 =	sand.u32 $0x1, s4  }
0xe: {  	s11 =	sadd.s32 $0x3200, s2;
	s12 =	sadd.s32 $0x1200, s2;
	s13 =	sadd.s32 $0x45200, s2  }
0xf: {  	s25 =	sshll.u32 s14, $0xC;
	s14 =	sadd.s32 $0x45400, s2;
	s10 =	ssub.s32 $0x2, s4  }
0x10: {  	_ =	strace $0x80000047;
	s4 =	sshll.u32 s4, $0xB;
	s24 =	sshrl.u32 s10, $0x1  }
0x11: {  	[dreg:$0xa] =	wrdreg s13;
	s15 =	sor.u32 s4, s25;
	s10 =	ssub.s32 s10, s24  }
0x12: {  	v0 =	vlaneseq.u32;
	v1 =	vimm.f32 $0.0e+00;
	s25 =	simm.s32 $0x2500;
	s4 =	simm.s32 $0x0;
	s26 =	smax.u32 s10, $0x1  }
0x13: {  	v2 =	vimm.f32 $1.000000000e+00;
	v3 =	vimm.f32 $3.225806360e-02;
	v4 =	vimm.s32 $0x0;
	s24 =	simm.s32 $0x1;
	[dreg:$0xb] =	wrdreg s26;
	s26 =	simm.s32 $0xB800  }
.LBB2_1:
0x14: {  	[dreg:$0xc] =	wrdreg s4  }
0x15: {  	s2 =	rddreg [dreg:$0x4];
	s16 =	simm.s32 $0x3  }
0x16: {  	[tilespmem:s17], [sflag:$0x3] =	stream.linear.gather [hbm4b:s2+s9], $0x100, $0x38;
	[tilespmem:$0xBE00] =	vst v63  }
0x17: {  	_ =	swait.ge [sflag:s16], $0x100  }
0x18: {  	[sflag:s16] =	ssyncset.done $0x0  }
0x19: {  	s18 =	rddreg [dreg:$0xa];
	[sflag:s16] =	ssyncadd.s32 $0xFFFFFF00  }
0x1a: {  	[tilespmem:s19], [sflag:$0x3] =	stream.linear.gather [hbm4b:s18+s9], $0x100, $0x38;
	[tilespmem:$0xBE00] =	vst v63  }
0x1b: {  	_ =	swait.ge [sflag:s16], $0x100  }
0x1c: {  	[sflag:s16] =	ssyncset.done $0x0  }
0x1d: {  	s10 =	simm.s32 $0x0;
	[sflag:s16] =	ssyncadd.s32 $0xFFFFFF00  }
.LBB2_2:
0x1e: {  	s2 =	sshll.u32 s10, $0x8  }
0x1f: {  	s13 =	sadd.s32 s15, s2  }
0x20: {  	s2 =	smul.u32 $0x21, s13;
	_ =	sdelay $0x1  }
0x21: {  	s2 =	sshrl.u32 s2, $0x3  }
0x22: {  	s16 =	simm.s32 $0x0;
	s4 =	sshrl.u32 s13, $0x3;
	s2 =	sadd.s32 s11, s2  }
0x23: {  	[tilespmem:s16], [sflag:$0x1] =	stream.linear.gather [hbm4b:s2+s16], $0x2100, $0x38;
	[tilespmem:$0xBE00] =	vst v63  }
0x24: {  	s18 =	sadd.s32 s0, s4  }
0x25: {  	[tilespmem:s20], [sflag:$0x1] =	stream.linear.gather [hbm4b:s18+s16], $0x100, $0x38;
	[tilespmem:$0xBE00] =	vst v63  }
0x26: {  	s18 =	sadd.s32 s1, s4  }
0x27: {  	[tilespmem:s21], [sflag:$0x1] =	stream.linear.gather [hbm4b:s18+s16], $0x100, $0x38;
	[tilespmem:$0xBE00] =	vst v63  }
0x28: {  	s18 =	sadd.s32 s12, s4  }
0x29: {  	[tilespmem:s22], [sflag:$0x1] =	stream.linear.gather [hbm4b:s18+s16], $0x100, $0x38;
	[tilespmem:$0xBE00] =	vst v63  }
0x2a: {  	s18 =	sadd.s32 s3, s4  }
0x2b: {  	[tilespmem:s23], [sflag:$0x1] =	stream.linear.gather [hbm4b:s18+s16], $0x100, $0x38;
	[tilespmem:$0xBE00] =	vst v63  }
0x2c: {  	_ =	swait.ge [sflag:s24], $0x2100  }
0x2d: {  	[sflag:s24] =	ssyncset.done $0x0  }
0x2e: {  	[sflag:s24] =	ssyncadd.s32 $0xFFFFDF00  }
0x2f: {  	_ =	swait.ge [sflag:s24], $0x100  }
0x30: {  	[sflag:s24] =	ssyncset.done $0x0  }
0x31: {  	[sflag:s24] =	ssyncadd.s32 $0xFFFFFF00  }
0x32: {  	_ =	swait.ge [sflag:s24], $0x100  }
0x33: {  	[sflag:s24] =	ssyncset.done $0x0  }
0x34: {  	[sflag:s24] =	ssyncadd.s32 $0xFFFFFF00  }
0x35: {  	_ =	swait.ge [sflag:s24], $0x100  }
0x36: {  	[sflag:s24] =	ssyncset.done $0x0  }
0x37: {  	[sflag:s24] =	ssyncadd.s32 $0xFFFFFF00  }
0x38: {  	_ =	swait.ge [sflag:s24], $0x100  }
0x39: {  	[sflag:s24] =	ssyncset.done $0x0  }
0x3a: {  	s18 =	simm.s32 $0x0;
	[sflag:s24] =	ssyncadd.s32 $0xFFFFFF00  }
.LBB2_3:
0x3b: {  	s2 =	sshra.s32 s18, $0x2  }
0x3c: {  	v5 =	vld [tilespmem:s2+$0x2100];
	_ =	sdelay $0x7  }
0x3d: {  	v6 =	vld.idx.msk [tilespmem:v5+s17+$0x0], $0xffff  }
0x3e: {  	v30 =	vor.u32 s16, v0;
	v7 =	vld.idx.msk [tilespmem:v5+s19+$0x0], $0xffff  }
0x3f: {  	v35 =	vmul.u32 $0x21, v30  }
0x40: {  	v44 =	vimm.s32 $0x0;
	v5 =	vshrl.u32 v5, $0x2  }
0x41: {  	v45 =	vimm.s32 $0x0;
	v46 =	vimm.s32 $0x0;
	v5 =	vadd.s32 v35, v5  }
0x42: {  	v47 =	vimm.s32 $0x0;
	v48 =	vimm.s32 $0x0;
	v6 =	vadd.s32 v35, v6  }
0x43: {  	v49 =	vimm.s32 $0x0;
	v50 =	vimm.s32 $0x0;
	v7 =	vadd.s32 v35, v7  }
0x44: {  	v51 =	vimm.s32 $0x0;
	v52 =	vimm.s32 $0x0;
	v8 =	vadd.s32 $0x1, v35  }
0x45: {  	v53 =	vimm.s32 $0x0;
	v54 =	vimm.s32 $0x0;
	v9 =	vadd.s32 $0x2, v35  }
0x46: {  	v26 =	vimm.s32 $0x0;
	v56 =	vimm.s32 $0x0;
	[tilespmem:v5+s9+$0x0] =	vst.idx.msk $0xffff, v1;
	v5 =	vadd.s32 $0x4, v35  }
0x47: {  	v58 =	vimm.s32 $0x0;
	v59 =	vimm.s32 $0x0;
	v11 =	vadd.s32 $0x7, v35;
	[tilespmem:v6+s9+$0x0] =	vst.idx.msk $0xffff, v1  }
0x48: {  	v60 =	vimm.s32 $0x0;
	v61 =	vimm.s32 $0x0;
	v41 =	vadd.s32 $0x5, v35;
	[tilespmem:v7+s9+$0x0] =	vst.idx.msk $0xffff, v2  }
0x49: {  	v62 =	vimm.s32 $0x0;
	v31 =	vimm.s32 $0x0;
	v12 =	vadd.s32 $0x8, v35;
	v27 =	vld.idx.msk [tilespmem:v8+s9+$0x0], $0xffff  }
0x4a: {  	v34 =	vimm.s32 $0x0;
	v36 =	vimm.s32 $0x0;
	v43 =	vadd.s32 $0x15, v35;
	v23 =	vld.idx.msk [tilespmem:v9+s9+$0x0], $0xffff  }
0x4b: {  	v39 =	vimm.s32 $0x0;
	v13 =	vadd.s32 $0xD, v35;
	v6 =	vadd.s32 $0x3, v35;
	v17 =	vld.idx.msk [tilespmem:v5+s9+$0x0], $0xffff  }
0x4c: {  	v15 =	vadd.s32 $0xE, v35;
	v18 =	vadd.s32 $0x10, v35;
	v7 =	vadd.s32 $0x6, v35;
	v14 =	vld.idx.msk [tilespmem:v11+s9+$0x0], $0xffff  }
0x4d: {  	v19 =	vadd.s32 $0x14, v35;
	v42 =	vadd.s32 $0xF, v35;
	v5 =	vadd.s32 $0x9, v35;
	v25 =	vld.idx.msk [tilespmem:v41+s9+$0x0], $0xffff  }
0x4e: {  	v55 =	vadd.s32 $0x12, v35;
	v20 =	vadd.s32 $0x17, v35;
	v21 =	vadd.s32 $0x1C, v35;
	v24 =	vld.idx.msk [tilespmem:v12+s9+$0x0], $0xffff  }
0x4f: {  	v63 =	vadd.s32 $0x18, v35;
	v29 =	vadd.s32 $0x19, v35;
	v33 =	vadd.s32 $0x13, v35;
	v12 =	vld.idx.msk [tilespmem:v43+s9+$0x0], $0xffff  }
0x50: {  	v41 =	vimm.s32 $0x0;
	v43 =	vimm.s32 $0x0;
	v22 =	vld.idx.msk [tilespmem:v6+s9+$0x0], $0xffff;
	v6 =	vadd.s32 $0xB, v35  }
0x51: {  	v16 =	vld.idx.msk [tilespmem:v7+s9+$0x0], $0xffff;
	v7 =	vadd.s32 $0x11, v35;
	vm0 =	vlt.f32 v27, $0.0e+00;
	vm1 =	vgt.f32 v27, $0.0e+00  }
0x52: {  	v10 =	vld.idx.msk [tilespmem:v5+s9+$0x0], $0xffff;
	vm3 =	vgt.f32 v17, $0.0e+00;
	v5 =	vimm.s32 $0x0;
	vm12 =	vgt.f32 v23, $0.0e+00  }
0x53: {  	vm2 =	vlt.f32 v23, $0.0e+00;
	vm10 =	veq.f32 v27, $0.0e+00;
	vm14 =	vlt.f32 v17, $0.0e+00  }
0x54: {  	vm15 =	vlt.f32 v14, $0.0e+00;
	vm9 =	vgt.f32 v14, $0.0e+00;
	vm0 =	vmor vm1, vm0  }
0x55: {  	vm14 =	vmor vm3, vm14;
	vm9 =	vmor vm9, vm15;
	vm1 =	vmand vm0, vm3;
	v8 =	vld.idx.msk [tilespmem:v6+s9+$0x0], $0xffff  }
0x56: {  	vm7 =	vmand vm0, vm12;
	vm5 =	vlt.f32 v22, $0.0e+00;
	vm6 =	vgt.f32 v22, $0.0e+00  }
0x57: {  	v5 =	vsel vm1, $0xFFFFFFFF, v5;
	vm13 =	vmor vm6, vm5;
	vm6 =	vgt.f32 v16, $0.0e+00  }
0x58: {  	vm0 =	vmor vm12, vm2;
	[tilespmem:$0x1F800] =	vst v5;
	v5 =	vimm.s32 $0x0;
	vm2 =	vmand vm13, vm6  }
0x59: {  	vm5 =	vgt.f32 v10, $0.0e+00;
	vm11 =	vlt.f32 v10, $0.0e+00;
	v5 =	vsel vm2, $0xFFFFFFFF, v5  }
0x5a: {  	vm15 =	vmor vm5, vm11;
	vm2 =	vgt.f32 v8, $0.0e+00;
	vm11 =	vlt.f32 v8, $0.0e+00  }
0x5b: {  	vm4 =	veq.f32 v22, $0.0e+00;
	v6 =	vimm.s32 $0x0;
	vm8 =	vmor vm2, vm11  }
0x5c: {  	v11 =	vld.idx.msk [tilespmem:v13+s9+$0x0], $0xffff;
	vm1 =	vmand vm12, vm13;
	vm12 =	vlt.f32 v16, $0.0e+00;
	[tilespmem:$0x1F850] =	vst v5;
	v6 =	vsel vm8, $0xFFFFFFFF, v6  }
0x5d: {  	v9 =	vld.idx.msk [tilespmem:v7+s9+$0x0], $0xffff;
	vm1 =	vmand vm10, vm1;
	v5 =	vimm.s32 $0x0;
	[tilespmem:$0x1F810] =	vst v6;
	v6 =	vimm.s32 $0x0  }
0x5e: {  	v7 =	vld.idx.msk [tilespmem:v19+s9+$0x0], $0xffff;
	vm3 =	vmand vm3, vm15;
	v5 =	vsel vm1, $0xFFFFFFFF, v5;
	v6 =	vsel vm2, $0xFFFFFFFF, v6  }
0x5f: {  	v19 =	vld.idx.msk [tilespmem:v42+s9+$0x0], $0xffff;
	vm11 =	vmmov vm2;
	vm2 =	vmor vm6, vm12;
	[tilespmem:$0x1F830] =	vst v6;
	v6 =	vimm.s32 $0x0  }
0x60: {  	v42 =	vimm.s32 $0x0;
	vm10 =	vmand vm10, vm3;
	[tilespmem:$0x1FA10] =	vst v5;
	v5 =	vld.idx.msk [tilespmem:v18+s9+$0x0], $0xffff;
	v6 =	vsel vm2, $0xFFFFFFFF, v6  }
0x61: {  	vm1 =	vlt.f32 v11, $0.0e+00;
	vm3 =	vgt.f32 v11, $0.0e+00;
	[tilespmem:$0x1F880] =	vst v6;
	v6 =	vimm.s32 $0x0  }
0x62: {  	vm6 =	vmand vm6, vm8;
	vm12 =	vmand vm7, vm4;
	v6 =	vsel vm10, $0xFFFFFFFF, v6  }
0x63: {  	vm13 =	vmand vm4, vm6;
	vm6 =	vgt.f32 v25, $0.0e+00;
	[tilespmem:$0x1FAB0] =	vst v6;
	v6 =	vimm.s32 $0x0  }
0x64: {  	vm4 =	veq.f32 v17, $0.0e+00;
	vm0 =	vmand vm0, vm6;
	v6 =	vsel vm12, $0xFFFFFFFF, v6  }
0x65: {  	v18 =	vld.idx.msk [tilespmem:v15+s9+$0x0], $0xffff;
	vm8 =	vgt.f32 v5, $0.0e+00;
	v15 =	vsel vm0, $0xFFFFFFFF, v44;
	[tilespmem:$0x1F9D0] =	vst v6;
	v6 =	vimm.s32 $0x0  }
0x66: {  	v44 =	vimm.s32 $0x0;
	vm10 =	vlt.f32 v5, $0.0e+00;
	v6 =	vsel vm13, $0xFFFFFFFF, v6  }
0x67: {  	vm12 =	vmor vm3, vm1;
	vm3 =	vmand vm6, vm2;
	[tilespmem:$0x1FB10] =	vst v6;
	v6 =	vimm.s32 $0x0  }
0x68: {  	vm2 =	vgt.f32 v24, $0.0e+00;
	vm13 =	vmor vm8, vm10;
	v6 =	vsel vm12, $0xFFFFFFFF, v6  }
0x69: {  	vm10 =	vlt.f32 v25, $0.0e+00;
	vm12 =	vmand vm5, vm13;
	[tilespmem:$0x1F870] =	vst v6;
	v6 =	vimm.s32 $0x0  }
0x6a: {  	vm7 =	vmand vm4, vm12;
	vm12 =	veq.f32 v23, $0.0e+00;
	v6 =	vsel vm13, $0xFFFFFFFF, v6  }
0x6b: {  	vm13 =	vmand vm4, vm3;
	vm4 =	vmor vm6, vm10;
	vm0 =	vmand vm12, vm6  }
0x6c: {  	vm10 =	vlt.f32 v9, $0.0e+00;
	vm6 =	vmand vm14, vm6;
	[tilespmem:$0x1F8D0] =	vst v6;
	v6 =	vimm.s32 $0x0  }
0x6d: {  	[tilespmem:$0x1F820] =	vst v15;
	vm12 =	vgt.f32 v7, $0.0e+00;
	vm3 =	vlt.f32 v24, $0.0e+00;
	v6 =	vsel vm13, $0xFFFFFFFF, v6  }
0x6e: {  	vm14 =	vmand vm14, vm5;
	v15 =	vsel vm0, $0xFFFFFFFF, v45;
	[tilespmem:$0x1FA50] =	vst v6;
	v6 =	vimm.s32 $0x0  }
0x6f: {  	vm0 =	veq.f32 v16, $0.0e+00;
	v13 =	vsel vm14, $0xFFFFFFFF, v50;
	v6 =	vsel vm7, $0xFFFFFFFF, v6  }
0x70: {  	vm14 =	veq.f32 v24, $0.0e+00;
	vm13 =	vgt.f32 v9, $0.0e+00;
	[tilespmem:$0x1FBA0] =	vst v6;
	v6 =	vadd.s32 $0xA, v35  }
0x71: {  	v45 =	vimm.s32 $0x0;
	[tilespmem:$0x1F8B0] =	vst v15;
	v15 =	vsel vm13, $0xFFFFFFFF, v46;
	vm1 =	vmor vm13, vm10  }
0x72: {  	vm10 =	vlt.f32 v7, $0.0e+00;
	vm13 =	vmand vm6, vm0;
	vm6 =	vmand vm9, vm2  }
0x73: {  	v46 =	vadd.s32 $0x1A, v35;
	[tilespmem:$0x1F840] =	vst v15;
	v15 =	vsel vm1, $0xFFFFFFFF, v47;
	vm7 =	vmand vm11, vm1  }
0x74: {  	v47 =	vimm.s32 $0x0;
	[tilespmem:$0x1F8F0] =	vst v15;
	v15 =	vsel vm13, $0xFFFFFFFF, v48;
	vm0 =	vmand vm0, vm7  }
0x75: {  	vm13 =	vmor vm12, vm10;
	[tilespmem:$0x1FA30] =	vst v15;
	v15 =	vsel vm0, $0xFFFFFFFF, v49;
	vm0 =	vgt.f32 v18, $0.0e+00;
	v28 =	vld.idx.msk [tilespmem:v6+s9+$0x0], $0xffff  }
0x76: {  	vm7 =	vmand vm2, vm15;
	vm11 =	vmand vm9, vm0;
	vm9 =	veq.f32 v14, $0.0e+00  }
0x77: {  	vm10 =	vlt.f32 v18, $0.0e+00;
	vm7 =	vmand vm9, vm7;
	v6 =	vimm.s32 $0x0  }
0x78: {  	v6 =	vsel vm7, $0xFFFFFFFF, v6;
	vm7 =	vmor vm0, vm10;
	vm0 =	vmand vm0, vm13  }
0x79: {  	vm12 =	vmor vm2, vm3;
	[tilespmem:$0x1FAC0] =	vst v6;
	vm0 =	vmand vm9, vm0;
	v6 =	vimm.s32 $0x0  }
0x7a: {  	v6 =	vsel vm0, $0xFFFFFFFF, v6;
	vm3 =	vgt.f32 v28, $0.0e+00;
	vm9 =	vlt.f32 v28, $0.0e+00  }
0x7b: {  	vm0 =	vgt.f32 v19, $0.0e+00;
	[tilespmem:$0x1FC40] =	vst v6;
	v6 =	vadd.s32 $0x16, v35;
	vm10 =	vmor vm3, vm9  }
0x7c: {  	vm9 =	vmand vm12, vm5;
	vm12 =	vmand vm12, vm0;
	vm2 =	vmand vm5, vm10  }
0x7d: {  	[tilespmem:$0x1F8A0] =	vst v13;
	v13 =	vsel vm10, $0xFFFFFFFF, v51;
	vm5 =	vmand vm7, vm0;
	vm2 =	vmand vm14, vm2  }
0x7e: {  	vm7 =	vlt.f32 v12, $0.0e+00;
	vm10 =	veq.f32 v18, $0.0e+00;
	[tilespmem:$0x1F890] =	vst v13;
	v13 =	vsel vm2, $0xFFFFFFFF, v52  }
0x7f: {  	v57 =	vld [tilespmem:$0x1F800];
	vm2 =	vlt.f32 v19, $0.0e+00;
	[tilespmem:$0x1FAF0] =	vst v13;
	v13 =	vsel vm5, $0xFFFFFFFF, v53;
	vm5 =	vgt.f32 v12, $0.0e+00  }
0x80: {  	[tilespmem:$0x1FBE0] =	vst v15;
	v15 =	vld.idx.msk [tilespmem:v6+s9+$0x0], $0xffff;
	v6 =	vimm.s32 $0x0;
	vm1 =	vmor vm5, vm7;
	vm7 =	vmand vm10, vm0  }
0x81: {  	vm2 =	vmor vm0, vm2;
	v6 =	vsel vm7, $0xFFFFFFFF, v6;
	vm0 =	vmand vm0, vm1  }
0x82: {  	v48 =	vimm.s32 $0x0;
	[tilespmem:$0x1F8E0] =	vst v6;
	vm0 =	vmand vm14, vm0;
	v6 =	vimm.s32 $0x0  }
0x83: {  	v49 =	vimm.s32 $0x0;
	vm4 =	vmand vm4, vm3;
	v6 =	vsel vm0, $0xFFFFFFFF, v6  }
0x84: {  	v51 =	vimm.s32 $0x0;
	v53 =	vimm.s32 $0x0;
	[tilespmem:$0x1FC60] =	vst v6;
	v6 =	vadd.s32 $0xC, v35  }
0x85: {  	[tilespmem:$0x1F8C0] =	vst v13;
	vm10 =	vnez.u8 v57;
	v13 =	vsel vm1, $0xFFFFFFFF, v54;
	vm14 =	veq.f32 v25, $0.0e+00  }
0x86: {  	vm7 =	veq.f32 v19, $0.0e+00;
	vm1 =	vmand vm15, vm8;
	vm0 =	vmand vm14, vm3  }
0x87: {  	vm14 =	veq.f32 v10, $0.0e+00;
	v26 =	vsel vm0, $0xFFFFFFFF, v26;
	vm0 =	vmand vm7, vm8  }
0x88: {  	vm7 =	vmand vm6, vm14;
	[tilespmem:$0x1F9A0] =	vst v26;
	v26 =	vsel vm0, $0xFFFFFFFF, v56;
	vm0 =	vmand vm10, vm14  }
0x89: {  	vm10 =	vlt.f32 v15, $0.0e+00;
	v56 =	vimm.s32 $0x0;
	[tilespmem:$0x1F9B0] =	vst v26;
	v26 =	vsel vm0, $0xFFFFFFFF, v58;
	v38 =	vld.idx.msk [tilespmem:v6+s9+$0x0], $0xffff  }
0x8a: {  	v58 =	vimm.s32 $0x0;
	[tilespmem:$0x1F9E0] =	vst v26;
	v26 =	vsel vm4, $0xFFFFFFFF, v59;
	vm4 =	vgt.f32 v15, $0.0e+00;
	v6 =	vld [tilespmem:$0x1F810]  }
0x8b: {  	v37 =	vld [tilespmem:$0x1F820];
	v59 =	vimm.s32 $0x0;
	[tilespmem:$0x1F910] =	vst v26;
	v26 =	vsel vm7, $0xFFFFFFFF, v60;
	vm7 =	vmand vm15, vm3  }
0x8c: {  	vm6 =	vmor vm4, vm10;
	vm10 =	vmand vm2, vm8;
	v60 =	vimm.s32 $0x0  }
0x8d: {  	[tilespmem:$0x1FA70] =	vst v26;
	v26 =	vsel vm1, $0xFFFFFFFF, v61;
	vm1 =	veq.f32 v28, $0.0e+00;
	v61 =	vimm.s32 $0x0  }
0x8e: {  	v32 =	vld.idx.msk [tilespmem:v35+s9+$0x0], $0xffff;
	[tilespmem:$0x1F950] =	vst v26;
	v26 =	vsel vm7, $0xFFFFFFFF, v62;
	vm7 =	vmand vm8, vm6;
	v62 =	vimm.s32 $0x0  }
0x8f: {  	vm8 =	vmand vm14, vm7;
	vm15 =	vnez.u8 v6;
	v6 =	vimm.s32 $0x0  }
0x90: {  	[tilespmem:$0x1F860] =	vst v26;
	vm7 =	vnez.u8 v37;
	v26 =	vld.idx.msk [tilespmem:v63+s9+$0x0], $0xffff;
	v63 =	vadd.s32 $0x1B, v35;
	v6 =	vsel vm10, $0xFFFFFFFF, v6  }
0x91: {  	v20 =	vld.idx.msk [tilespmem:v20+s9+$0x0], $0xffff;
	vm0 =	vmand vm3, vm15;
	vm10 =	veq.f32 v7, $0.0e+00;
	[tilespmem:$0x1F920] =	vst v6;
	v6 =	vimm.s32 $0x0  }
0x92: {  	vm0 =	vmand vm14, vm0;
	vm11 =	vmand vm11, vm10;
	v6 =	vsel vm6, $0xFFFFFFFF, v6  }
0x93: {  	vm14 =	vmand vm13, vm5;
	vm13 =	vgt.f32 v32, $0.0e+00;
	v31 =	vsel vm11, $0xFFFFFFFF, v31;
	[tilespmem:$0x1F970] =	vst v6  }
0x94: {  	v40 =	vld [tilespmem:$0x1F830];
	vm6 =	vmand vm5, vm6;
	v6 =	vimm.s32 $0x0;
	[tilespmem:$0x1FA80] =	vst v31;
	v31 =	vsel vm14, $0xFFFFFFFF, v34  }
0x95: {  	vm14 =	vmand vm9, vm1;
	vm9 =	veq.f32 v12, $0.0e+00;
	v6 =	vsel vm0, $0xFFFFFFFF, v6  }
0x96: {  	[tilespmem:$0x1F960] =	vst v31;
	vm0 =	vmand vm10, vm6;
	vm6 =	vgt.f32 v20, $0.0e+00;
	vm10 =	vlt.f32 v20, $0.0e+00  }
0x97: {  	vm12 =	vmand vm12, vm9;
	[tilespmem:$0x1FB20] =	vst v6;
	v6 =	vimm.s32 $0x0;
	v31 =	vsel vm0, $0xFFFFFFFF, v36  }
0x98: {  	[tilespmem:$0x1F900] =	vst v13;
	vm0 =	vmand vm7, vm1;
	vm3 =	vmor vm6, vm10;
	v6 =	vsel vm8, $0xFFFFFFFF, v6  }
0x99: {  	v13 =	vld.idx.msk [tilespmem:v21+s9+$0x0], $0xffff;
	vm10 =	vnez.u8 v40;
	v40 =	vimm.s32 $0x0;
	[tilespmem:$0x1FC80] =	vst v6;
	v6 =	vadd.s32 $0x1F, v35  }
0x9a: {  	v21 =	vsel vm0, $0xFFFFFFFF, v39;
	vm0 =	vgt.f32 v38, $0.0e+00;
	vm8 =	vlt.f32 v38, $0.0e+00  }
0x9b: {  	v36 =	vimm.s32 $0x0;
	[tilespmem:$0x1FC90] =	vst v31;
	v31 =	vld.idx.msk [tilespmem:v55+s9+$0x0], $0xffff;
	v55 =	vimm.s32 $0x0;
	vm2 =	vmor vm0, vm8  }
0x9c: {  	v39 =	vimm.s32 $0x0;
	[tilespmem:$0x1F9F0] =	vst v21;
	v21 =	vld.idx.msk [tilespmem:v29+s9+$0x0], $0xffff;
	vm8 =	vmand vm13, vm3;
	vm11 =	vmand vm10, vm2  }
0x9d: {  	v29 =	vsel vm14, $0xFFFFFFFF, v41;
	vm5 =	vmand vm1, vm11;
	vm1 =	vmand vm1, vm8  }
0x9e: {  	[tilespmem:$0x1FA90] =	vst v29;
	vm11 =	vmand vm4, vm3;
	v29 =	vsel vm5, $0xFFFFFFFF, v42;
	vm5 =	vgt.f32 v13, $0.0e+00;
	v6 =	vld.idx.msk [tilespmem:v6+s9+$0x0], $0xffff  }
0x9f: {  	v42 =	vimm.s32 $0x0;
	[tilespmem:$0x1FB40] =	vst v29;
	v29 =	vsel vm1, $0xFFFFFFFF, v43;
	vm1 =	vmand vm9, vm11  }
0xa0: {  	v50 =	vld [tilespmem:$0x1F840];
	vm11 =	vgt.f32 v31, $0.0e+00;
	v43 =	vadd.s32 $0x1D, v35;
	[tilespmem:$0x1FCA0] =	vst v29;
	v29 =	vsel vm12, $0xFFFFFFFF, v44  }
0xa1: {  	v54 =	vld [tilespmem:$0x1F860];
	vm2 =	vmand vm2, vm11;
	vm9 =	veq.f32 v21, $0.0e+00;
	vm12 =	veq.f32 v8, $0.0e+00  }
0xa2: {  	v52 =	vld [tilespmem:$0x1F850];
	v44 =	vimm.s32 $0x0;
	[tilespmem:$0x1FAA0] =	vst v29;
	v29 =	vsel vm1, $0xFFFFFFFF, v45;
	vm2 =	vmand vm2, vm9  }
0xa3: {  	v37 =	vld.idx.msk [tilespmem:v33+s9+$0x0], $0xffff;
	v45 =	vimm.s32 $0x0;
	v33 =	vsel vm2, $0xFFFFFFFF, v47;
	vm14 =	veq.f32 v6, $0.0e+00  }
0xa4: {  	[tilespmem:$0x1FCC0] =	vst v29;
	vm2 =	vgt.f32 v26, $0.0e+00;
	v29 =	vld.idx.msk [tilespmem:v46+s9+$0x0], $0xffff;
	v46 =	vimm.s32 $0x0;
	vm1 =	vmand vm5, vm14  }
0xa5: {  	v57 =	vld [tilespmem:$0x1F870];
	v47 =	vimm.s32 $0x0;
	vm7 =	vmand vm3, vm2;
	vm1 =	vmand vm3, vm1  }
0xa6: {  	[tilespmem:$0x1FB50] =	vst v33;
	vm14 =	vnez.u8 v54;
	vm3 =	veq.f32 v31, $0.0e+00;
	v33 =	vsel vm1, $0xFFFFFFFF, v48  }
0xa7: {  	vm1 =	vmand vm7, vm9;
	vm7 =	vnez.u8 v50;
	vm9 =	vnez.u8 v52  }
0xa8: {  	[tilespmem:$0x1FCB0] =	vst v33;
	v33 =	vsel vm1, $0xFFFFFFFF, v49;
	vm8 =	vmand vm7, vm3;
	vm1 =	vmand vm9, vm12  }
0xa9: {  	vm9 =	vmand vm15, vm7;
	v49 =	vimm.s32 $0x0;
	[tilespmem:$0x1FCD0] =	vst v33;
	v33 =	vsel vm8, $0xFFFFFFFF, v51  }
0xaa: {  	vm8 =	vmmov vm15;
	vm15 =	vmmov vm7;
	vm7 =	vnez.u8 v57  }
0xab: {  	v51 =	vimm.s32 $0x0;
	[tilespmem:$0x1F9C0] =	vst v33;
	v33 =	vsel vm1, $0xFFFFFFFF, v53;
	vm1 =	vmand vm14, vm12  }
0xac: {  	vm14 =	vlt.f32 v31, $0.0e+00;
	v53 =	vimm.s32 $0x0;
	[tilespmem:$0x1FA00] =	vst v33;
	v33 =	vsel vm1, $0xFFFFFFFF, v55  }
0xad: {  	vm1 =	vmand vm8, vm0;
	vm0 =	vmand vm0, vm7;
	vm3 =	vmor vm11, vm14  }
0xae: {  	vm14 =	vlt.f32 v26, $0.0e+00;
	[tilespmem:$0x1FAD0] =	vst v33;
	v33 =	vsel vm9, $0xFFFFFFFF, v56;
	vm9 =	vgt.f32 v37, $0.0e+00  }
0xaf: {  	vm0 =	vmand vm12, vm0;
	v56 =	vimm.s32 $0x0;
	vm8 =	vmand vm7, vm9  }
0xb0: {  	v34 =	vld [tilespmem:$0x1F880];
	[tilespmem:$0x1F980] =	vst v33;
	v33 =	vsel vm0, $0xFFFFFFFF, v58;
	vm7 =	vmand vm15, vm3;
	vm3 =	vmor vm2, vm14  }
0xb1: {  	v41 =	vld [tilespmem:$0x1F890];
	vm14 =	veq.f32 v29, $0.0e+00;
	[tilespmem:$0x1FB60] =	vst v33;
	v33 =	vsel vm7, $0xFFFFFFFF, v59;
	vm7 =	vmand vm15, vm3  }
0xb2: {  	vm15 =	vgt.f32 v21, $0.0e+00;
	vm0 =	vmand vm12, vm7;
	vm7 =	vmand vm8, vm14  }
0xb3: {  	[tilespmem:$0x1F930] =	vst v33;
	vm8 =	vmand vm3, vm15;
	vm12 =	vlt.f32 v29, $0.0e+00;
	v33 =	vsel vm0, $0xFFFFFFFF, v60  }
0xb4: {  	vm0 =	vmand vm8, vm14;
	vm14 =	vgt.f32 v29, $0.0e+00;
	[tilespmem:$0x1FCE0] =	vst v33;
	v33 =	vsel vm7, $0xFFFFFFFF, v61  }
0xb5: {  	vm14 =	vmor vm14, vm12;
	vm12 =	vnez.u8 v34;
	[tilespmem:$0x1FB70] =	vst v33;
	v33 =	vsel vm0, $0xFFFFFFFF, v62  }
0xb6: {  	vm0 =	vmmov vm10;
	vm7 =	vmand vm12, vm10;
	vm10 =	vnez.u8 v41  }
0xb7: {  	v58 =	vimm.s32 $0x0;
	vm8 =	vmand vm10, vm0;
	vm0 =	veq.f32 v38, $0.0e+00  }
0xb8: {  	v59 =	vimm.s32 $0x0;
	v34 =	vsel vm7, $0xFFFFFFFF, v40;
	vm7 =	vmand vm8, vm0  }
0xb9: {  	vm12 =	vlt.f32 v37, $0.0e+00;
	[tilespmem:$0x1F940] =	vst v34;
	v34 =	vsel vm7, $0xFFFFFFFF, v42;
	vm7 =	vlt.f32 v21, $0.0e+00  }
0xba: {  	v48 =	vld [tilespmem:$0x1F8A0];
	vm8 =	vmor vm9, vm12;
	vm12 =	vmor vm15, vm7;
	vm7 =	veq.f32 v37, $0.0e+00  }
0xbb: {  	v50 =	vld [tilespmem:$0x1F8B0];
	vm8 =	vmand vm11, vm8;
	vm7 =	vmand vm11, vm7;
	vm11 =	vmand vm11, vm12  }
0xbc: {  	v55 =	vld [tilespmem:$0x1F8E0];
	v61 =	vadd.s32 $0x1E, v35;
	v35 =	vadd.s32 $0x20, v35;
	vm0 =	vmand vm0, vm11  }
0xbd: {  	v52 =	vld [tilespmem:$0x1F8C0];
	v62 =	vimm.s32 $0x0;
	vm11 =	vlt.f32 v32, $0.0e+00;
	v36 =	vsel vm0, $0xFFFFFFFF, v36  }
0xbe: {  	vm0 =	vmand vm9, vm14;
	vm9 =	veq.f32 v11, $0.0e+00;
	vm14 =	vmand vm15, vm14  }
0xbf: {  	[tilespmem:$0x1FD00] =	vst v33;
	vm15 =	vnez.u8 v48;
	v48 =	vimm.s32 $0x0;
	vm1 =	vmand vm1, vm9  }
0xc0: {  	[tilespmem:$0x1FB00] =	vst v34;
	vm0 =	vmand vm9, vm0;
	v33 =	vsel vm14, $0xFFFFFFFF, v46;
	vm9 =	vnez.u8 v50  }
0xc1: {  	[tilespmem:$0x1FD20] =	vst v36;
	vm14 =	vnez.u8 v55;
	v50 =	vimm.s32 $0x0;
	v36 =	vsel vm1, $0xFFFFFFFF, v44  }
0xc2: {  	v54 =	vld [tilespmem:$0x1F8D0];
	[tilespmem:$0x1FB30] =	vst v36;
	v36 =	vsel vm0, $0xFFFFFFFF, v45;
	vm0 =	vmor vm13, vm11;
	vm11 =	vnez.u8 v52  }
0xc3: {  	v57 =	vld [tilespmem:$0x1F8F0];
	[tilespmem:$0x1F990] =	vst v33;
	v45 =	vimm.s32 $0x0;
	v33 =	vsel vm0, $0xFFFFFFFF, v47;
	vm0 =	veq.f32 v5, $0.0e+00  }
0xc4: {  	v52 =	vimm.s32 $0x0;
	[tilespmem:$0x1FD40] =	vst v36;
	v36 =	vld.idx.msk [tilespmem:v63+s9+$0x0], $0xffff;
	v63 =	vimm.s32 $0x0;
	vm1 =	vmand vm15, vm0  }
0xc5: {  	v47 =	vimm.s32 $0x0;
	[tilespmem:$0x1FDC0] =	vst v33;
	v34 =	vsel vm1, $0xFFFFFFFF, v49;
	vm1 =	vmand vm9, vm10  }
0xc6: {  	vm15 =	vmand vm13, vm10;
	[tilespmem:$0x1FA20] =	vst v34;
	v34 =	vsel vm1, $0xFFFFFFFF, v51;
	vm1 =	vmand vm11, vm0  }
0xc7: {  	v33 =	vld.idx.msk [tilespmem:v43+s9+$0x0], $0xffff;
	v43 =	vimm.s32 $0x0;
	v51 =	vimm.s32 $0x0;
	[tilespmem:$0x1FAE0] =	vst v34;
	v34 =	vsel vm1, $0xFFFFFFFF, v53  }
0xc8: {  	v60 =	vld [tilespmem:$0x1F900];
	vm1 =	vnez.u8 v54;
	v53 =	vimm.s32 $0x0;
	v54 =	vimm.s32 $0x0  }
0xc9: {  	vm9 =	vmand vm14, vm1;
	vm10 =	vmand vm1, vm4;
	vm14 =	vnez.u8 v57  }
0xca: {  	[tilespmem:$0x1FB80] =	vst v34;
	v57 =	vimm.s32 $0x0;
	v34 =	vsel vm9, $0xFFFFFFFF, v56;
	vm9 =	vmand vm13, vm1  }
0xcb: {  	vm11 =	vmand vm13, vm14;
	vm7 =	vmand vm14, vm7;
	vm1 =	vgt.f32 v36, $0.0e+00  }
0xcc: {  	v42 =	vld [tilespmem:$0x1F910];
	vm13 =	vlt.f32 v36, $0.0e+00;
	[tilespmem:$0x1FBC0] =	vst v34;
	v34 =	vsel vm7, $0xFFFFFFFF, v58;
	vm7 =	vmand vm14, vm2  }
0xcd: {  	v44 =	vld [tilespmem:$0x1F920];
	vm11 =	vmand vm0, vm11;
	vm14 =	vnez.u8 v60;
	vm13 =	vmor vm1, vm13  }
0xce: {  	v60 =	vimm.s32 $0x0;
	[tilespmem:$0x1FC00] =	vst v34;
	v34 =	vsel vm11, $0xFFFFFFFF, v59;
	vm11 =	vmand vm14, vm4  }
0xcf: {  	vm4 =	vmand vm4, vm13;
	vm14 =	veq.f32 v33, $0.0e+00;
	vm13 =	vmand vm13, vm5  }
0xd0: {  	v46 =	vld [tilespmem:$0x1F930];
	v59 =	vimm.s32 $0x0;
	vm0 =	vmand vm0, vm4;
	vm7 =	vmand vm7, vm14  }
0xd1: {  	[tilespmem:$0x1FC10] =	vst v34;
	vm4 =	vlt.f32 v13, $0.0e+00;
	v34 =	vld.idx.msk [tilespmem:v61+s9+$0x0], $0xffff;
	v61 =	vimm.s32 $0x0;
	v39 =	vsel vm0, $0xFFFFFFFF, v39  }
0xd2: {  	vm0 =	vmand vm13, vm14;
	vm14 =	vnez.u8 v42;
	vm13 =	vnez.u8 v44  }
0xd3: {  	v49 =	vld [tilespmem:$0x1F940];
	vm4 =	vmor vm5, vm4;
	v42 =	vimm.s32 $0x0;
	[tilespmem:$0x1FD50] =	vst v39;
	v39 =	vsel vm7, $0xFFFFFFFF, v62  }
0xd4: {  	vm4 =	vmand vm6, vm4;
	[tilespmem:$0x1FBF0] =	vst v39;
	v39 =	vsel vm0, $0xFFFFFFFF, v63;
	vm0 =	veq.f32 v32, $0.0e+00  }
0xd5: {  	v62 =	vimm.s32 $0x0;
	v63 =	vimm.s32 $0x0;
	vm7 =	vmand vm0, vm14  }
0xd6: {  	[tilespmem:$0x1FD60] =	vst v39;
	vm14 =	vnez.u8 v46;
	v39 =	vsel vm7, $0xFFFFFFFF, v43;
	vm7 =	vmand vm0, vm13  }
0xd7: {  	[tilespmem:$0x1FA40] =	vst v39;
	v39 =	vsel vm7, $0xFFFFFFFF, v45;
	vm7 =	vmand vm0, vm14;
	vm0 =	vmand vm0, vm4  }
0xd8: {  	vm4 =	vnez.u8 v49;
	[tilespmem:$0x1FB90] =	vst v39;
	v39 =	vsel vm7, $0xFFFFFFFF, v47;
	vm7 =	veq.f32 v9, $0.0e+00  }
0xd9: {  	vm14 =	vlt.f32 v33, $0.0e+00;
	[tilespmem:$0x1FC20] =	vst v39;
	v39 =	vsel vm0, $0xFFFFFFFF, v48;
	vm0 =	vmand vm4, vm7  }
0xda: {  	vm13 =	vmand vm9, vm7;
	vm4 =	vmand vm2, vm12;
	[tilespmem:$0x1FD70] =	vst v39;
	v39 =	vsel vm0, $0xFFFFFFFF, v50  }
0xdb: {  	v56 =	vld [tilespmem:$0x1F960];
	vm0 =	vgt.f32 v33, $0.0e+00;
	[tilespmem:$0x1FA60] =	vst v39;
	v39 =	vsel vm13, $0xFFFFFFFF, v51;
	vm13 =	vmand vm7, vm8  }
0xdc: {  	v55 =	vld [tilespmem:$0x1F950];
	vm9 =	veq.f32 v36, $0.0e+00;
	vm14 =	vmor vm0, vm14;
	[tilespmem:$0x1FBD0] =	vst v39;
	v39 =	vsel vm13, $0xFFFFFFFF, v52  }
0xdd: {  	v58 =	vld [tilespmem:$0x1F970];
	vm2 =	vmand vm2, vm14;
	vm8 =	vmand vm5, vm14;
	vm13 =	vlt.f32 v34, $0.0e+00  }
0xde: {  	vm14 =	vgt.f32 v34, $0.0e+00;
	vm12 =	vmand vm7, vm2;
	vm7 =	vmand vm10, vm9  }
0xdf: {  	v35 =	vld.idx.msk [tilespmem:v35+s9+$0x0], $0xffff;
	[tilespmem:$0x1FC30] =	vst v39;
	vm10 =	vmand vm9, vm8;
	vm2 =	veq.f32 v13, $0.0e+00;
	v39 =	vsel vm7, $0xFFFFFFFF, v53  }
0xe0: {  	v44 =	vld [tilespmem:$0x1F990];
	vm8 =	veq.f32 v15, $0.0e+00;
	[tilespmem:$0x1FBB0] =	vst v39;
	v39 =	vsel vm10, $0xFFFFFFFF, v54;
	vm10 =	vnez.u8 v56  }
0xe1: {  	v46 =	vld [tilespmem:$0x1F9B0];
	vm7 =	vmor vm14, vm13;
	vm13 =	vmand vm6, vm2;
	vm2 =	vmand vm10, vm8  }
0xe2: {  	v43 =	vld [tilespmem:$0x1F980];
	vm9 =	vnez.u8 v55;
	[tilespmem:$0x1FD80] =	vst v39;
	v39 =	vsel vm2, $0xFFFFFFFF, v57;
	vm2 =	vnez.u8 v58  }
0xe3: {  	v45 =	vld [tilespmem:$0x1F9A0];
	vm14 =	vmand vm9, vm8;
	vm10 =	vmand vm2, vm6;
	vm6 =	vmand vm6, vm3  }
0xe4: {  	v49 =	vld [tilespmem:$0x1F9D0];
	vm9 =	vmand vm2, vm1;
	vm1 =	vmand vm1, vm7;
	vm6 =	vmand vm8, vm6  }
0xe5: {  	v47 =	vld [tilespmem:$0x1F9C0];
	v48 =	vimm.s32 $0x0;
	[tilespmem:$0x1FC50] =	vst v39;
	vm1 =	vmand vm8, vm1;
	v39 =	vsel vm6, $0xFFFFFFFF, v59  }
0xe6: {  	v50 =	vld [tilespmem:$0x1F9E0];
	[tilespmem:$0x1FD10] =	vst v39;
	v39 =	vsel vm1, $0xFFFFFFFF, v60;
	vm1 =	vmand vm3, vm0;
	vm3 =	veq.f32 v35, $0.0e+00  }
0xe7: {  	v51 =	vld [tilespmem:$0x1F9F0];
	vm2 =	vgt.f32 v35, $0.0e+00;
	vm6 =	vgt.f32 v6, $0.0e+00;
	vm1 =	vmand vm1, vm3  }
0xe8: {  	v52 =	vld [tilespmem:$0x1FA00];
	vm8 =	vlt.f32 v6, $0.0e+00;
	[tilespmem:$0x1FD90] =	vst v39;
	v39 =	vsel vm1, $0xFFFFFFFF, v61;
	vm1 =	vmand vm7, vm6  }
0xe9: {  	v55 =	vld [tilespmem:$0x1FA30];
	vm7 =	vmor vm6, vm8;
	vm1 =	vmand vm1, vm3;
	vm3 =	veq.f32 v20, $0.0e+00  }
0xea: {  	v53 =	vld [tilespmem:$0x1FA10];
	[tilespmem:$0x1FCF0] =	vst v39;
	v39 =	vsel vm1, $0xFFFFFFFF, v62;
	vm1 =	vmand vm5, vm7;
	vm8 =	vmand vm15, vm3  }
0xeb: {  	v54 =	vld [tilespmem:$0x1FA20];
	vm7 =	vmand vm11, vm3;
	vm11 =	vmand vm3, vm4;
	vm4 =	veq.f32 v26, $0.0e+00  }
0xec: {  	v56 =	vld [tilespmem:$0x1FA40];
	vm15 =	vlt.f32 v35, $0.0e+00;
	vm5 =	vnez.u8 v43;
	[tilespmem:$0x1FDB0] =	vst v39;
	v39 =	vsel vm7, $0xFFFFFFFF, v63  }
0xed: {  	v58 =	vld [tilespmem:$0x1FA50];
	vm7 =	vnez.u8 v44;
	[tilespmem:$0x1FC70] =	vst v39;
	v39 =	vsel vm11, $0xFFFFFFFF, v42;
	vm11 =	vmand vm3, vm1  }
0xee: {  	v59 =	vld [tilespmem:$0x1FA60];
	vm1 =	vmor vm2, vm15;
	vm2 =	vmand vm5, vm4;
	vm15 =	vmand vm10, vm4  }
0xef: {  	v61 =	vld [tilespmem:$0x1FA70];
	vm5 =	vmand vm4, vm7;
	vm7 =	vnez.u8 v45;
	vm0 =	vmand vm0, vm1  }
0xf0: {  	v62 =	vld [tilespmem:$0x1FA80];
	vm10 =	vmand vm6, vm1;
	vm6 =	veq.f32 v34, $0.0e+00;
	vm13 =	vmor vm7, vm13  }
0xf1: {  	v43 =	vld [tilespmem:$0x1FAA0];
	vm7 =	vnez.u8 v49;
	vm4 =	vmand vm4, vm0;
	vm3 =	vmand vm9, vm6  }
0xf2: {  	v42 =	vld [tilespmem:$0x1FA90];
	vm6 =	vmand vm6, vm10;
	vm9 =	vnez.u8 v46;
	vm10 =	vnez.u8 v47  }
0xf3: {  	v45 =	vld [tilespmem:$0x1FAB0];
	vm0 =	vmor vm9, vm10;
	vm9 =	vnez.u8 v50;
	vm10 =	vnez.u8 v51  }
0xf4: {  	[tilespmem:$0x1FD30] =	vst v39;
	v49 =	vld [tilespmem:$0x1FAE0];
	v39 =	vsel vm0, $0xFFFFFFFF, v48;
	vm7 =	vmor vm7, vm9;
	vm9 =	vnez.u8 v52  }
0xf5: {  	v46 =	vld [tilespmem:$0x1FAC0];
	vm0 =	vnez.u8 v53;
	vm9 =	vmor vm10, vm9;
	vm10 =	vnez.u8 v54  }
0xf6: {  	vm1 =	vnez.u8 v56;
	v47 =	vld [tilespmem:$0x1FAD0];
	vm10 =	vmor vm0, vm10;
	vm0 =	vnez.u8 v55  }
0xf7: {  	v57 =	vimm.s32 $0x0;
	v50 =	vld [tilespmem:$0x1FAF0];
	vm0 =	vmor vm0, vm1  }
0xf8: {  	v51 =	vld [tilespmem:$0x1FB00];
	[tilespmem:$0x1FDA0] =	vst v39;
	vm1 =	vnez.u8 v59;
	v39 =	vsel vm0, $0xFFFFFFFF, v57;
	vm0 =	vnez.u8 v58  }
0xf9: {  	v60 =	vimm.s32 $0x0;
	v53 =	vld [tilespmem:$0x1FB10];
	vm0 =	vmor vm0, vm1  }
0xfa: {  	v54 =	vld [tilespmem:$0x1FB20];
	[tilespmem:$0x1FDD0] =	vst v39;
	vm1 =	vnez.u8 v62;
	v39 =	vsel vm0, $0xFFFFFFFF, v60;
	vm0 =	vnez.u8 v61  }
0xfb: {  	v63 =	vimm.s32 $0x0;
	v55 =	vld [tilespmem:$0x1FB30];
	vm0 =	vmor vm0, vm1  }
0xfc: {  	v57 =	vld [tilespmem:$0x1FB40];
	[tilespmem:$0x1FDE0] =	vst v39;
	vm1 =	vnez.u8 v43;
	v39 =	vsel vm0, $0xFFFFFFFF, v63;
	vm0 =	vnez.u8 v42  }
0xfd: {  	v44 =	vimm.s32 $0x0;
	v58 =	vld [tilespmem:$0x1FB50];
	vm0 =	vmor vm0, vm1  }
0xfe: {  	v60 =	vld [tilespmem:$0x1FB60];
	[tilespmem:$0x1FDF0] =	vst v39;
	v39 =	vsel vm0, $0xFFFFFFFF, v44;
	vm0 =	vnez.u8 v45  }
0xff: {  	v61 =	vld [tilespmem:$0x1FB70];
	vm1 =	vnez.u8 v47;
	vm14 =	vmor vm0, vm14;
	vm0 =	vnez.u8 v46  }
0x100: {  	v48 =	vimm.s32 $0x0;
	v63 =	vld [tilespmem:$0x1FB80];
	vm0 =	vmor vm0, vm1  }
0x101: {  	v42 =	vld [tilespmem:$0x1FB90];
	[tilespmem:$0x1FE00] =	vst v39;
	v39 =	vsel vm0, $0xFFFFFFFF, v48;
	vm0 =	vnez.u8 v49  }
0x102: {  	v47 =	vld [tilespmem:$0x1FBC0];
	vm1 =	vnez.u8 v51;
	vm8 =	vmor vm0, vm8;
	vm0 =	vnez.u8 v50  }
0x103: {  	v52 =	vimm.s32 $0x0;
	v44 =	vld [tilespmem:$0x1FBA0];
	vm0 =	vmor vm0, vm1  }
0x104: {  	v45 =	vld [tilespmem:$0x1FBB0];
	[tilespmem:$0x1FE10] =	vst v39;
	v39 =	vsel vm0, $0xFFFFFFFF, v52;
	vm0 =	vnez.u8 v53  }
0x105: {  	v51 =	vld [tilespmem:$0x1FBF0];
	vm1 =	vnez.u8 v55;
	vm2 =	vmor vm0, vm2;
	vm0 =	vnez.u8 v54  }
0x106: {  	v56 =	vimm.s32 $0x0;
	v48 =	vld [tilespmem:$0x1FBD0];
	vm0 =	vmor vm0, vm1  }
0x107: {  	v50 =	vld [tilespmem:$0x1FBE0];
	[tilespmem:$0x1FE20] =	vst v39;
	vm1 =	vnez.u8 v58;
	v39 =	vsel vm0, $0xFFFFFFFF, v56;
	vm0 =	vnez.u8 v57  }
0x108: {  	v59 =	vimm.s32 $0x0;
	v53 =	vld [tilespmem:$0x1FC00];
	vm0 =	vmor vm0, vm1  }
0x109: {  	v54 =	vld [tilespmem:$0x1FC10];
	[tilespmem:$0x1FE30] =	vst v39;
	vm1 =	vnez.u8 v61;
	v39 =	vsel vm0, $0xFFFFFFFF, v59;
	vm0 =	vnez.u8 v60  }
0x10a: {  	v62 =	vimm.s32 $0x0;
	v56 =	vld [tilespmem:$0x1FC20];
	vm0 =	vmor vm0, vm1  }
0x10b: {  	v57 =	vld [tilespmem:$0x1FC30];
	[tilespmem:$0x1FE40] =	vst v39;
	vm1 =	vnez.u8 v42;
	v39 =	vsel vm0, $0xFFFFFFFF, v62;
	vm0 =	vnez.u8 v63  }
0x10c: {  	v43 =	vimm.s32 $0x0;
	v59 =	vld [tilespmem:$0x1FC40];
	vm0 =	vmor vm0, vm1  }
0x10d: {  	v60 =	vld [tilespmem:$0x1FC50];
	[tilespmem:$0x1FE50] =	vst v39;
	vm1 =	vnez.u8 v45;
	v39 =	vsel vm0, $0xFFFFFFFF, v43;
	vm0 =	vnez.u8 v44  }
0x10e: {  	v46 =	vimm.s32 $0x0;
	v62 =	vld [tilespmem:$0x1FC60];
	vm0 =	vmor vm0, vm1  }
0x10f: {  	v63 =	vld [tilespmem:$0x1FC70];
	[tilespmem:$0x1FE60] =	vst v39;
	vm1 =	vnez.u8 v48;
	v39 =	vsel vm0, $0xFFFFFFFF, v46;
	vm0 =	vnez.u8 v47  }
0x110: {  	v49 =	vimm.s32 $0x0;
	v45 =	vld [tilespmem:$0x1FC90];
	vm0 =	vmor vm0, vm1  }
0x111: {  	v43 =	vld [tilespmem:$0x1FC80];
	[tilespmem:$0x1FE70] =	vst v39;
	vm1 =	vnez.u8 v51;
	v39 =	vsel vm0, $0xFFFFFFFF, v49;
	vm0 =	vnez.u8 v50  }
0x112: {  	v52 =	vimm.s32 $0x0;
	v48 =	vld [tilespmem:$0x1FCB0];
	vm0 =	vmor vm0, vm1  }
0x113: {  	v47 =	vld [tilespmem:$0x1FCA0];
	[tilespmem:$0x1FE80] =	vst v39;
	vm1 =	vnez.u8 v54;
	v39 =	vsel vm0, $0xFFFFFFFF, v52;
	vm0 =	vnez.u8 v53  }
0x114: {  	v55 =	vimm.s32 $0x0;
	v51 =	vld [tilespmem:$0x1FCD0];
	vm0 =	vmor vm1, vm0  }
0x115: {  	v50 =	vld [tilespmem:$0x1FCC0];
	[tilespmem:$0x1FE90] =	vst v39;
	vm1 =	vnez.u8 v57;
	v39 =	vsel vm0, $0xFFFFFFFF, v55;
	vm0 =	vnez.u8 v56  }
0x116: {  	v58 =	vimm.s32 $0x0;
	v54 =	vld [tilespmem:$0x1FCF0];
	vm0 =	vmor vm0, vm1  }
0x117: {  	v53 =	vld [tilespmem:$0x1FCE0];
	[tilespmem:$0x1FEA0] =	vst v39;
	vm1 =	vnez.u8 v60;
	v39 =	vsel vm0, $0xFFFFFFFF, v58;
	vm0 =	vnez.u8 v59  }
0x118: {  	v61 =	vimm.s32 $0x0;
	v57 =	vld [tilespmem:$0x1FD10];
	vm0 =	vmor vm0, vm1  }
0x119: {  	v56 =	vld [tilespmem:$0x1FD00];
	[tilespmem:$0x1FEB0] =	vst v39;
	vm1 =	vnez.u8 v63;
	v39 =	vsel vm0, $0xFFFFFFFF, v61;
	vm0 =	vnez.u8 v62  }
0x11a: {  	v42 =	vimm.s32 $0x0;
	v60 =	vld [tilespmem:$0x1FD30];
	vm0 =	vmor vm0, vm1  }
0x11b: {  	v59 =	vld [tilespmem:$0x1FD20];
	[tilespmem:$0x1FEC0] =	vst v39;
	v39 =	vsel vm0, $0xFFFFFFFF, v42;
	vm0 =	vnez.u8 v43  }
0x11c: {  	v44 =	vimm.s32 $0x0;
	v62 =	vld [tilespmem:$0x1FD40];
	vm0 =	vmor vm0, vm3  }
0x11d: {  	v42 =	vld [tilespmem:$0x1FD50];
	[tilespmem:$0x1FED0] =	vst v39;
	v39 =	vsel vm0, $0xFFFFFFFF, v44;
	vm0 =	vnez.u8 v45  }
0x11e: {  	v46 =	vimm.s32 $0x0;
	v43 =	vld [tilespmem:$0x1FD60];
	vm0 =	vmor vm0, vm15  }
0x11f: {  	v45 =	vld [tilespmem:$0x1FD70];
	[tilespmem:$0x1FEE0] =	vst v39;
	vm15 =	vnez.u8 v48;
	v39 =	vsel vm0, $0xFFFFFFFF, v46;
	vm0 =	vnez.u8 v47  }
0x120: {  	v49 =	vimm.s32 $0x0;
	v48 =	vld [tilespmem:$0x1FD90];
	vm0 =	vmor vm0, vm15  }
0x121: {  	v47 =	vld [tilespmem:$0x1FD80];
	[tilespmem:$0x1FEF0] =	vst v39;
	vm15 =	vnez.u8 v51;
	v39 =	vsel vm0, $0xFFFFFFFF, v49;
	vm0 =	vnez.u8 v50  }
0x122: {  	v52 =	vimm.s32 $0x0;
	v51 =	vld [tilespmem:$0x1FDB0];
	vm0 =	vmor vm0, vm15  }
0x123: {  	v50 =	vld [tilespmem:$0x1FDA0];
	[tilespmem:$0x1FF00] =	vst v39;
	vm15 =	vnez.u8 v54;
	v39 =	vsel vm0, $0xFFFFFFFF, v52;
	vm0 =	vnez.u8 v53  }
0x124: {  	v55 =	vimm.s32 $0x0;
	v54 =	vld [tilespmem:$0x1FDC0];
	vm0 =	vmor vm0, vm15  }
0x125: {  	[tilespmem:$0x1FF10] =	vst v39;
	vm15 =	vnez.u8 v57;
	v57 =	vld [tilespmem:$0x1FDD0];
	v39 =	vsel vm0, $0xFFFFFFFF, v55;
	vm0 =	vnez.u8 v56  }
0x126: {  	v58 =	vimm.s32 $0x0;
	vm0 =	vmor vm15, vm0;
	vm15 =	vnez.u8 v60;
	v60 =	vld [tilespmem:$0x1FDF0]  }
0x127: {  	[tilespmem:$0x1FF20] =	vst v39;
	v39 =	vsel vm0, $0xFFFFFFFF, v58;
	vm0 =	vnez.u8 v59;
	v59 =	vld [tilespmem:$0x1FDE0]  }
0x128: {  	v61 =	vimm.s32 $0x0;
	vm0 =	vmor vm0, vm15;
	vm15 =	vnez.u8 v62;
	v62 =	vld [tilespmem:$0x1FE10]  }
0x129: {  	[tilespmem:$0x1FF30] =	vst v39;
	v39 =	vsel vm0, $0xFFFFFFFF, v61;
	v61 =	vld [tilespmem:$0x1FE00]  }
0x12a: {  	vm0 =	vmor vm15, vm5;
	vm15 =	vnez.u8 v42;
	v42 =	vld [tilespmem:$0x1FE30]  }
0x12b: {  	v63 =	vimm.s32 $0x0;
	vm5 =	vnez.u8 v43;
	v43 =	vld [tilespmem:$0x1FE40]  }
0x12c: {  	[tilespmem:$0x1FF40] =	vst v39;
	v39 =	vsel vm0, $0xFFFFFFFF, v63;
	v63 =	vld [tilespmem:$0x1FE20]  }
0x12d: {  	vm0 =	vmor vm15, vm5;
	vm15 =	vnez.u8 v45;
	v45 =	vld [tilespmem:$0x1FE60]  }
0x12e: {  	v44 =	vimm.s32 $0x0;
	vm5 =	vnez.u8 v47;
	v47 =	vld [tilespmem:$0x1FE80]  }
0x12f: {  	v46 =	vimm.s32 $0x0;
	v49 =	vimm.s32 $0x0;
	[tilespmem:$0x1FF50] =	vst v39;
	v39 =	vsel vm0, $0xFFFFFFFF, v44;
	v44 =	vld [tilespmem:$0x1FE50]  }
0x130: {  	v52 =	vimm.s32 $0x0;
	vm0 =	vmor vm15, vm12;
	vm12 =	vnez.u8 v48;
	v48 =	vld [tilespmem:$0x1FE90]  }
0x131: {  	v53 =	vimm.s32 $0x0;
	v55 =	vimm.s32 $0x0;
	vm15 =	vnez.u8 v50;
	v50 =	vld [tilespmem:$0x1FEB0]  }
0x132: {  	v56 =	vimm.s32 $0x0;
	v58 =	vimm.s32 $0x0;
	[tilespmem:$0x1FF60] =	vst v39;
	v39 =	vsel vm0, $0xFFFFFFFF, v46;
	v46 =	vld [tilespmem:$0x1FE70]  }
0x133: {  	vm0 =	vmor vm5, vm12;
	vm5 =	vnez.u8 v51;
	vm12 =	vnez.u8 v54;
	v51 =	vld [tilespmem:$0x1FEC0]  }
0x134: {  	v54 =	vld [tilespmem:$0x1FEF0];
	[tilespmem:$0x1FF70] =	vst v39;
	v39 =	vsel vm0, $0xFFFFFFFF, v49;
	vm0 =	vmor vm15, vm13;
	vm1 =	vmor vm5, vm11  }
0x135: {  	vm11 =	vmor vm4, vm6;
	vm13 =	vmor vm7, vm9;
	vm15 =	vnez.u8 v57;
	v49 =	vld [tilespmem:$0x1FEA0]  }
0x136: {  	vm4 =	vnez.u8 v59;
	vm5 =	vnez.u8 v60;
	vm7 =	vnez.u8 v62;
	v57 =	vld [tilespmem:$0x1FF20]  }
0x137: {  	v59 =	vld [tilespmem:$0x1FF40];
	[tilespmem:$0x1FF80] =	vst v39;
	v39 =	vsel vm1, $0xFFFFFFFF, v52;
	vm0 =	vmand vm12, vm0;
	vm6 =	vnez.u8 v61  }
0x138: {  	v60 =	vld [tilespmem:$0x1FF50];
	[tilespmem:$0x1FF90] =	vst v39;
	v39 =	vsel vm11, $0xFFFFFFFF, v53;
	vm14 =	vmor vm6, vm14;
	vm9 =	vnez.u8 v63  }
0x139: {  	v52 =	vld [tilespmem:$0x1FED0];
	vm11 =	vnez.u8 v42;
	[tilespmem:$0x1FFA0] =	vst v39;
	v39 =	vsel vm0, $0xFFFFFFFF, v55;
	vm0 =	vmor vm15, vm10  }
0x13a: {  	v61 =	vld [tilespmem:$0x1FF60];
	vm15 =	vmor vm4, vm5;
	vm10 =	vmor vm7, vm8;
	vm12 =	vmor vm9, vm2  }
0x13b: {  	v53 =	vld [tilespmem:$0x1FEE0];
	vm4 =	vnez.u8 v44;
	vm5 =	vnez.u8 v45;
	vm7 =	vnez.u8 v47  }
0x13c: {  	v55 =	vld [tilespmem:$0x1FF00];
	[tilespmem:$0x1FFB0] =	vst v39;
	v39 =	vsel vm13, $0xFFFFFFFF, v56;
	vm13 =	vnez.u8 v43;
	vm9 =	vmor vm5, vm4  }
0x13d: {  	vm6 =	vnez.u8 v46;
	vm4 =	vnez.u8 v50;
	v56 =	vld [tilespmem:$0x1FF10];
	[tilespmem:$0x1FFC0] =	vst v39;
	v39 =	vsel vm0, $0xFFFFFFFF, v58  }
0x13e: {  	vm8 =	vmor vm11, vm13;
	vm11 =	vnez.u8 v48;
	vm13 =	vnez.u8 v49;
	v58 =	vld [tilespmem:$0x1FF30]  }
0x13f: {  	v63 =	vld [tilespmem:$0x1FF70];
	vm5 =	vmor vm7, vm6;
	vm6 =	vnez.u8 v51;
	vm7 =	vmor vm13, vm11  }
0x140: {  	v42 =	vld [tilespmem:$0x1FF80];
	vm3 =	vmor vm4, vm6;
	vm11 =	vnez.u8 v52;
	vm13 =	vnez.u8 v53  }
0x141: {  	v43 =	vld [tilespmem:$0x1FF90];
	vm4 =	vnez.u8 v54;
	vm6 =	vmor vm11, vm13;
	vm11 =	vnez.u8 v55  }
0x142: {  	v44 =	vld [tilespmem:$0x1FFA0];
	vm4 =	vmor vm4, vm11;
	vm13 =	vnez.u8 v56;
	vm11 =	vnez.u8 v57  }
0x143: {  	vm2 =	vmor vm13, vm11;
	vm13 =	vnez.u8 v58;
	vm11 =	vnez.u8 v59  }
0x144: {  	vm0 =	vnez.u8 v60;
	vm1 =	vmor vm13, vm11;
	vm13 =	vnez.u8 v61  }
0x145: {  	v62 =	vimm.s32 $0x0;
	vm0 =	vmor vm0, vm13  }
0x146: {  	v46 =	vld [tilespmem:$0x1FFB0];
	[tilespmem:$0x1FFD0] =	vst v39;
	vm13 =	vnez.u8 v42;
	v39 =	vsel vm0, $0xFFFFFFFF, v62;
	vm0 =	vnez.u8 v63  }
0x147: {  	v47 =	vld [tilespmem:$0x1FFC0];
	vm11 =	vmor vm0, vm13;
	vm0 =	vnez.u8 v43;
	vm13 =	vnez.u8 v44  }
0x148: {  	v45 =	vimm.s32 $0x0;
	v48 =	vld [tilespmem:$0x1FFD0];
	vm0 =	vmor vm0, vm13  }
0x149: {  	[tilespmem:$0x1FFE0] =	vst v39;
	v39 =	vsel vm0, $0xFFFFFFFF, v45  }
0x14a: {  	v30 =	vmul.u32 $0x93, v30;
	vm10 =	vmor vm14, vm10;
	vm8 =	vmor vm12, vm8;
	v41 =	vld [tilespmem:$0x1FFE0];
	[tilespmem:$0x1FFF0] =	vst v39  }
0x14b: {  	vm5 =	vmor vm9, vm5;
	vm3 =	vmor vm3, vm7;
	vm10 =	vmor vm10, vm8;
	v50 =	vld [tilespmem:$0x1FFF0]  }
0x14c: {  	v40 =	vld [tilespmem:s2+$0x2200];
	vm4 =	vmor vm6, vm4;
	vm13 =	vnez.u8 v47;
	vm0 =	vnez.u8 v46  }
0x14d: {  	v49 =	vld [tilespmem:s2+$0x2300];
	vm1 =	vmor vm1, vm2;
	vm0 =	vmor vm13, vm0;
	vm13 =	vnez.u8 v48  }
0x14e: {  	vm3 =	vmor vm5, vm3;
	vm1 =	vmor vm4, vm1;
	vm15 =	vmor vm13, vm15  }
0x14f: {  	v51 =	vld [tilespmem:s2+$0x2400];
	vm1 =	vmor vm3, vm1;
	vm0 =	vmor vm15, vm0;
	vm12 =	vnez.u8 v41  }
0x150: {  	vm0 =	vmor vm10, vm0;
	vm4 =	vmor vm12, vm11;
	vm13 =	vnez.u8 v50  }
0x151: {  	v40 =	vadd.s32 $0xFFFFFFFF, v40;
	vm0 =	vmor vm0, vm1;
	vm2 =	vmor vm4, vm13  }
0x152: {  	vm14 =	veq.s32 v49, $0x0;
	vm15 =	veq.s32 v40, $0x1;
	vm0 =	vmor vm2, vm0  }
0x153: {  	v42 =	vcvt.s32.f32 v40;
	v52 =	vsel vm15, $0x3F800000, v3;
	vm0 =	vmand vm14, vm0  }
0x154: {  	[tilespmem:s2+$0xBA00] =	vst v40;
	v44 =	vadd.s32 $0x1, v30;
	v41 =	vadd.f32 v51, v52;
	vm0 =	vmneg vm0  }
0x155: {  	v53 =	vadd.s32 $0x2, v30;
	v45 =	vadd.f32 $-1.000000000e+00, v42;
	[tilespmem:s2+$0xB800] =	vst v52;
	vm0 =	vmor vm15, vm0  }
0x156: {  	v42 =	vsub.f32 $3.200000000e+01, v42;
	v46 =	vadd.s32 $0x3, v30;
	[tilespmem:s2+$0xBB00] =	vst v41;
	v43 =	vsel vm0, $0x1, v4  }
0x157: {  	v54 =	vadd.s32 $0x4, v30;
	v39 =	vmul.f32 $3.225806360e-02, v45;
	[tilespmem:s2+$0xB900] =	vst v43  }
0x158: {  	v55 =	vadd.s32 $0x5, v30;
	v40 =	vmul.f32 $3.225806360e-02, v42;
	[tilespmem:v30+s25+$0x0] =	vst.idx.msk $0xffff, v1  }
0x159: {  	v56 =	vadd.s32 $0x6, v30;
	[tilespmem:v44+s25+$0x0] =	vst.idx.msk $0xffff, v39  }
0x15a: {  	v57 =	vadd.s32 $0x7, v30;
	[tilespmem:v53+s25+$0x0] =	vst.idx.msk $0xffff, v40  }
0x15b: {  	v58 =	vadd.s32 $0x8, v30;
	[tilespmem:v46+s25+$0x0] =	vst.idx.msk $0xffff, v1  }
0x15c: {  	v59 =	vadd.s32 $0x9, v30;
	[tilespmem:v54+s25+$0x0] =	vst.idx.msk $0xffff, v39  }
0x15d: {  	v60 =	vadd.s32 $0xA, v30;
	[tilespmem:v55+s25+$0x0] =	vst.idx.msk $0xffff, v40  }
0x15e: {  	v61 =	vadd.s32 $0xB, v30;
	[tilespmem:v56+s25+$0x0] =	vst.idx.msk $0xffff, v27  }
0x15f: {  	v62 =	vadd.s32 $0xC, v30;
	[tilespmem:v57+s25+$0x0] =	vst.idx.msk $0xffff, v39  }
0x160: {  	v63 =	vadd.s32 $0xD, v30;
	[tilespmem:v58+s25+$0x0] =	vst.idx.msk $0xffff, v40  }
0x161: {  	v45 =	vadd.s32 $0xE, v30;
	[tilespmem:v59+s25+$0x0] =	vst.idx.msk $0xffff, v23  }
0x162: {  	v46 =	vadd.s32 $0xF, v30;
	[tilespmem:v60+s25+$0x0] =	vst.idx.msk $0xffff, v39  }
0x163: {  	v47 =	vadd.s32 $0x10, v30;
	[tilespmem:v61+s25+$0x0] =	vst.idx.msk $0xffff, v40  }
0x164: {  	v48 =	vadd.s32 $0x11, v30;
	[tilespmem:v62+s25+$0x0] =	vst.idx.msk $0xffff, v22  }
0x165: {  	v49 =	vadd.s32 $0x12, v30;
	[tilespmem:v63+s25+$0x0] =	vst.idx.msk $0xffff, v39  }
0x166: {  	v50 =	vadd.s32 $0x13, v30;
	[tilespmem:v45+s25+$0x0] =	vst.idx.msk $0xffff, v40  }
0x167: {  	v51 =	vadd.s32 $0x14, v30;
	[tilespmem:v46+s25+$0x0] =	vst.idx.msk $0xffff, v1  }
0x168: {  	v52 =	vadd.s32 $0x15, v30;
	[tilespmem:v47+s25+$0x0] =	vst.idx.msk $0xffff, v39  }
0x169: {  	v53 =	vadd.s32 $0x16, v30;
	[tilespmem:v48+s25+$0x0] =	vst.idx.msk $0xffff, v40  }
0x16a: {  	v54 =	vadd.s32 $0x17, v30;
	[tilespmem:v49+s25+$0x0] =	vst.idx.msk $0xffff, v1  }
0x16b: {  	v55 =	vadd.s32 $0x18, v30;
	[tilespmem:v50+s25+$0x0] =	vst.idx.msk $0xffff, v39  }
0x16c: {  	v56 =	vadd.s32 $0x19, v30;
	[tilespmem:v51+s25+$0x0] =	vst.idx.msk $0xffff, v40  }
0x16d: {  	v57 =	vadd.s32 $0x1A, v30;
	[tilespmem:v52+s25+$0x0] =	vst.idx.msk $0xffff, v1  }
0x16e: {  	v58 =	vadd.s32 $0x1B, v30;
	[tilespmem:v53+s25+$0x0] =	vst.idx.msk $0xffff, v39  }
0x16f: {  	v59 =	vadd.s32 $0x1C, v30;
	[tilespmem:v54+s25+$0x0] =	vst.idx.msk $0xffff, v40  }
0x170: {  	v60 =	vadd.s32 $0x1D, v30;
	[tilespmem:v55+s25+$0x0] =	vst.idx.msk $0xffff, v1  }
0x171: {  	v61 =	vadd.s32 $0x1E, v30;
	[tilespmem:v56+s25+$0x0] =	vst.idx.msk $0xffff, v39  }
0x172: {  	v62 =	vadd.s32 $0x1F, v30;
	[tilespmem:v57+s25+$0x0] =	vst.idx.msk $0xffff, v40  }
0x173: {  	v63 =	vadd.s32 $0x20, v30;
	[tilespmem:v58+s25+$0x0] =	vst.idx.msk $0xffff, v17  }
0x174: {  	v43 =	vadd.s32 $0x21, v30;
	[tilespmem:v59+s25+$0x0] =	vst.idx.msk $0xffff, v39  }
0x175: {  	v44 =	vadd.s32 $0x22, v30;
	[tilespmem:v60+s25+$0x0] =	vst.idx.msk $0xffff, v40  }
0x176: {  	v45 =	vadd.s32 $0x23, v30;
	[tilespmem:v61+s25+$0x0] =	vst.idx.msk $0xffff, v25  }
0x177: {  	v46 =	vadd.s32 $0x24, v30;
	[tilespmem:v62+s25+$0x0] =	vst.idx.msk $0xffff, v39  }
0x178: {  	v47 =	vadd.s32 $0x25, v30;
	[tilespmem:v63+s25+$0x0] =	vst.idx.msk $0xffff, v40  }
0x179: {  	v48 =	vadd.s32 $0x26, v30;
	[tilespmem:v43+s25+$0x0] =	vst.idx.msk $0xffff, v16  }
0x17a: {  	v49 =	vadd.s32 $0x27, v30;
	[tilespmem:v44+s25+$0x0] =	vst.idx.msk $0xffff, v39  }
0x17b: {  	v50 =	vadd.s32 $0x28, v30;
	[tilespmem:v45+s25+$0x0] =	vst.idx.msk $0xffff, v40  }
0x17c: {  	v51 =	vadd.s32 $0x29, v30;
	[tilespmem:v46+s25+$0x0] =	vst.idx.msk $0xffff, v1  }
0x17d: {  	v52 =	vadd.s32 $0x2A, v30;
	[tilespmem:v47+s25+$0x0] =	vst.idx.msk $0xffff, v39  }
0x17e: {  	v53 =	vadd.s32 $0x2B, v30;
	[tilespmem:v48+s25+$0x0] =	vst.idx.msk $0xffff, v40  }
0x17f: {  	v54 =	vadd.s32 $0x2C, v30;
	[tilespmem:v49+s25+$0x0] =	vst.idx.msk $0xffff, v1  }
0x180: {  	v55 =	vadd.s32 $0x2D, v30;
	[tilespmem:v50+s25+$0x0] =	vst.idx.msk $0xffff, v39  }
0x181: {  	v56 =	vadd.s32 $0x2E, v30;
	[tilespmem:v51+s25+$0x0] =	vst.idx.msk $0xffff, v40  }
0x182: {  	v57 =	vadd.s32 $0x2F, v30;
	[tilespmem:v52+s25+$0x0] =	vst.idx.msk $0xffff, v14  }
0x183: {  	v58 =	vadd.s32 $0x30, v30;
	[tilespmem:v53+s25+$0x0] =	vst.idx.msk $0xffff, v39  }
0x184: {  	v59 =	vadd.s32 $0x31, v30;
	[tilespmem:v54+s25+$0x0] =	vst.idx.msk $0xffff, v40  }
0x185: {  	v60 =	vadd.s32 $0x32, v30;
	[tilespmem:v55+s25+$0x0] =	vst.idx.msk $0xffff, v24  }
0x186: {  	v61 =	vadd.s32 $0x33, v30;
	[tilespmem:v56+s25+$0x0] =	vst.idx.msk $0xffff, v39  }
0x187: {  	v62 =	vadd.s32 $0x34, v30;
	[tilespmem:v57+s25+$0x0] =	vst.idx.msk $0xffff, v40  }
0x188: {  	v63 =	vadd.s32 $0x35, v30;
	[tilespmem:v58+s25+$0x0] =	vst.idx.msk $0xffff, v10  }
0x189: {  	v24 =	vadd.s32 $0x36, v30;
	[tilespmem:v59+s25+$0x0] =	vst.idx.msk $0xffff, v39  }
0x18a: {  	v25 =	vadd.s32 $0x37, v30;
	[tilespmem:v60+s25+$0x0] =	vst.idx.msk $0xffff, v40  }
0x18b: {  	v27 =	vadd.s32 $0x38, v30;
	[tilespmem:v61+s25+$0x0] =	vst.idx.msk $0xffff, v28  }
0x18c: {  	v28 =	vadd.s32 $0x39, v30;
	[tilespmem:v62+s25+$0x0] =	vst.idx.msk $0xffff, v39  }
0x18d: {  	v41 =	vadd.s32 $0x3A, v30;
	[tilespmem:v63+s25+$0x0] =	vst.idx.msk $0xffff, v40  }
0x18e: {  	v42 =	vadd.s32 $0x3B, v30;
	[tilespmem:v24+s25+$0x0] =	vst.idx.msk $0xffff, v8  }
0x18f: {  	v43 =	vadd.s32 $0x3C, v30;
	[tilespmem:v25+s25+$0x0] =	vst.idx.msk $0xffff, v39  }
0x190: {  	v44 =	vadd.s32 $0x3D, v30;
	[tilespmem:v27+s25+$0x0] =	vst.idx.msk $0xffff, v40  }
0x191: {  	v45 =	vadd.s32 $0x3E, v30;
	[tilespmem:v28+s25+$0x0] =	vst.idx.msk $0xffff, v38  }
0x192: {  	v46 =	vadd.s32 $0x3F, v30;
	[tilespmem:v41+s25+$0x0] =	vst.idx.msk $0xffff, v39  }
0x193: {  	v47 =	vadd.s32 $0x40, v30;
	[tilespmem:v42+s25+$0x0] =	vst.idx.msk $0xffff, v40  }
0x194: {  	v48 =	vadd.s32 $0x41, v30;
	[tilespmem:v43+s25+$0x0] =	vst.idx.msk $0xffff, v11  }
0x195: {  	v49 =	vadd.s32 $0x42, v30;
	[tilespmem:v44+s25+$0x0] =	vst.idx.msk $0xffff, v39  }
0x196: {  	v50 =	vadd.s32 $0x43, v30;
	[tilespmem:v45+s25+$0x0] =	vst.idx.msk $0xffff, v40  }
0x197: {  	v51 =	vadd.s32 $0x44, v30;
	[tilespmem:v46+s25+$0x0] =	vst.idx.msk $0xffff, v18  }
0x198: {  	v52 =	vadd.s32 $0x45, v30;
	[tilespmem:v47+s25+$0x0] =	vst.idx.msk $0xffff, v39  }
0x199: {  	v53 =	vadd.s32 $0x46, v30;
	[tilespmem:v48+s25+$0x0] =	vst.idx.msk $0xffff, v40  }
0x19a: {  	v54 =	vadd.s32 $0x47, v30;
	[tilespmem:v49+s25+$0x0] =	vst.idx.msk $0xffff, v19  }
0x19b: {  	v55 =	vadd.s32 $0x48, v30;
	[tilespmem:v50+s25+$0x0] =	vst.idx.msk $0xffff, v39  }
0x19c: {  	v56 =	vadd.s32 $0x49, v30;
	[tilespmem:v51+s25+$0x0] =	vst.idx.msk $0xffff, v40  }
0x19d: {  	[tilespmem:v52+s25+$0x0] =	vst.idx.msk $0xffff, v5;
	v5 =	vadd.s32 $0x4A, v30  }
0x19e: {  	v57 =	vadd.s32 $0x4B, v30;
	[tilespmem:v53+s25+$0x0] =	vst.idx.msk $0xffff, v39  }
0x19f: {  	v58 =	vadd.s32 $0x4C, v30;
	[tilespmem:v54+s25+$0x0] =	vst.idx.msk $0xffff, v40  }
0x1a0: {  	v59 =	vadd.s32 $0x4D, v30;
	[tilespmem:v55+s25+$0x0] =	vst.idx.msk $0xffff, v32  }
0x1a1: {  	v60 =	vadd.s32 $0x4E, v30;
	[tilespmem:v56+s25+$0x0] =	vst.idx.msk $0xffff, v39  }
0x1a2: {  	[tilespmem:v5+s25+$0x0] =	vst.idx.msk $0xffff, v40;
	v5 =	vadd.s32 $0x4F, v30  }
0x1a3: {  	v61 =	vadd.s32 $0x50, v30;
	[tilespmem:v57+s25+$0x0] =	vst.idx.msk $0xffff, v9  }
0x1a4: {  	v62 =	vadd.s32 $0x51, v30;
	[tilespmem:v58+s25+$0x0] =	vst.idx.msk $0xffff, v39  }
0x1a5: {  	v63 =	vadd.s32 $0x52, v30;
	[tilespmem:v59+s25+$0x0] =	vst.idx.msk $0xffff, v40  }
0x1a6: {  	v14 =	vadd.s32 $0x53, v30;
	[tilespmem:v60+s25+$0x0] =	vst.idx.msk $0xffff, v31  }
0x1a7: {  	[tilespmem:v5+s25+$0x0] =	vst.idx.msk $0xffff, v39;
	v5 =	vadd.s32 $0x54, v30  }
0x1a8: {  	v16 =	vadd.s32 $0x55, v30;
	[tilespmem:v61+s25+$0x0] =	vst.idx.msk $0xffff, v40  }
0x1a9: {  	v17 =	vadd.s32 $0x56, v30;
	[tilespmem:v62+s25+$0x0] =	vst.idx.msk $0xffff, v37  }
0x1aa: {  	v18 =	vadd.s32 $0x57, v30;
	[tilespmem:v63+s25+$0x0] =	vst.idx.msk $0xffff, v39  }
0x1ab: {  	v19 =	vadd.s32 $0x58, v30;
	[tilespmem:v14+s25+$0x0] =	vst.idx.msk $0xffff, v40  }
0x1ac: {  	[tilespmem:v5+s25+$0x0] =	vst.idx.msk $0xffff, v7;
	v5 =	vadd.s32 $0x59, v30  }
0x1ad: {  	v7 =	vadd.s32 $0x5A, v30;
	[tilespmem:v16+s25+$0x0] =	vst.idx.msk $0xffff, v39  }
0x1ae: {  	v22 =	vadd.s32 $0x5B, v30;
	[tilespmem:v17+s25+$0x0] =	vst.idx.msk $0xffff, v40  }
0x1af: {  	v23 =	vadd.s32 $0x5C, v30;
	[tilespmem:v18+s25+$0x0] =	vst.idx.msk $0xffff, v12  }
0x1b0: {  	v24 =	vadd.s32 $0x5D, v30;
	[tilespmem:v19+s25+$0x0] =	vst.idx.msk $0xffff, v39  }
0x1b1: {  	[tilespmem:v5+s25+$0x0] =	vst.idx.msk $0xffff, v40;
	v5 =	vadd.s32 $0x5E, v30  }
0x1b2: {  	[tilespmem:v7+s25+$0x0] =	vst.idx.msk $0xffff, v15;
	v7 =	vadd.s32 $0x5F, v30  }
0x1b3: {  	v25 =	vadd.s32 $0x60, v30;
	[tilespmem:v22+s25+$0x0] =	vst.idx.msk $0xffff, v39  }
0x1b4: {  	v27 =	vadd.s32 $0x61, v30;
	[tilespmem:v23+s25+$0x0] =	vst.idx.msk $0xffff, v40  }
0x1b5: {  	v28 =	vadd.s32 $0x62, v30;
	[tilespmem:v24+s25+$0x0] =	vst.idx.msk $0xffff, v20  }
0x1b6: {  	[tilespmem:v5+s25+$0x0] =	vst.idx.msk $0xffff, v39;
	v5 =	vadd.s32 $0x63, v30  }
0x1b7: {  	[tilespmem:v7+s25+$0x0] =	vst.idx.msk $0xffff, v40;
	v7 =	vadd.s32 $0x64, v30  }
0x1b8: {  	v31 =	vadd.s32 $0x65, v30;
	[tilespmem:v25+s25+$0x0] =	vst.idx.msk $0xffff, v26  }
0x1b9: {  	v32 =	vadd.s32 $0x66, v30;
	[tilespmem:v27+s25+$0x0] =	vst.idx.msk $0xffff, v39  }
0x1ba: {  	v37 =	vadd.s32 $0x67, v30;
	[tilespmem:v28+s25+$0x0] =	vst.idx.msk $0xffff, v40  }
0x1bb: {  	[tilespmem:v5+s25+$0x0] =	vst.idx.msk $0xffff, v21;
	v5 =	vadd.s32 $0x68, v30  }
0x1bc: {  	[tilespmem:v7+s25+$0x0] =	vst.idx.msk $0xffff, v39;
	v7 =	vadd.s32 $0x69, v30  }
0x1bd: {  	v38 =	vadd.s32 $0x6A, v30;
	[tilespmem:v31+s25+$0x0] =	vst.idx.msk $0xffff, v40  }
0x1be: {  	v41 =	vadd.s32 $0x6B, v30;
	[tilespmem:v32+s25+$0x0] =	vst.idx.msk $0xffff, v29  }
0x1bf: {  	v42 =	vadd.s32 $0x6C, v30;
	[tilespmem:v37+s25+$0x0] =	vst.idx.msk $0xffff, v39  }
0x1c0: {  	[tilespmem:v5+s25+$0x0] =	vst.idx.msk $0xffff, v40;
	v5 =	vadd.s32 $0x6D, v30  }
0x1c1: {  	[tilespmem:v7+s25+$0x0] =	vst.idx.msk $0xffff, v1;
	v7 =	vadd.s32 $0x6E, v30  }
0x1c2: {  	v43 =	vadd.s32 $0x6F, v30;
	[tilespmem:v38+s25+$0x0] =	vst.idx.msk $0xffff, v39  }
0x1c3: {  	v44 =	vadd.s32 $0x70, v30;
	[tilespmem:v41+s25+$0x0] =	vst.idx.msk $0xffff, v40  }
0x1c4: {  	v45 =	vadd.s32 $0x71, v30;
	[tilespmem:v42+s25+$0x0] =	vst.idx.msk $0xffff, v1  }
0x1c5: {  	[tilespmem:v5+s25+$0x0] =	vst.idx.msk $0xffff, v39;
	v5 =	vadd.s32 $0x72, v30  }
0x1c6: {  	[tilespmem:v7+s25+$0x0] =	vst.idx.msk $0xffff, v40;
	v7 =	vadd.s32 $0x73, v30  }
0x1c7: {  	v46 =	vadd.s32 $0x74, v30;
	[tilespmem:v43+s25+$0x0] =	vst.idx.msk $0xffff, v36  }
0x1c8: {  	v47 =	vadd.s32 $0x75, v30;
	[tilespmem:v44+s25+$0x0] =	vst.idx.msk $0xffff, v39  }
0x1c9: {  	v48 =	vadd.s32 $0x76, v30;
	[tilespmem:v45+s25+$0x0] =	vst.idx.msk $0xffff, v40  }
0x1ca: {  	[tilespmem:v5+s25+$0x0] =	vst.idx.msk $0xffff, v13;
	v5 =	vadd.s32 $0x77, v30  }
0x1cb: {  	[tilespmem:v7+s25+$0x0] =	vst.idx.msk $0xffff, v39;
	v7 =	vadd.s32 $0x78, v30  }
0x1cc: {  	v49 =	vadd.s32 $0x79, v30;
	[tilespmem:v46+s25+$0x0] =	vst.idx.msk $0xffff, v40  }
0x1cd: {  	v50 =	vadd.s32 $0x7A, v30;
	[tilespmem:v47+s25+$0x0] =	vst.idx.msk $0xffff, v33  }
0x1ce: {  	v51 =	vadd.s32 $0x7B, v30;
	[tilespmem:v48+s25+$0x0] =	vst.idx.msk $0xffff, v39  }
0x1cf: {  	[tilespmem:v5+s25+$0x0] =	vst.idx.msk $0xffff, v40;
	v5 =	vadd.s32 $0x7C, v30  }
0x1d0: {  	[tilespmem:v7+s25+$0x0] =	vst.idx.msk $0xffff, v1;
	v7 =	vadd.s32 $0x7D, v30  }
0x1d1: {  	v52 =	vadd.s32 $0x7E, v30;
	[tilespmem:v49+s25+$0x0] =	vst.idx.msk $0xffff, v39  }
0x1d2: {  	v53 =	vadd.s32 $0x7F, v30;
	v54 =	vand.u32 $0xFFFF, v30;
	[tilespmem:v50+s25+$0x0] =	vst.idx.msk $0xffff, v40  }
0x1d3: {  	v55 =	vadd.s32 $0x80, v54;
	[tilespmem:v51+s25+$0x0] =	vst.idx.msk $0xffff, v1  }
0x1d4: {  	[tilespmem:v5+s25+$0x0] =	vst.idx.msk $0xffff, v39;
	v5 =	vadd.s32 $0x81, v30  }
0x1d5: {  	[tilespmem:v7+s25+$0x0] =	vst.idx.msk $0xffff, v40;
	v7 =	vadd.s32 $0x82, v30  }
0x1d6: {  	v56 =	vadd.s32 $0x83, v30;
	[tilespmem:v52+s25+$0x0] =	vst.idx.msk $0xffff, v1  }
0x1d7: {  	v57 =	vadd.s32 $0x84, v30;
	[tilespmem:v53+s25+$0x0] =	vst.idx.msk $0xffff, v39  }
0x1d8: {  	v58 =	vadd.s32 $0x85, v30;
	[tilespmem:v55+s25+$0x0] =	vst.idx.msk $0xffff, v40  }
0x1d9: {  	[tilespmem:v5+s25+$0x0] =	vst.idx.msk $0xffff, v1;
	v5 =	vadd.s32 $0x86, v30  }
0x1da: {  	[tilespmem:v7+s25+$0x0] =	vst.idx.msk $0xffff, v39;
	v7 =	vadd.s32 $0x87, v30  }
0x1db: {  	v59 =	vadd.s32 $0x88, v30;
	[tilespmem:v56+s25+$0x0] =	vst.idx.msk $0xffff, v40  }
0x1dc: {  	v60 =	vadd.s32 $0x89, v30;
	[tilespmem:v57+s25+$0x0] =	vst.idx.msk $0xffff, v34  }
0x1dd: {  	v61 =	vadd.s32 $0x8A, v30;
	[tilespmem:v58+s25+$0x0] =	vst.idx.msk $0xffff, v39  }
0x1de: {  	[tilespmem:v5+s25+$0x0] =	vst.idx.msk $0xffff, v40;
	v5 =	vadd.s32 $0x8B, v30  }
0x1df: {  	[tilespmem:v7+s25+$0x0] =	vst.idx.msk $0xffff, v6;
	v6 =	vadd.s32 $0x8C, v30  }
0x1e0: {  	v7 =	vadd.s32 $0x8D, v30;
	[tilespmem:v59+s25+$0x0] =	vst.idx.msk $0xffff, v39  }
0x1e1: {  	v62 =	vadd.s32 $0x8E, v30;
	[tilespmem:v60+s25+$0x0] =	vst.idx.msk $0xffff, v40  }
0x1e2: {  	v63 =	vadd.s32 $0x8F, v30;
	[tilespmem:v61+s25+$0x0] =	vst.idx.msk $0xffff, v35  }
0x1e3: {  	[tilespmem:v5+s25+$0x0] =	vst.idx.msk $0xffff, v39;
	v5 =	vadd.s32 $0x90, v30  }
0x1e4: {  	[tilespmem:v6+s25+$0x0] =	vst.idx.msk $0xffff, v40;
	v6 =	vadd.s32 $0x91, v30  }
0x1e5: {  	p0 =	sne.s32 s18, $0x3C0;
	[tilespmem:v7+s25+$0x0] =	vst.idx.msk $0xffff, v1;
	v7 =	vadd.s32 $0x92, v30  }
.Ltmp0:
0x1e6: {  	[tilespmem:v62+s25+$0x0] =	vst.idx.msk $0xffff, v39;
	(pc) =	sbr.rel @p0 .LBB2_3-.Ltmp0, $4  }
0x1e7: {  	[tilespmem:v63+s25+$0x0] =	vst.idx.msk $0xffff, v40  }
0x1e8: {  	[tilespmem:v5+s25+$0x0] =	vst.idx.msk $0xffff, v1  }
0x1e9: {  	[tilespmem:v6+s25+$0x0] =	vst.idx.msk $0xffff, v39  }
0x1ea: {  	s16 =	sadd.s32 $0x10, s16;
	s18 =	sadd.s32 $0x40, s18;
	[tilespmem:v7+s25+$0x0] =	vst.idx.msk $0xffff, v40  }
0x1eb: {  	s2 =	smul.u32 $0x93, s13;
	_ =	sdelay $0x1  }
0x1ec: {  	s2 =	sshrl.u32 s2, $0x3  }
0x1ed: {  	s2 =	sadd.s32 s5, s2  }
0x1ee: {  	[hbm4b:s2+s9] =	stream.linear.scatter [tilespmem:s25], [sflag:$0x2], $0x9300, $0x38;
	[tilespmem:$0xBE00] =	vst v63  }
0x1ef: {  	s18 =	sadd.s32 s6, s4  }
0x1f0: {  	[hbm4b:s18+s9] =	stream.linear.scatter [tilespmem:s26], [sflag:$0x2], $0x100, $0x38;
	[tilespmem:$0xBE00] =	vst v63  }
0x1f1: {  	s13 =	sadd.s32 s14, s4  }
0x1f2: {  	[hbm4b:s13+s9] =	stream.linear.scatter [tilespmem:s28], [sflag:$0x2], $0x100, $0x38;
	[tilespmem:$0xBE00] =	vst v63  }
0x1f3: {  	s16 =	sadd.s32 s7, s4  }
0x1f4: {  	[hbm4b:s16+s9] =	stream.linear.scatter [tilespmem:s29], [sflag:$0x2], $0x100, $0x38;
	[tilespmem:$0xBE00] =	vst v63  }
0x1f5: {  	s18 =	sadd.s32 s8, s4  }
0x1f6: {  	[hbm4b:s18+s9] =	stream.linear.scatter [tilespmem:s30], [sflag:$0x2], $0x100, $0x38;
	[tilespmem:$0xBE00] =	vst v63  }
0x1f7: {  	_ =	swait.ge [sflag:s31], $0x9300  }
0x1f8: {  	[sflag:s31] =	ssyncset.done $0x0  }
0x1f9: {  	[sflag:s31] =	ssyncadd.s32 $0xFFFF6D00  }
0x1fa: {  	_ =	swait.ge [sflag:s31], $0x100  }
0x1fb: {  	[sflag:s31] =	ssyncset.done $0x0  }
0x1fc: {  	[sflag:s31] =	ssyncadd.s32 $0xFFFFFF00  }
0x1fd: {  	_ =	swait.ge [sflag:s31], $0x100  }
0x1fe: {  	[sflag:s31] =	ssyncset.done $0x0  }
0x1ff: {  	s10 =	sadd.s32 $0x1, s10;
	[sflag:s31] =	ssyncadd.s32 $0xFFFFFF00  }
0x200: {  	p0 =	sne.s32 s10, $0x8;
	_ =	swait.ge [sflag:s31], $0x100  }
.Ltmp1:
0x201: {  	[sflag:s31] =	ssyncset.done $0x0;
	(pc) =	sbr.rel @p0 .LBB2_2-.Ltmp1, $4  }
0x202: {  	[sflag:s31] =	ssyncadd.s32 $0xFFFFFF00  }
0x203: {  	_ =	swait.ge [sflag:s31], $0x100  }
0x204: {  	[sflag:s31] =	ssyncset.done $0x0  }
0x205: {  	[sflag:s31] =	ssyncadd.s32 $0xFFFFFF00  }
0x206: {  	s4 =	rddreg [dreg:$0xc]  }
0x207: {  	s2 =	rddreg [dreg:$0xb];
	s4 =	sadd.s32 $0x1, s4  }
0x208: {  	p0 =	sne.s32 s4, s2  }
.Ltmp2:
0x209: {  	_ = 	snop;
	(pc) =	sbr.rel @p0 .LBB2_1-.Ltmp2, $1  }
0x20a: {  	_ =	sdelay $0x3  }
0x20b: {  	_ =	sfence.sel $0x180000  }
0x20c: {  	[bflag:$0x0] =	sbarrier.arrive $0xFFFF  }
0x20d: {  	_ =	strace $0x90000047  }
0x20e: {  	s0 =	stileid.u32;
	[bflag:$0x2] =	sbarrier.arrive $0xFFFF  }
0x20f: {  	p0 =	sne.s32 s0, $0x0;
	s0 =	rddreg [dreg:$0x9]  }
0x210: {  	s0 =	sadd.s32 @!p0 $0x100000, s0  }
0x211: {  	[sflag:s0] =	ssyncadd.tile.s32 @!p0 $0x1;
	_ =	shalt  }
.Lfunc_end2:
_tile_overlayer_lowered:
.L_overlay_start_2:
0x212: {  	(tag) =	ssettag $0x2  }
0x213: {  	s0 =	rddreg [dreg:$0x0];
	s2 =	stileid.u32  }
0x214: {  	s1 =	rddreg [dreg:$0x1];
	p0 =	sne.s32 s2, $0x0  }
0x215: {  	s3 =	rddreg [dreg:$0x2];
	[bflag:$0x3] =	sbarrier.arrive $0xFFFF;
	s2 =	simm.s32 @!p0 $0x1C03  }
0x216: {  	[timem:s3], [sflag:s2] =	dma.local @!p0 [hbm:s0], s1  }
0x217: {  	s0 =	simm.s32 @!p0 $0x3  }
0x218: {  	_ =	swait.ge @!p0 [sflag:s0], s1  }
0x219: {  	s1 =	ssub.s32 @!p0 $0x0, s1;
	[sflag:s0] =	ssyncset.done @!p0 $0x0  }
0x21a: {  	[sflag:s0] =	ssyncadd.s32 @!p0 s1  }
0x21b: {  	[bflag:$0x3] =	sbarrier.arrive $0xFFFF  }
0x21c: {  	_ =	shalt  }

// kernel: sparse-core-data-format-call.cloned.1.call-start
scs
called_computation_lowered:
.L_overlay_start_0:
0x0: {  	s2 =	sld [smem:$0x3FD9]  }
0x1: {  	s3 =	sld [smem:$0x3FFE];
	_ =	sdelay $0x1  }
0x2: {  	s1 =	srdreg.scid  }
0x3: {  	s0 =	sand.u32 $0x1, s1  }
0x4: {  	s15 =	sshll.u32 s0, $0xA;
	s2 =	sadd.s32 s3, s2  }
0x5: {  	s2 =	sadd.s32 s2, s15  }
0x6: {  	[smem:$0x3FC3] =	sst s2  }
0x7: {  	_ = 	snop  }
0x8: {  	s2 =	sld [smem:$0x3FD0];
	_ =	sdelay $0x2  }
0x9: {  	s16 =	simm.s32 $0xA;
	s4 =	simm.s32 $0x10  }
0xa: {  	[smem:s4], [sflag:s16] =	dma.local [hbm:s2], $0x1  }
0xb: {  	_ =	swait.eq [sflag:s16], $0x1  }
0xc: {  	[sflag:s16] =	ssyncset.done $0x0  }
0xd: {  	[sflag:s16] =	ssyncadd.s32 $0xFFFFFFFF  }
0xe: {  	s17 =	sld [smem:$0x11];
	(tm) =	ssettm $0x1  }
0xf: {  	s18 =	sld [smem:$0x3FFB];
	_ =	sdelay $0x3  }
0x10: {  	_ =	strace s18  }
0x11: {  	s3 =	sld [smem:$0x3FFC];
	_ =	sdelay $0x3  }
0x12: {  	_ =	strace s3  }
0x13: {  	s3 =	sld [smem:$0x3FFD];
	_ =	sdelay $0x3  }
0x14: {  	_ =	strace s3  }
0x15: {  	_ =	strace $0x8FFFFFFF  }
0x16: {  	s19 =	sld [smem:$0x3FDB];
	_ =	sdelay $0x1  }
0x17: {  	s20 =	simm.s32 $_scs_section_size  }
0x18: {  	s5 =	simm.s32 $_size__tile_overlayer_lowered;
	s6 =	simm.s32 $_tile_overlayer_lowered  }
0x19: {  	s23 =	simm.s32 $0x1BFF;
	s22 =	sshll.u32 s6, $0x1;
	s3 =	sadd.s32 s20, s19  }
0x1a: {  	s7 =	simm.s32 $0x0;
	s21 =	sshll.u32 s5, $0x1;
	s5 =	sadd.s32 s22, s3  }
0x1b: {  	[timem:s7], [sflag:s23] =	dma.local [hbm:s5], s21  }
0x1c: {  	_ =	swait.ge [sflag:s23], s21  }
0x1d: {  	s4 =	ssub.s32 $0x0, s21;
	[sflag:s23] =	ssyncset.done $0x0  }
0x1e: {  	[sflag:s23] =	ssyncadd.s32 s4;
	_ =	sdelay $0x1  }
0x1f: {  	s24 =	simm.s32 $0x1B8B  }
0x20: {  	_ =	swait.ge [sflag:s24], $0x1  }
0x21: {  	[sflag:s24] =	ssyncset.done $0x0  }
0x22: {  	s26 =	simm.s32 $0x1B8E;
	s25 =	sld [smem:$0x3FFE];
	[sflag:s24] =	ssyncadd.s32 $0xFFFFFFFF  }
0x23: {  	s27 =	simm.s32 $execute0_lowered;
	[smem:$0x3FD2] =	sst s26  }
0x24: {  	s5 =	sshll.u32 s27, $0x1;
	_ =	strace $0x80000049;
	[dreg:$0x1] =	wrdreg $0xFFFFFFFF  }
0x25: {  	s28 =	simm.s32 $_size_execute0_lowered;
	s3 =	sadd.s32 s3, s5;
	[dreg:$0x0] =	wrdreg $0x0  }
0x26: {  	s5 =	sshll.u32 s28, $0x1;
	[dreg:$0x2] =	wrdreg s3  }
0x27: {  	[dreg:$0x3] =	wrdreg s5  }
0x28: {  	[dreg:$0x4] =	wrdreg $0xC0  }
0x29: {  	_ =	task [dreg:s7], $0x5FFFF  }
0x2a: {  	[dreg:$0x1] =	wrdreg $0xFFFFFFFF  }
0x2b: {  	[dreg:$0x0] =	wrdreg $0x60  }
0x2c: {  	[dreg:$0x2] =	wrdreg s25  }
0x2d: {  	[dreg:$0x3] =	wrdreg s17  }
0x2e: {  	[dreg:$0x4] =	wrdreg $0x9  }
0x2f: {  	_ =	task.clear_ibuf [dreg:s7], $0x5FFFF;
	_ =	strace $0x90000049  }
0x30: {  	s29 =	simm.s32 $0x9;
	_ =	strace $0x8000004B  }
0x31: {  	_ =	swait.ge [sflag:s29], $0x1  }
0x32: {  	[sflag:s29] =	ssyncadd.s32 $0xFFFFFFFF  }
0x33: {  	_ =	strace $0x9000004B  }
0x34: {  	_ =	sfence  }
0x35: {  	s30 =	sld [smem:$0x0];
	_ =	sdelay $0x2  }
0x36: {  	s31 =	sshll.u32 s1, $0xD;
	s1 =	sshrl.u32 s1, $0x2  }
0x37: {  	s3 =	sand.u32 $0x4000, s31;
	s1 =	sadd.s32 s1, s30  }
0x38: {  	s0 =	sor.u32 s3, s0;
	s1 =	sshll.u32 s1, $0x11  }
0x39: {  	s0 =	sor.u32 s1, s0  }
0x3a: {  	s0 =	sadd.s32 $0x8F2B, s0  }
0x3b: {  	[sflag:s0] =	ssyncadd.remote.s32 $0x1  }
0x3c: {  	_ =	sfence.sel $0xFFFF  }
0x3d: {  	[dreg:$0x0] =	wrdreg $0xFFFFFFFF;
	(pc) =	sbr.abs _section_cstart, $3  }
0x3e: {  	[dreg:$0x1] =	wrdreg $0xFFFFFFFF  }
0x3f: {  	_ =	task.clear_ibuf [dreg:s7], $0x2FFFF;
	_ =	strace $0x9FFFFFFF  }
0x40: {  	(tm) =	ssettm $0x7FFFFFFF  }
0x41: {  	_ =	shalt  }
tec
execute0_lowered:
.L_overlay_start_1:
0x0: {  	(tag) =	ssettag $0x1  }
0x1: {  	s0 =	srdreg.scid;
	s6 =	rddreg [dreg:$0x0]  }
0x2: {  	s3 =	rddreg [dreg:$0x1];
	s1 =	sshll.u32 s0, $0x4  }
0x3: {  	s5 =	simm.s32 $0x1;
	s0 =	stileid.u32;
	s1 =	sand.u32 $0x10, s1  }
0x4: {  	s31 =	simm.s32 $0x2;
	s16 =	simm.s32 $0x0;
	s1 =	sor.u32 s0, s1  }
0x5: {  	s8 =	simm.s32 $0x80000;
	s18 =	simm.s32 $0x0;
	s2 =	sshll.u32 s1, $0x7  }
0x6: {  	s17 =	simm.s32 $0x0;
	s9 =	simm.s32 $0x0;
	s4 =	ssub.s32 $0x10000, s2  }
0x7: {  	s10 =	simm.s32 $0x0;
	s11 =	simm.s32 $0x0;
	s30 =	sand.u32 $0xF80, s4  }
0x8: {  	s12 =	simm.s32 $0x0;
	s13 =	simm.s32 $0x0;
	p0 =	sne.s32 s30, $0x0  }
.Ltmp0:
0x9: {  	s7 =	sshrl.u32 s4, $0xC;
	s5 =	simm.s32 @!p0 $0x0;
	(pc) =	sbr.rel .LBB1_1-.Ltmp0, $4  }
0xa: {  	s15 =	simm.s32 $0x0;
	s1 =	rddreg [dreg:$0x2];
	s5 =	sadd.s32 s5, s7  }
0xb: {  	_ =	strace $0x8000004A;
	s4 =	simm.s32 $0x1;
	s5 =	smul.u32 $0x31, s5  }
0xc: {  	s6 =	sadd.s32 $0x47400, s6;
	s14 =	smov.u32 s2;
	[sflag:s4] =	ssyncpa.u1 $0x0  }
0xd: {  	[sflag:s31] =	ssyncpa.u1 $0x0;
	p0 =	por $0x0, $0x0;
	s7 =	sadd.s32 $0x1, s5  }
.LBB1_4:
0xe: {  	s21 =	sand.u32 $0x78, s11;
	s22 =	sshll.u32 s11, $0x3  }
0xf: {  	p1 =	sgt.s32 s9, $0x7;
	s23 =	smov.u32 s9;
	s24 =	sshra.s32 s9, $0x1F  }
0x10: {  	s25 =	smov.u32 s10;
	s26 =	sshra.s32 s11, $0x1F;
	s28 =	sshll.u32 s9, $0x7  }
0x11: {  	s29 =	sshra.s32 s10, $0x1F;
	s22 =	sand.u32 $0xFC00, s22;
	s23 =	simm.s32 @!p1 $0x7  }
0x12: {  	p1 =	sgt.s32 s10, $0x6;
	s24 =	sand.u32 s24, s9;
	s27 =	sand.u32 s26, s11  }
0x13: {  	s26 =	sand.u32 $0x380, s28;
	s21 =	sor.u32 s21, s22;
	s25 =	simm.s32 @!p1 $0x6  }
0x14: {  	s31 =	ssub.s32 s23, s24;
	p1 =	sgt.s32 s11, $0xFF80;
	s24 =	smov.u32 s11  }
0x15: {  	s23 =	sadd.s32 $0xFFFFFFF9, s31;
	s24 =	simm.s32 @!p1 $0xFF80;
	s22 =	ssub.s32 $0x8, s31  }
0x16: {  	p1 =	sgt.s32 s23, $0x0;
	s23 =	ssub.s32 s24, s27;
	s24 =	sand.u32 s29, s10  }
0x17: {  	s24 =	ssub.s32 s25, s24;
	s22 =	simm.s32 @p1 $0x0;
	s30 =	sadd.s32 $0xFFFF0080, s23  }
0x18: {  	s23 =	ssub.s32 $0x10000, s23;
	p1 =	sgt.s32 s30, $0x7F;
	s31 =	ssub.s32 $0x7, s24  }
0x19: {  	s24 =	sadd.s32 $0xFFFFFFFA, s24;
	s25 =	smul.u32 $0x3, s31;
	s23 =	simm.s32 @p1 $0x0  }
0x1a: {  	s21 =	sor.u32 s26, s21;
	p1 =	sgt.s32 s24, $0x0;
	s22 =	smul.u32 s23, s22  }
0x1b: {  	s26 =	smul.u32 $0x30000, s10;
	s27 =	sand.u32 $0xE000, s11;
	s25 =	simm.s32 @p1 $0x0  }
0x1c: {  	s28 =	sand.u32 $0x7, s11;
	s24 =	sadd.s32 s3, s27;
	s22 =	smul.u32 s25, s22  }
0x1d: {  	s21 =	sshrl.u32 s21, $0x3;
	s29 =	sshll.u32 s28, $0x12;
	s23 =	sadd.s32 s26, s24  }
0x1e: {  	[tilespmem:s20+$0x0 ss:$0x81] =	vst.msk $0xffff, v0;
	s31 =	sor.u32 $0x80, s29;
	s21 =	sadd.s32 s21, s23;
	s30 =	sand.u32 $0x3FFFFFFF, s22  }
0x1f: {  	[hbm4b:s21+s31] =	stream.strided.scatter [tilespmem:s19], [sflag:$0x2], s30, s8, s31, $0x20;
	[tilespmem:$0x4040] =	vst v63  }
.LBB1_5:
0x20: {  	p1 =	slt.u32 s15, $0x2;
	s19 =	smov.u32 s18  }
0x21: {  	p2 =	sgt.s32 @!p1 s18, $0x6;
	s20 =	sshra.s32 @!p1 s18, $0x1F;
	s21 =	sshra.s32 @!p1 s16, $0x1F  }
0x22: {  	p2 =	por !p2, p1;
	s18 =	sand.u32 @!p1 s20, s18;
	s20 =	smov.u32 s16  }
0x23: {  	s19 =	simm.s32 @p2 $0x6;
	p2 =	sgt.s32 @!p1 s16, $0x7;
	s16 =	sand.u32 @!p1 s21, s16  }
0x24: {  	s21 =	sshra.s32 @!p1 s17, $0x1F;
	s18 =	ssub.s32 @!p1 s19, s18;
	p2 =	por !p2, p1  }
0x25: {  	s19 =	sadd.s32 @!p1 $0xFFFFFFFA, s18;
	s20 =	simm.s32 @p2 $0x7;
	p2 =	sgt.s32 @!p1 s17, $0xFF80  }
0x26: {  	s16 =	ssub.s32 @!p1 s20, s16;
	p2 =	por !p2, p1;
	s20 =	smov.u32 s17  }
0x27: {  	s17 =	sand.u32 @!p1 s21, s17;
	s21 =	sadd.s32 @!p1 $0xFFFFFFF9, s16;
	s20 =	simm.s32 @p2 $0xFF80  }
0x28: {  	p2 =	sgt.s32 @!p1 s19, $0x0;
	p3 =	sgt.s32 @!p1 s21, $0x0;
	s17 =	ssub.s32 @!p1 s20, s17  }
0x29: {  	s16 =	ssub.s32 @!p1 $0x8, s16;
	p3 =	por !p3, p1;
	s19 =	sadd.s32 @!p1 $0xFFFF0080, s17  }
0x2a: {  	s16 =	simm.s32 @!p3 $0x0;
	p3 =	sgt.s32 @!p1 s19, $0x7F  }
0x2b: {  	s17 =	ssub.s32 @!p1 $0x10000, s17;
	p3 =	por !p3, p1  }
0x2c: {  	s18 =	ssub.s32 @!p1 $0x7, s18;
	s19 =	sadd.s32 $0x1, s12;
	s17 =	simm.s32 @!p3 $0x0  }
0x2d: {  	p3 =	sgt.s32 s19, $0x6;
	s16 =	smul.u32 @!p1 s17, s16;
	s17 =	simm.s32 $0x1  }
0x2e: {  	p0 =	por !p0, !p0;
	s18 =	smul.u32 @!p1 $0x3, s18;
	s17 =	simm.s32 @!p3 $0x0  }
0x2f: {  	p2 =	por !p2, p1;
	s21 =	smov.u32 s14;
	s20 =	sadd.s32 s17, s13  }
0x30: {  	s18 =	simm.s32 @!p2 $0x0;
	s17 =	sadd.s32 $0x1000, s14;
	p2 =	sgt.s32 s20, $0x6  }
0x31: {  	s22 =	simm.s32 @!p1 $0x2;
	s19 =	simm.s32 @p3 $0x0;
	s21 =	smov.u32 @p2 s17  }
0x32: {  	s16 =	smul.u32 @!p1 s18, s16;
	s20 =	simm.s32 @p2 $0x0;
	p2 =	sgt.s32 s21, $0xFFFF  }
0x33: {  	s18 =	smov.u32 s10;
	s21 =	smov.u32 @p2 s2;
	p2 =	sne.s32 s15, s7  }
.Ltmp1:
0x34: {  	s10 =	smov.u32 s13;
	s16 =	sand.u32 @!p1 $0x3FFFFFFF, s16;
	(pc) =	sbr.rel @!p2 .LBB1_6-.Ltmp1, $4  }
0x35: {  	s17 =	smov.u32 s11;
	s11 =	smov.u32 s14;
	_ =	swait.ge @!p1 [sflag:s22], s16  }
0x36: {  	s23 =	ssub.s32 @!p1 $0x0, s16;
	s16 =	smov.u32 s9;
	s9 =	smov.u32 s12  }
0x37: {  	s12 =	smov.u32 s19;
	s13 =	smov.u32 s20;
	[sflag:s22] =	ssyncset.done @!p1 $0x0  }
0x38: {  	s15 =	sadd.s32 $0x1, s15;
	[sflag:s22] =	ssyncadd.s32 @!p1 s23;
	s14 =	smov.u32 s21  }
.LBB1_1:
0x39: {  	p1 =	sge.u32 s15, s5  }
0x3a: {  	s20 =	smul.u32 @!p1 $0x380, s14  }
0x3b: {  	s31 =	sadd.s32 $0xFFFFFFFF, s15;
	s19 =	sxor.u32 @!p1 $0xFFFFFFFF, s15;
	s21 =	sshll.u32 @!p1 s13, $0x7  }
0x3c: {  	s22 =	sshll.u32 @!p1 s12, $0x4;
	s19 =	sshll.u32 @!p1 s19, $0xC;
	s20 =	sadd.s32 @!p1 s6, s20  }
0x3d: {  	s22 =	sand.u32 @!p1 $0x70, s22;
	s19 =	sand.u32 @!p1 $0x1000, s19;
	s20 =	sadd.s32 @!p1 s21, s20  }
0x3e: {  	s21 =	simm.s32 @!p1 $0x20;
	s20 =	sadd.s32 @!p1 s22, s20;
	s22 =	simm.s32 @!p1 $0x1C00  }
0x3f: {  	[tilespmem:s19], [sflag:$0x1] =	stream.strided.gather @!p1 [hbm4b:s20+s21], $0x1000, s22, s21, $0x38;
	[tilespmem:$0x4040] =	vst v63  }
0x40: {  	p1 =	sge.u32 s31, s5  }
.Ltmp2:
0x41: {  	_ = 	snop;
	(pc) =	sbr.rel @p1 .LBB1_5-.Ltmp2, $1  }
0x42: {  	_ =	sdelay $0x3  }
0x43: {  	s19 =	simm.s32 $0x1  }
0x44: {  	_ =	swait.ge [sflag:s4], $0x1000;
	s19 =	simm.s32 @!p0 $0x0  }
0x45: {  	[sflag:s4] =	ssyncset.done $0x0;
	s20 =	sshll.u32 s19, $0xC  }
0x46: {  	[sflag:s4] =	ssyncadd.s32 $0xFFFFF000;
	s23 =	sor.u32 $0x10, s20  }
0x47: {  	s19 =	smul.u32 $0x4080, s19;
	v1 =	vld [tilespmem:s23+$0x0]  }
0x48: {  	s30 =	sand.u32 $0x1, s15;
	v0 =	vld [tilespmem:s23+$0xFFFFFFF0]  }
0x49: {  	s20 =	smul.u32 $0x4080, s30;
	s19 =	sshrl.u32 s19, $0x2  }
0x4a: {  	s21 =	sor.u32 $0x2000, s19  }
0x4b: {  	s31 =	sshrl.u32 s20, $0x2;
	s20 =	sadd.s32 $0x0, s21  }
0x4c: {  	s22 =	simm.s32 $0x4;
	s23 =	sadd.s32 $0x20, s23;
	s19 =	sor.u32 $0x2000, s31;
	[tilespmem:s20+$0x810 ss:$0x81] =	vst.msk $0xffff, v1  }
.LBB1_3:
0x4d: {  	v1 =	vld [tilespmem:s23+$0x0];
	p1 =	sne.s32 s22, $0x1FC;
	[tilespmem:s20+$0x0 ss:$0x81] =	vst.msk $0xffff, v0;
	s20 =	smov.u32 s22;
	s22 =	sadd.s32 $0x4, s22  }
.Ltmp3:
0x4e: {  	v0 =	vld [tilespmem:s23+$0xFFFFFFF0];
	(pc) =	sbr.rel @p1 .LBB1_3-.Ltmp3, $4  }
0x4f: {  	_ = 	snop  }
0x50: {  	s20 =	sshra.s32 s20, $0x2  }
0x51: {  	s20 =	sadd.s32 s20, s21  }
0x52: {  	s23 =	sadd.s32 $0x20, s23;
	[tilespmem:s20+$0x810 ss:$0x81] =	vst.msk $0xffff, v1  }
.Ltmp4:
0x53: {  	_ = 	snop;
	(pc) =	sbr.rel .LBB1_4-.Ltmp4, $1  }
0x54: {  	_ =	sdelay $0x3  }
.LBB1_6:
0x55: {  	_ =	sfence.sel $0x180000  }
0x56: {  	s2 =	simm.s32 $0x1;
	[bflag:$0x0] =	sbarrier.arrive $0xFFFF  }
0x57: {  	s31 =	simm.s32 $0x2;
	[sflag:s2] =	ssyncpa.u1 $0x1  }
0x58: {  	[sflag:s31] =	ssyncpa.u1 $0x1  }
0x59: {  	p0 =	sne.s32 s0, $0x0;
	_ =	strace $0x9000004A  }
0x5a: {  	s0 =	sadd.s32 @!p0 $0x100000, s1;
	[bflag:$0x2] =	sbarrier.arrive $0xFFFF  }
0x5b: {  	[sflag:s0] =	ssyncadd.tile.s32 @!p0 $0x1;
	_ =	shalt  }
.Lfunc_end1:
_tile_overlayer_lowered:
.L_overlay_start_2:
0x5c: {  	(tag) =	ssettag $0x2  }
0x5d: {  	s0 =	rddreg [dreg:$0x0];
	s2 =	stileid.u32  }
0x5e: {  	s1 =	rddreg [dreg:$0x1];
	p0 =	sne.s32 s2, $0x0  }
0x5f: {  	s3 =	rddreg [dreg:$0x2];
	[bflag:$0x3] =	sbarrier.arrive $0xFFFF;
	s2 =	simm.s32 @!p0 $0x1C01  }
0x60: {  	[timem:s3], [sflag:s2] =	dma.local @!p0 [hbm:s0], s1  }
0x61: {  	s0 =	simm.s32 @!p0 $0x1  }
0x62: {  	_ =	swait.ge @!p0 [sflag:s0], s1  }
0x63: {  	s1 =	ssub.s32 @!p0 $0x0, s1;
	[sflag:s0] =	ssyncset.done @!p0 $0x0  }
0x64: {  	[sflag:s0] =	ssyncadd.s32 @!p0 s1  }
0x65: {  	[bflag:$0x3] =	sbarrier.arrive $0xFFFF  }
0x66: {  	_ =	shalt  }

</sc_bundles>
